<compile_context>
chip_gen: v7x
topology: tpu7x:2x2x1
jax: 0.10.2.dev20260603
libtpu: 0.0.44.dev20260713+nightly
codegen_flags: <defaults>
</compile_context>

<pallas_src>
import functools
import math

import jax
import jax.numpy as jnp
from jax import lax
from jax.experimental import pallas as pl
from jax.experimental.pallas import tpu as pltpu
from jax.experimental.pallas import tpu_sc as plsc

D = 64
LANES = 16
SCALE = math.sqrt(D)
R0 = 4096
BBLK = 128
NBUF = 4


@functools.lru_cache(maxsize=None)
def _build(batch, seq, vocab):
    info = plsc.get_sparse_core_info()
    nc, ns = info.num_cores, info.num_subcores
    nw = nc * ns
    assert batch == nw * BBLK and seq % NBUF == 0

    def p0_body(t_ref, o_ref):
        ident8 = SCALE * jnp.eye(D, dtype=jnp.float32)
        o_ref[:, :D] = lax.dot_general(
            t_ref[...], ident8, (((0,), (0,)), ((), ())),
            preferred_element_type=jnp.float32)

    p0 = pl.pallas_call(
        p0_body,
        grid=(math.ceil(vocab / R0),),
        in_specs=[pl.BlockSpec((D, R0), lambda i: (0, i))],
        out_specs=pl.BlockSpec((R0, 128), lambda i: (i, 0)),
        out_shape=jax.ShapeDtypeStruct((vocab, 128), jnp.float32),
    )

    mesh = plsc.VectorSubcoreMesh(core_axis_name="c", subcore_axis_name="s")

    @functools.partial(
        pl.kernel,
        mesh=mesh,
        out_type=jax.ShapeDtypeStruct((seq, D, batch), jnp.float32),
        scratch_types=[
            pltpu.VMEM((seq, BBLK), jnp.int32),
            [pltpu.VMEM((BBLK, 128), jnp.float32)] * NBUF,
            [pltpu.VMEM((D, BBLK), jnp.float32)] * 2,
            [pltpu.SemaphoreType.DMA] * NBUF,
            [pltpu.SemaphoreType.DMA] * 2,
        ],
        compiler_params=pltpu.CompilerParams(use_tc_tiling_on_sc=True,
                                             needs_layout_passes=False),
    )
    def p1(scr_hbm, ttT_hbm, outT_hbm, idxv, gbs, obs, gsems, osems):
        wid = lax.axis_index("s") * nc + lax.axis_index("c")
        b0 = wid * BBLK
        rowvecs = [lax.iota(jnp.int32, LANES) + (LANES * k)
                   for k in range(BBLK // LANES)]

        def gather_start(s, gb, gsem):
            pltpu.async_copy(scr_hbm.at[idxv.at[s]], gb, gsem)

        def gather_wait(gb, gsem):
            pltpu.make_async_copy(scr_hbm.at[idxv.at[0]], gb, gsem).wait()

        def out_start(s, ob, osem):
            pltpu.async_copy(ob, outT_hbm.at[s, :, pl.ds(b0, BBLK)], osem)

        def out_wait(ob, osem):
            pltpu.make_async_copy(ob, outT_hbm.at[0, :, pl.ds(b0, BBLK)],
                                  osem).wait()

        def transpose(gb, ob):
            @plsc.parallel_loop(0, D, unroll=32)
            def drow(d):
                cols = jnp.full((LANES,), d, jnp.int32)
                for k in range(BBLK // LANES):
                    ob[d, pl.ds(LANES * k, LANES)] = plsc.load_gather(
                        gb, [rowvecs[k], cols])

        pltpu.sync_copy(ttT_hbm.at[:, pl.ds(b0, BBLK)], idxv)
        gather_start(0, gbs[0], gsems[0])
        gather_start(1, gbs[1], gsems[1])
        gather_start(2, gbs[2], gsems[2])

        def qloop(q, carry):
            for j in range(NBUF):
                s = q * NBUF + j
                gather_wait(gbs[j], gsems[j])

                @pl.when(s + 3 < seq)
                def _():
                    gather_start(s + 3, gbs[(j + 3) % NBUF],
                                 gsems[(j + 3) % NBUF])

                @pl.when(s >= 2)
                def _():
                    out_wait(obs[j % 2], osems[j % 2])

                transpose(gbs[j], obs[j % 2])
                out_start(s, obs[j % 2], osems[j % 2])
            return carry

        lax.fori_loop(0, seq // NBUF, qloop, 0)
        out_wait(obs[0], osems[0])
        out_wait(obs[1], osems[1])

    def run(text, table):
        scr = p0(table.T)
        outT = p1(scr, text.T)
        return outT.transpose(2, 0, 1)

    return run


def kernel(text, table):
    return _build(text.shape[0], text.shape[1], table.shape[0])(text, table)

# --- scband reference (transcript-rebuilt; emitter-appended) ---
"""Pipeline reference for scband-embed-prenet-8349416423971 (READ-ONLY COPY).

The authoritative reference and input builder live on the scoring server;
editing this copy changes nothing except your own understanding.
"""

import jax, jax.numpy as jnp
import numpy as np
import math

VOCAB = 1000000
EMBED_DIM = 64
BATCH = 4096
SEQ = 200
PADDING_IDX = 0


def setup_inputs(seed: int = 0) -> dict:
    key = jax.random.key(seed)
    k1, k2 = jax.random.split(key)
    text = jax.random.randint(k1, (BATCH, SEQ), 0, VOCAB)
    table = jax.random.normal(k2, (VOCAB, EMBED_DIM), dtype=jnp.float32)
    # padding_idx row is initialized to zeros in torch.nn.Embedding
    table = table.at[PADDING_IDX].set(0.0)
    return {"text": text, "table": table}


def reference(text, table):
    # embedding lookup + Transformer-style scaling (scale=True)
    emb = jnp.take(table, text, axis=0)
    return emb * math.sqrt(EMBED_DIM)

if __name__ == "__main__":
    import jax
    _d = setup_inputs()
    print(jax.jit(kernel)(*tuple(_d.values())))

</pallas_src>

<mosaic_0001>
#map = affine_map<(d0, d1) -> (0, 0)>
#map1 = affine_map<(d0, d1) -> (0, 0, 0)>
module attributes {stable_mosaic.version = 14 : i64} {
  func.func @p1(%arg0: i32, %arg1: i32, %arg2: memref<1000000x128xf32, #tpu.memory_space<hbm>>, %arg3: memref<200x4096xi32, #tpu.memory_space<hbm>>, %arg4: memref<200x64x4096xf32, #tpu.memory_space<hbm>>, %arg5: memref<200x128xi32, #tpu.memory_space<vmem>>, %arg6: memref<128x128xf32, #tpu.memory_space<vmem>>, %arg7: memref<128x128xf32, #tpu.memory_space<vmem>>, %arg8: memref<128x128xf32, #tpu.memory_space<vmem>>, %arg9: memref<128x128xf32, #tpu.memory_space<vmem>>, %arg10: memref<64x128xf32, #tpu.memory_space<vmem>>, %arg11: memref<64x128xf32, #tpu.memory_space<vmem>>, %arg12: memref<!tpu.dma_semaphore, #tpu.memory_space<semaphore_mem>>, %arg13: memref<!tpu.dma_semaphore, #tpu.memory_space<semaphore_mem>>, %arg14: memref<!tpu.dma_semaphore, #tpu.memory_space<semaphore_mem>>, %arg15: memref<!tpu.dma_semaphore, #tpu.memory_space<semaphore_mem>>, %arg16: memref<!tpu.dma_semaphore, #tpu.memory_space<semaphore_mem>>, %arg17: memref<!tpu.dma_semaphore, #tpu.memory_space<semaphore_mem>>) attributes {dimension_semantics = [#tpu.dimension_semantics<core_parallel>, #tpu.dimension_semantics<subcore_parallel>], iteration_bounds = array<i64: 2, 16>, scalar_prefetch = 0 : i64, scratch_operands = 13 : i64, tpu.core_type = #tpu.core_type<sc_vector_subcore>, window_params = [{transform_indices = #map}, {transform_indices = #map}, {transform_indices = #map1}]} {
    %mul3A = arith.constant 2 : i32
    %mul3A_0 = arith.muli %arg1, %mul3A : i32
    %add3A = arith.addi %mul3A_0, %arg0 : i32
    %mul3A_1 = arith.constant 128 : i32
    %mul3A_2 = arith.muli %add3A, %mul3A_1 : i32
    %iota3A = tpu.iota {dimensions = array<i32: 0>} : vector<16xi32>
    %add3A_3 = arith.constant 0 : i32
    %add3A_4 = vector.broadcast %add3A_3 : i32 to vector<16xi32>
    %add3A_5 = arith.addi %iota3A, %add3A_4 : vector<16xi32>
    %iota3A_6 = tpu.iota {dimensions = array<i32: 0>} : vector<16xi32>
    %add3A_7 = arith.constant 16 : i32
    %add3A_8 = vector.broadcast %add3A_7 : i32 to vector<16xi32>
    %add3A_9 = arith.addi %iota3A_6, %add3A_8 : vector<16xi32>
    %iota3A_10 = tpu.iota {dimensions = array<i32: 0>} : vector<16xi32>
    %add3A_11 = arith.constant 32 : i32
    %add3A_12 = vector.broadcast %add3A_11 : i32 to vector<16xi32>
    %add3A_13 = arith.addi %iota3A_10, %add3A_12 : vector<16xi32>
    %iota3A_14 = tpu.iota {dimensions = array<i32: 0>} : vector<16xi32>
    %add3A_15 = arith.constant 48 : i32
    %add3A_16 = vector.broadcast %add3A_15 : i32 to vector<16xi32>
    %add3A_17 = arith.addi %iota3A_14, %add3A_16 : vector<16xi32>
    %iota3A_18 = tpu.iota {dimensions = array<i32: 0>} : vector<16xi32>
    %add3A_19 = arith.constant 64 : i32
    %add3A_20 = vector.broadcast %add3A_19 : i32 to vector<16xi32>
    %add3A_21 = arith.addi %iota3A_18, %add3A_20 : vector<16xi32>
    %iota3A_22 = tpu.iota {dimensions = array<i32: 0>} : vector<16xi32>
    %add3A_23 = arith.constant 80 : i32
    %add3A_24 = vector.broadcast %add3A_23 : i32 to vector<16xi32>
    %add3A_25 = arith.addi %iota3A_22, %add3A_24 : vector<16xi32>
    %iota3A_26 = tpu.iota {dimensions = array<i32: 0>} : vector<16xi32>
    %add3A_27 = arith.constant 96 : i32
    %add3A_28 = vector.broadcast %add3A_27 : i32 to vector<16xi32>
    %add3A_29 = arith.addi %iota3A_26, %add3A_28 : vector<16xi32>
    %iota3A_30 = tpu.iota {dimensions = array<i32: 0>} : vector<16xi32>
    %add3A_31 = arith.constant 112 : i32
    %add3A_32 = vector.broadcast %add3A_31 : i32 to vector<16xi32>
    %add3A_33 = arith.addi %iota3A_30, %add3A_32 : vector<16xi32>
    "tpu.region"() ({
      %run_scoped3A = tpu.sem_alloc : memref<!tpu.dma_semaphore, #tpu.memory_space<semaphore_mem>>
      %dma_start3A_72 = arith.constant 0 : i32
      %dma_start3A_73 = tpu.memref_slice %arg3[%dma_start3A_72, %mul3A_2] : memref<200x4096xi32, #tpu.memory_space<hbm>> -> memref<200x128xi32, #tpu.memory_space<hbm>>
      %dma_start3A_74 = arith.constant 0 : i32
      %dma_start3A_75 = tpu.memref_slice %arg3[%dma_start3A_74, %mul3A_2] : memref<200x4096xi32, #tpu.memory_space<hbm>> -> memref<200x128xi32, #tpu.memory_space<hbm>>
      tpu.enqueue_dma source(%dma_start3A_75 : memref<200x128xi32, #tpu.memory_space<hbm>>) target(%arg5 : memref<200x128xi32, #tpu.memory_space<vmem>>) target_semaphore(%run_scoped3A : memref<!tpu.dma_semaphore, #tpu.memory_space<semaphore_mem>>)
      %dma_wait3A_76 = arith.constant 0 : i32
      %dma_wait3A_77 = tpu.memref_slice %arg3[%dma_wait3A_76, %mul3A_2] : memref<200x4096xi32, #tpu.memory_space<hbm>> -> memref<200x128xi32, #tpu.memory_space<hbm>>
      %dma_wait3A_78 = arith.constant 0 : i32
      %dma_wait3A_79 = tpu.memref_slice %arg3[%dma_wait3A_78, %mul3A_2] : memref<200x4096xi32, #tpu.memory_space<hbm>> -> memref<200x128xi32, #tpu.memory_space<hbm>>
      tpu.wait_dma2 semaphore(%run_scoped3A : memref<!tpu.dma_semaphore, #tpu.memory_space<semaphore_mem>>) src(%dma_wait3A_79 : memref<200x128xi32, #tpu.memory_space<hbm>>) dst(%arg5 : memref<200x128xi32, #tpu.memory_space<vmem>>)
      tpu.yield
    }) : () -> ()
    %dma_start3A = arith.constant 0 : i32
    %dma_start3A_34 = arith.constant 0 : i32
    %dma_start3A_35 = tpu.memref_slice %arg5[%dma_start3A, %dma_start3A_34] : memref<200x128xi32, #tpu.memory_space<vmem>> -> memref<1x128xi32, #tpu.memory_space<vmem>>
    %dma_start3A_36 = tpu.memref_squeeze %dma_start3A_35 : memref<1x128xi32, #tpu.memory_space<vmem>> -> memref<128xi32, #tpu.memory_space<vmem>>
    %dma_start3A_37 = arith.constant 0 : i32
    %dma_start3A_38 = arith.constant 0 : i32
    %dma_start3A_39 = tpu.memref_slice %arg2[%dma_start3A_37, %dma_start3A_38] : memref<1000000x128xf32, #tpu.memory_space<hbm>> -> memref<1000000x128xf32, #tpu.memory_space<hbm>>
    tpu.enqueue_indirect_dma source(%dma_start3A_39 : memref<1000000x128xf32, #tpu.memory_space<hbm>>) target(%arg6 : memref<128x128xf32, #tpu.memory_space<vmem>>) offsets(%dma_start3A_36 : memref<128xi32, #tpu.memory_space<vmem>>) semaphore(%arg12 : memref<!tpu.dma_semaphore, #tpu.memory_space<semaphore_mem>>)
    %dma_start3A_40 = arith.constant 1 : i32
    %dma_start3A_41 = arith.constant 0 : i32
    %dma_start3A_42 = tpu.memref_slice %arg5[%dma_start3A_40, %dma_start3A_41] : memref<200x128xi32, #tpu.memory_space<vmem>> -> memref<1x128xi32, #tpu.memory_space<vmem>>
    %dma_start3A_43 = tpu.memref_squeeze %dma_start3A_42 : memref<1x128xi32, #tpu.memory_space<vmem>> -> memref<128xi32, #tpu.memory_space<vmem>>
    %dma_start3A_44 = arith.constant 0 : i32
    %dma_start3A_45 = arith.constant 0 : i32
    %dma_start3A_46 = tpu.memref_slice %arg2[%dma_start3A_44, %dma_start3A_45] : memref<1000000x128xf32, #tpu.memory_space<hbm>> -> memref<1000000x128xf32, #tpu.memory_space<hbm>>
    tpu.enqueue_indirect_dma source(%dma_start3A_46 : memref<1000000x128xf32, #tpu.memory_space<hbm>>) target(%arg7 : memref<128x128xf32, #tpu.memory_space<vmem>>) offsets(%dma_start3A_43 : memref<128xi32, #tpu.memory_space<vmem>>) semaphore(%arg13 : memref<!tpu.dma_semaphore, #tpu.memory_space<semaphore_mem>>)
    %dma_start3A_47 = arith.constant 2 : i32
    %dma_start3A_48 = arith.constant 0 : i32
    %dma_start3A_49 = tpu.memref_slice %arg5[%dma_start3A_47, %dma_start3A_48] : memref<200x128xi32, #tpu.memory_space<vmem>> -> memref<1x128xi32, #tpu.memory_space<vmem>>
    %dma_start3A_50 = tpu.memref_squeeze %dma_start3A_49 : memref<1x128xi32, #tpu.memory_space<vmem>> -> memref<128xi32, #tpu.memory_space<vmem>>
    %dma_start3A_51 = arith.constant 0 : i32
    %dma_start3A_52 = arith.constant 0 : i32
    %dma_start3A_53 = tpu.memref_slice %arg2[%dma_start3A_51, %dma_start3A_52] : memref<1000000x128xf32, #tpu.memory_space<hbm>> -> memref<1000000x128xf32, #tpu.memory_space<hbm>>
    tpu.enqueue_indirect_dma source(%dma_start3A_53 : memref<1000000x128xf32, #tpu.memory_space<hbm>>) target(%arg8 : memref<128x128xf32, #tpu.memory_space<vmem>>) offsets(%dma_start3A_50 : memref<128xi32, #tpu.memory_space<vmem>>) semaphore(%arg14 : memref<!tpu.dma_semaphore, #tpu.memory_space<semaphore_mem>>)
    %scan3A = arith.constant 0 : i32
    %scan3A_54 = arith.constant 0 : i32
    %scan3A_55 = arith.constant 50 : i32
    %scan3A_56 = arith.addi %scan3A_54, %scan3A_55 : i32
    %scan3A_57 = arith.constant 1 : i32
    scf.for %scan3A_72 = %scan3A_54 to %scan3A_56 step %scan3A_57  : i32 {
      %mul3A_73 = arith.constant 4 : i32
      %mul3A_74 = arith.muli %scan3A_72, %mul3A_73 : i32
      %add3A_75 = arith.constant 0 : i32
      %add3A_76 = arith.addi %mul3A_74, %add3A_75 : i32
      %dma_wait3A_77 = arith.constant 0 : i32
      %dma_wait3A_78 = arith.constant 0 : i32
      %dma_wait3A_79 = tpu.memref_slice %arg5[%dma_wait3A_77, %dma_wait3A_78] : memref<200x128xi32, #tpu.memory_space<vmem>> -> memref<1x128xi32, #tpu.memory_space<vmem>>
      %dma_wait3A_80 = tpu.memref_squeeze %dma_wait3A_79 : memref<1x128xi32, #tpu.memory_space<vmem>> -> memref<128xi32, #tpu.memory_space<vmem>>
      %dma_wait3A_81 = arith.constant 0 : i32
      %dma_wait3A_82 = arith.constant 0 : i32
      %dma_wait3A_83 = tpu.memref_slice %arg2[%dma_wait3A_81, %dma_wait3A_82] : memref<1000000x128xf32, #tpu.memory_space<hbm>> -> memref<1000000x128xf32, #tpu.memory_space<hbm>>
      tpu.wait_indirect_dma semaphore(%arg12 : memref<!tpu.dma_semaphore, #tpu.memory_space<semaphore_mem>>) src(%dma_wait3A_83 : memref<1000000x128xf32, #tpu.memory_space<hbm>>) dst(%arg6 : memref<128x128xf32, #tpu.memory_space<vmem>>)
      %add3A_84 = arith.constant 3 : i32
      %add3A_85 = arith.addi %add3A_76, %add3A_84 : i32
      %lt3A = arith.constant 200 : i32
      %lt3A_86 = arith.cmpi slt, %add3A_85, %lt3A : i32
      %convert_element_type3A = arith.extui %lt3A_86 : i1 to i32
      %cond3A = arith.constant 0 : i32
      %cond3A_87 = arith.cmpi ne, %convert_element_type3A, %cond3A : i32
      scf.if %cond3A_87 {
        %add3A_196 = arith.constant 3 : i32
        %add3A_197 = arith.addi %add3A_76, %add3A_196 : i32
        %dma_start3A_198 = arith.constant 0 : i32
        %dma_start3A_199 = tpu.memref_slice %arg5[%add3A_197, %dma_start3A_198] : memref<200x128xi32, #tpu.memory_space<vmem>> -> memref<1x128xi32, #tpu.memory_space<vmem>>
        %dma_start3A_200 = tpu.memref_squeeze %dma_start3A_199 : memref<1x128xi32, #tpu.memory_space<vmem>> -> memref<128xi32, #tpu.memory_space<vmem>>
        %dma_start3A_201 = arith.constant 0 : i32
        %dma_start3A_202 = arith.constant 0 : i32
        %dma_start3A_203 = tpu.memref_slice %arg2[%dma_start3A_201, %dma_start3A_202] : memref<1000000x128xf32, #tpu.memory_space<hbm>> -> memref<1000000x128xf32, #tpu.memory_space<hbm>>
        tpu.enqueue_indirect_dma source(%dma_start3A_203 : memref<1000000x128xf32, #tpu.memory_space<hbm>>) target(%arg9 : memref<128x128xf32, #tpu.memory_space<vmem>>) offsets(%dma_start3A_200 : memref<128xi32, #tpu.memory_space<vmem>>) semaphore(%arg15 : memref<!tpu.dma_semaphore, #tpu.memory_space<semaphore_mem>>)
      } else {
      }
      %ge3A = arith.constant 2 : i32
      %ge3A_88 = arith.cmpi sge, %add3A_76, %ge3A : i32
      %convert_element_type3A_89 = arith.extui %ge3A_88 : i1 to i32
      %cond3A_90 = arith.constant 0 : i32
      %cond3A_91 = arith.cmpi ne, %convert_element_type3A_89, %cond3A_90 : i32
      scf.if %cond3A_91 {
        %dma_wait3A_196 = arith.constant 0 : i32
        %dma_wait3A_197 = arith.constant 0 : i32
        %dma_wait3A_198 = tpu.memref_slice %arg4[%dma_wait3A_196, %dma_wait3A_197, %mul3A_2] : memref<200x64x4096xf32, #tpu.memory_space<hbm>> -> memref<1x64x128xf32, #tpu.memory_space<hbm>>
        %dma_wait3A_199 = tpu.memref_squeeze %dma_wait3A_198 : memref<1x64x128xf32, #tpu.memory_space<hbm>> -> memref<64x128xf32, #tpu.memory_space<hbm>>
        %dma_wait3A_200 = arith.constant 0 : i32
        %dma_wait3A_201 = tpu.memref_slice %arg4[%dma_wait3A_196, %dma_wait3A_200, %mul3A_2] : memref<200x64x4096xf32, #tpu.memory_space<hbm>> -> memref<1x64x128xf32, #tpu.memory_space<hbm>>
        %dma_wait3A_202 = tpu.memref_squeeze %dma_wait3A_201 : memref<1x64x128xf32, #tpu.memory_space<hbm>> -> memref<64x128xf32, #tpu.memory_space<hbm>>
        tpu.wait_dma2 semaphore(%arg16 : memref<!tpu.dma_semaphore, #tpu.memory_space<semaphore_mem>>) src(%arg10 : memref<64x128xf32, #tpu.memory_space<vmem>>) dst(%dma_wait3A_202 : memref<64x128xf32, #tpu.memory_space<hbm>>)
      } else {
      }
      %parallel_loop3A = arith.constant 0 : i32
      %parallel_loop3A_92 = arith.constant 64 : i32
      %parallel_loop3A_93 = arith.constant 1 : i32
      scf.for %parallel_loop3A_196 = %parallel_loop3A to %parallel_loop3A_92 step %parallel_loop3A_93  : i32 {
        %parallel_loop3A_197 = vector.broadcast %parallel_loop3A_196 : i32 to vector<16xi32>
        %parallel_loop3A_198 = tpu.vector_load_idx %arg6[%add3A_5, %parallel_loop3A_197] : memref<128x128xf32, #tpu.memory_space<vmem>>[vector<16xi32>, vector<16xi32>], vector<16xf32>,
        %parallel_loop3A_199 = arith.index_cast %parallel_loop3A_196 : i32 to index
        %parallel_loop3A_200 = arith.constant 0 : index
        %parallel_loop3A_201 = tpu.vector_load %arg10[%parallel_loop3A_199, %parallel_loop3A_200] {strides = array<i32>} : memref<64x128xf32, #tpu.memory_space<vmem>>, vector<16xf32>,
        tpu.vector_store %arg10[%parallel_loop3A_199, %parallel_loop3A_200], %parallel_loop3A_198 {strides = array<i32>} : memref<64x128xf32, #tpu.memory_space<vmem>>, vector<16xf32>,
        %parallel_loop3A_202 = tpu.vector_load_idx %arg6[%add3A_9, %parallel_loop3A_197] : memref<128x128xf32, #tpu.memory_space<vmem>>[vector<16xi32>, vector<16xi32>], vector<16xf32>,
        %parallel_loop3A_203 = arith.index_cast %parallel_loop3A_196 : i32 to index
        %parallel_loop3A_204 = arith.constant 16 : index
        %parallel_loop3A_205 = tpu.vector_load %arg10[%parallel_loop3A_203, %parallel_loop3A_204] {strides = array<i32>} : memref<64x128xf32, #tpu.memory_space<vmem>>, vector<16xf32>,
        tpu.vector_store %arg10[%parallel_loop3A_203, %parallel_loop3A_204], %parallel_loop3A_202 {strides = array<i32>} : memref<64x128xf32, #tpu.memory_space<vmem>>, vector<16xf32>,
        %parallel_loop3A_206 = tpu.vector_load_idx %arg6[%add3A_13, %parallel_loop3A_197] : memref<128x128xf32, #tpu.memory_space<vmem>>[vector<16xi32>, vector<16xi32>], vector<16xf32>,
        %parallel_loop3A_207 = arith.index_cast %parallel_loop3A_196 : i32 to index
        %parallel_loop3A_208 = arith.constant 32 : index
        %parallel_loop3A_209 = tpu.vector_load %arg10[%parallel_loop3A_207, %parallel_loop3A_208] {strides = array<i32>} : memref<64x128xf32, #tpu.memory_space<vmem>>, vector<16xf32>,
        tpu.vector_store %arg10[%parallel_loop3A_207, %parallel_loop3A_208], %parallel_loop3A_206 {strides = array<i32>} : memref<64x128xf32, #tpu.memory_space<vmem>>, vector<16xf32>,
        %parallel_loop3A_210 = tpu.vector_load_idx %arg6[%add3A_17, %parallel_loop3A_197] : memref<128x128xf32, #tpu.memory_space<vmem>>[vector<16xi32>, vector<16xi32>], vector<16xf32>,
        %parallel_loop3A_211 = arith.index_cast %parallel_loop3A_196 : i32 to index
        %parallel_loop3A_212 = arith.constant 48 : index
        %parallel_loop3A_213 = tpu.vector_load %arg10[%parallel_loop3A_211, %parallel_loop3A_212] {strides = array<i32>} : memref<64x128xf32, #tpu.memory_space<vmem>>, vector<16xf32>,
        tpu.vector_store %arg10[%parallel_loop3A_211, %parallel_loop3A_212], %parallel_loop3A_210 {strides = array<i32>} : memref<64x128xf32, #tpu.memory_space<vmem>>, vector<16xf32>,
        %parallel_loop3A_214 = tpu.vector_load_idx %arg6[%add3A_21, %parallel_loop3A_197] : memref<128x128xf32, #tpu.memory_space<vmem>>[vector<16xi32>, vector<16xi32>], vector<16xf32>,
        %parallel_loop3A_215 = arith.index_cast %parallel_loop3A_196 : i32 to index
        %parallel_loop3A_216 = arith.constant 64 : index
        %parallel_loop3A_217 = tpu.vector_load %arg10[%parallel_loop3A_215, %parallel_loop3A_216] {strides = array<i32>} : memref<64x128xf32, #tpu.memory_space<vmem>>, vector<16xf32>,
        tpu.vector_store %arg10[%parallel_loop3A_215, %parallel_loop3A_216], %parallel_loop3A_214 {strides = array<i32>} : memref<64x128xf32, #tpu.memory_space<vmem>>, vector<16xf32>,
        %parallel_loop3A_218 = tpu.vector_load_idx %arg6[%add3A_25, %parallel_loop3A_197] : memref<128x128xf32, #tpu.memory_space<vmem>>[vector<16xi32>, vector<16xi32>], vector<16xf32>,
        %parallel_loop3A_219 = arith.index_cast %parallel_loop3A_196 : i32 to index
        %parallel_loop3A_220 = arith.constant 80 : index
        %parallel_loop3A_221 = tpu.vector_load %arg10[%parallel_loop3A_219, %parallel_loop3A_220] {strides = array<i32>} : memref<64x128xf32, #tpu.memory_space<vmem>>, vector<16xf32>,
        tpu.vector_store %arg10[%parallel_loop3A_219, %parallel_loop3A_220], %parallel_loop3A_218 {strides = array<i32>} : memref<64x128xf32, #tpu.memory_space<vmem>>, vector<16xf32>,
        %parallel_loop3A_222 = tpu.vector_load_idx %arg6[%add3A_29, %parallel_loop3A_197] : memref<128x128xf32, #tpu.memory_space<vmem>>[vector<16xi32>, vector<16xi32>], vector<16xf32>,
        %parallel_loop3A_223 = arith.index_cast %parallel_loop3A_196 : i32 to index
        %parallel_loop3A_224 = arith.constant 96 : index
        %parallel_loop3A_225 = tpu.vector_load %arg10[%parallel_loop3A_223, %parallel_loop3A_224] {strides = array<i32>} : memref<64x128xf32, #tpu.memory_space<vmem>>, vector<16xf32>,
        tpu.vector_store %arg10[%parallel_loop3A_223, %parallel_loop3A_224], %parallel_loop3A_222 {strides = array<i32>} : memref<64x128xf32, #tpu.memory_space<vmem>>, vector<16xf32>,
        %parallel_loop3A_226 = tpu.vector_load_idx %arg6[%add3A_33, %parallel_loop3A_197] : memref<128x128xf32, #tpu.memory_space<vmem>>[vector<16xi32>, vector<16xi32>], vector<16xf32>,
        %parallel_loop3A_227 = arith.index_cast %parallel_loop3A_196 : i32 to index
        %parallel_loop3A_228 = arith.constant 112 : index
        %parallel_loop3A_229 = tpu.vector_load %arg10[%parallel_loop3A_227, %parallel_loop3A_228] {strides = array<i32>} : memref<64x128xf32, #tpu.memory_space<vmem>>, vector<16xf32>,
        tpu.vector_store %arg10[%parallel_loop3A_227, %parallel_loop3A_228], %parallel_loop3A_226 {strides = array<i32>} : memref<64x128xf32, #tpu.memory_space<vmem>>, vector<16xf32>,
      } {sc.loop_unroll_factor = 32 : i64, sc.parallel_access}
      %dma_start3A_94 = arith.constant 0 : i32
      %dma_start3A_95 = tpu.memref_slice %arg4[%add3A_76, %dma_start3A_94, %mul3A_2] : memref<200x64x4096xf32, #tpu.memory_space<hbm>> -> memref<1x64x128xf32, #tpu.memory_space<hbm>>
      %dma_start3A_96 = tpu.memref_squeeze %dma_start3A_95 : memref<1x64x128xf32, #tpu.memory_space<hbm>> -> memref<64x128xf32, #tpu.memory_space<hbm>>
      %dma_start3A_97 = arith.constant 0 : i32
      %dma_start3A_98 = tpu.memref_slice %arg4[%add3A_76, %dma_start3A_97, %mul3A_2] : memref<200x64x4096xf32, #tpu.memory_space<hbm>> -> memref<1x64x128xf32, #tpu.memory_space<hbm>>
      %dma_start3A_99 = tpu.memref_squeeze %dma_start3A_98 : memref<1x64x128xf32, #tpu.memory_space<hbm>> -> memref<64x128xf32, #tpu.memory_space<hbm>>
      tpu.enqueue_dma source(%arg10 : memref<64x128xf32, #tpu.memory_space<vmem>>) target(%dma_start3A_99 : memref<64x128xf32, #tpu.memory_space<hbm>>) target_semaphore(%arg16 : memref<!tpu.dma_semaphore, #tpu.memory_space<semaphore_mem>>)
      %mul3A_100 = arith.constant 4 : i32
      %mul3A_101 = arith.muli %scan3A_72, %mul3A_100 : i32
      %add3A_102 = arith.constant 1 : i32
      %add3A_103 = arith.addi %mul3A_101, %add3A_102 : i32
      %dma_wait3A_104 = arith.constant 0 : i32
      %dma_wait3A_105 = arith.constant 0 : i32
      %dma_wait3A_106 = tpu.memref_slice %arg5[%dma_wait3A_104, %dma_wait3A_105] : memref<200x128xi32, #tpu.memory_space<vmem>> -> memref<1x128xi32, #tpu.memory_space<vmem>>
      %dma_wait3A_107 = tpu.memref_squeeze %dma_wait3A_106 : memref<1x128xi32, #tpu.memory_space<vmem>> -> memref<128xi32, #tpu.memory_space<vmem>>
      %dma_wait3A_108 = arith.constant 0 : i32
      %dma_wait3A_109 = arith.constant 0 : i32
      %dma_wait3A_110 = tpu.memref_slice %arg2[%dma_wait3A_108, %dma_wait3A_109] : memref<1000000x128xf32, #tpu.memory_space<hbm>> -> memref<1000000x128xf32, #tpu.memory_space<hbm>>
      tpu.wait_indirect_dma semaphore(%arg13 : memref<!tpu.dma_semaphore, #tpu.memory_space<semaphore_mem>>) src(%dma_wait3A_110 : memref<1000000x128xf32, #tpu.memory_space<hbm>>) dst(%arg7 : memref<128x128xf32, #tpu.memory_space<vmem>>)
      %add3A_111 = arith.constant 3 : i32
      %add3A_112 = arith.addi %add3A_103, %add3A_111 : i32
      %lt3A_113 = arith.constant 200 : i32
      %lt3A_114 = arith.cmpi slt, %add3A_112, %lt3A_113 : i32
      %convert_element_type3A_115 = arith.extui %lt3A_114 : i1 to i32
      %cond3A_116 = arith.constant 0 : i32
      %cond3A_117 = arith.cmpi ne, %convert_element_type3A_115, %cond3A_116 : i32
      scf.if %cond3A_117 {
        %add3A_196 = arith.constant 3 : i32
        %add3A_197 = arith.addi %add3A_103, %add3A_196 : i32
        %dma_start3A_198 = arith.constant 0 : i32
        %dma_start3A_199 = tpu.memref_slice %arg5[%add3A_197, %dma_start3A_198] : memref<200x128xi32, #tpu.memory_space<vmem>> -> memref<1x128xi32, #tpu.memory_space<vmem>>
        %dma_start3A_200 = tpu.memref_squeeze %dma_start3A_199 : memref<1x128xi32, #tpu.memory_space<vmem>> -> memref<128xi32, #tpu.memory_space<vmem>>
        %dma_start3A_201 = arith.constant 0 : i32
        %dma_start3A_202 = arith.constant 0 : i32
        %dma_start3A_203 = tpu.memref_slice %arg2[%dma_start3A_201, %dma_start3A_202] : memref<1000000x128xf32, #tpu.memory_space<hbm>> -> memref<1000000x128xf32, #tpu.memory_space<hbm>>
        tpu.enqueue_indirect_dma source(%dma_start3A_203 : memref<1000000x128xf32, #tpu.memory_space<hbm>>) target(%arg6 : memref<128x128xf32, #tpu.memory_space<vmem>>) offsets(%dma_start3A_200 : memref<128xi32, #tpu.memory_space<vmem>>) semaphore(%arg12 : memref<!tpu.dma_semaphore, #tpu.memory_space<semaphore_mem>>)
      } else {
      }
      %ge3A_118 = arith.constant 2 : i32
      %ge3A_119 = arith.cmpi sge, %add3A_103, %ge3A_118 : i32
      %convert_element_type3A_120 = arith.extui %ge3A_119 : i1 to i32
      %cond3A_121 = arith.constant 0 : i32
      %cond3A_122 = arith.cmpi ne, %convert_element_type3A_120, %cond3A_121 : i32
      scf.if %cond3A_122 {
        %dma_wait3A_196 = arith.constant 0 : i32
        %dma_wait3A_197 = arith.constant 0 : i32
        %dma_wait3A_198 = tpu.memref_slice %arg4[%dma_wait3A_196, %dma_wait3A_197, %mul3A_2] : memref<200x64x4096xf32, #tpu.memory_space<hbm>> -> memref<1x64x128xf32, #tpu.memory_space<hbm>>
        %dma_wait3A_199 = tpu.memref_squeeze %dma_wait3A_198 : memref<1x64x128xf32, #tpu.memory_space<hbm>> -> memref<64x128xf32, #tpu.memory_space<hbm>>
        %dma_wait3A_200 = arith.constant 0 : i32
        %dma_wait3A_201 = tpu.memref_slice %arg4[%dma_wait3A_196, %dma_wait3A_200, %mul3A_2] : memref<200x64x4096xf32, #tpu.memory_space<hbm>> -> memref<1x64x128xf32, #tpu.memory_space<hbm>>
        %dma_wait3A_202 = tpu.memref_squeeze %dma_wait3A_201 : memref<1x64x128xf32, #tpu.memory_space<hbm>> -> memref<64x128xf32, #tpu.memory_space<hbm>>
        tpu.wait_dma2 semaphore(%arg17 : memref<!tpu.dma_semaphore, #tpu.memory_space<semaphore_mem>>) src(%arg11 : memref<64x128xf32, #tpu.memory_space<vmem>>) dst(%dma_wait3A_202 : memref<64x128xf32, #tpu.memory_space<hbm>>)
      } else {
      }
      %parallel_loop3A_123 = arith.constant 0 : i32
      %parallel_loop3A_124 = arith.constant 64 : i32
      %parallel_loop3A_125 = arith.constant 1 : i32
      scf.for %parallel_loop3A_196 = %parallel_loop3A_123 to %parallel_loop3A_124 step %parallel_loop3A_125  : i32 {
        %parallel_loop3A_197 = vector.broadcast %parallel_loop3A_196 : i32 to vector<16xi32>
        %parallel_loop3A_198 = tpu.vector_load_idx %arg7[%add3A_5, %parallel_loop3A_197] : memref<128x128xf32, #tpu.memory_space<vmem>>[vector<16xi32>, vector<16xi32>], vector<16xf32>,
        %parallel_loop3A_199 = arith.index_cast %parallel_loop3A_196 : i32 to index
        %parallel_loop3A_200 = arith.constant 0 : index
        %parallel_loop3A_201 = tpu.vector_load %arg11[%parallel_loop3A_199, %parallel_loop3A_200] {strides = array<i32>} : memref<64x128xf32, #tpu.memory_space<vmem>>, vector<16xf32>,
        tpu.vector_store %arg11[%parallel_loop3A_199, %parallel_loop3A_200], %parallel_loop3A_198 {strides = array<i32>} : memref<64x128xf32, #tpu.memory_space<vmem>>, vector<16xf32>,
        %parallel_loop3A_202 = tpu.vector_load_idx %arg7[%add3A_9, %parallel_loop3A_197] : memref<128x128xf32, #tpu.memory_space<vmem>>[vector<16xi32>, vector<16xi32>], vector<16xf32>,
        %parallel_loop3A_203 = arith.index_cast %parallel_loop3A_196 : i32 to index
        %parallel_loop3A_204 = arith.constant 16 : index
        %parallel_loop3A_205 = tpu.vector_load %arg11[%parallel_loop3A_203, %parallel_loop3A_204] {strides = array<i32>} : memref<64x128xf32, #tpu.memory_space<vmem>>, vector<16xf32>,
        tpu.vector_store %arg11[%parallel_loop3A_203, %parallel_loop3A_204], %parallel_loop3A_202 {strides = array<i32>} : memref<64x128xf32, #tpu.memory_space<vmem>>, vector<16xf32>,
        %parallel_loop3A_206 = tpu.vector_load_idx %arg7[%add3A_13, %parallel_loop3A_197] : memref<128x128xf32, #tpu.memory_space<vmem>>[vector<16xi32>, vector<16xi32>], vector<16xf32>,
        %parallel_loop3A_207 = arith.index_cast %parallel_loop3A_196 : i32 to index
        %parallel_loop3A_208 = arith.constant 32 : index
        %parallel_loop3A_209 = tpu.vector_load %arg11[%parallel_loop3A_207, %parallel_loop3A_208] {strides = array<i32>} : memref<64x128xf32, #tpu.memory_space<vmem>>, vector<16xf32>,
        tpu.vector_store %arg11[%parallel_loop3A_207, %parallel_loop3A_208], %parallel_loop3A_206 {strides = array<i32>} : memref<64x128xf32, #tpu.memory_space<vmem>>, vector<16xf32>,
        %parallel_loop3A_210 = tpu.vector_load_idx %arg7[%add3A_17, %parallel_loop3A_197] : memref<128x128xf32, #tpu.memory_space<vmem>>[vector<16xi32>, vector<16xi32>], vector<16xf32>,
        %parallel_loop3A_211 = arith.index_cast %parallel_loop3A_196 : i32 to index
        %parallel_loop3A_212 = arith.constant 48 : index
        %parallel_loop3A_213 = tpu.vector_load %arg11[%parallel_loop3A_211, %parallel_loop3A_212] {strides = array<i32>} : memref<64x128xf32, #tpu.memory_space<vmem>>, vector<16xf32>,
        tpu.vector_store %arg11[%parallel_loop3A_211, %parallel_loop3A_212], %parallel_loop3A_210 {strides = array<i32>} : memref<64x128xf32, #tpu.memory_space<vmem>>, vector<16xf32>,
        %parallel_loop3A_214 = tpu.vector_load_idx %arg7[%add3A_21, %parallel_loop3A_197] : memref<128x128xf32, #tpu.memory_space<vmem>>[vector<16xi32>, vector<16xi32>], vector<16xf32>,
        %parallel_loop3A_215 = arith.index_cast %parallel_loop3A_196 : i32 to index
        %parallel_loop3A_216 = arith.constant 64 : index
        %parallel_loop3A_217 = tpu.vector_load %arg11[%parallel_loop3A_215, %parallel_loop3A_216] {strides = array<i32>} : memref<64x128xf32, #tpu.memory_space<vmem>>, vector<16xf32>,
        tpu.vector_store %arg11[%parallel_loop3A_215, %parallel_loop3A_216], %parallel_loop3A_214 {strides = array<i32>} : memref<64x128xf32, #tpu.memory_space<vmem>>, vector<16xf32>,
        %parallel_loop3A_218 = tpu.vector_load_idx %arg7[%add3A_25, %parallel_loop3A_197] : memref<128x128xf32, #tpu.memory_space<vmem>>[vector<16xi32>, vector<16xi32>], vector<16xf32>,
        %parallel_loop3A_219 = arith.index_cast %parallel_loop3A_196 : i32 to index
        %parallel_loop3A_220 = arith.constant 80 : index
        %parallel_loop3A_221 = tpu.vector_load %arg11[%parallel_loop3A_219, %parallel_loop3A_220] {strides = array<i32>} : memref<64x128xf32, #tpu.memory_space<vmem>>, vector<16xf32>,
        tpu.vector_store %arg11[%parallel_loop3A_219, %parallel_loop3A_220], %parallel_loop3A_218 {strides = array<i32>} : memref<64x128xf32, #tpu.memory_space<vmem>>, vector<16xf32>,
        %parallel_loop3A_222 = tpu.vector_load_idx %arg7[%add3A_29, %parallel_loop3A_197] : memref<128x128xf32, #tpu.memory_space<vmem>>[vector<16xi32>, vector<16xi32>], vector<16xf32>,
        %parallel_loop3A_223 = arith.index_cast %parallel_loop3A_196 : i32 to index
        %parallel_loop3A_224 = arith.constant 96 : index
        %parallel_loop3A_225 = tpu.vector_load %arg11[%parallel_loop3A_223, %parallel_loop3A_224] {strides = array<i32>} : memref<64x128xf32, #tpu.memory_space<vmem>>, vector<16xf32>,
        tpu.vector_store %arg11[%parallel_loop3A_223, %parallel_loop3A_224], %parallel_loop3A_222 {strides = array<i32>} : memref<64x128xf32, #tpu.memory_space<vmem>>, vector<16xf32>,
        %parallel_loop3A_226 = tpu.vector_load_idx %arg7[%add3A_33, %parallel_loop3A_197] : memref<128x128xf32, #tpu.memory_space<vmem>>[vector<16xi32>, vector<16xi32>], vector<16xf32>,
        %parallel_loop3A_227 = arith.index_cast %parallel_loop3A_196 : i32 to index
        %parallel_loop3A_228 = arith.constant 112 : index
        %parallel_loop3A_229 = tpu.vector_load %arg11[%parallel_loop3A_227, %parallel_loop3A_228] {strides = array<i32>} : memref<64x128xf32, #tpu.memory_space<vmem>>, vector<16xf32>,
        tpu.vector_store %arg11[%parallel_loop3A_227, %parallel_loop3A_228], %parallel_loop3A_226 {strides = array<i32>} : memref<64x128xf32, #tpu.memory_space<vmem>>, vector<16xf32>,
      } {sc.loop_unroll_factor = 32 : i64, sc.parallel_access}
      %dma_start3A_126 = arith.constant 0 : i32
      %dma_start3A_127 = tpu.memref_slice %arg4[%add3A_103, %dma_start3A_126, %mul3A_2] : memref<200x64x4096xf32, #tpu.memory_space<hbm>> -> memref<1x64x128xf32, #tpu.memory_space<hbm>>
      %dma_start3A_128 = tpu.memref_squeeze %dma_start3A_127 : memref<1x64x128xf32, #tpu.memory_space<hbm>> -> memref<64x128xf32, #tpu.memory_space<hbm>>
      %dma_start3A_129 = arith.constant 0 : i32
      %dma_start3A_130 = tpu.memref_slice %arg4[%add3A_103, %dma_start3A_129, %mul3A_2] : memref<200x64x4096xf32, #tpu.memory_space<hbm>> -> memref<1x64x128xf32, #tpu.memory_space<hbm>>
      %dma_start3A_131 = tpu.memref_squeeze %dma_start3A_130 : memref<1x64x128xf32, #tpu.memory_space<hbm>> -> memref<64x128xf32, #tpu.memory_space<hbm>>
      tpu.enqueue_dma source(%arg11 : memref<64x128xf32, #tpu.memory_space<vmem>>) target(%dma_start3A_131 : memref<64x128xf32, #tpu.memory_space<hbm>>) target_semaphore(%arg17 : memref<!tpu.dma_semaphore, #tpu.memory_space<semaphore_mem>>)
      %mul3A_132 = arith.constant 4 : i32
      %mul3A_133 = arith.muli %scan3A_72, %mul3A_132 : i32
      %add3A_134 = arith.constant 2 : i32
      %add3A_135 = arith.addi %mul3A_133, %add3A_134 : i32
      %dma_wait3A_136 = arith.constant 0 : i32
      %dma_wait3A_137 = arith.constant 0 : i32
      %dma_wait3A_138 = tpu.memref_slice %arg5[%dma_wait3A_136, %dma_wait3A_137] : memref<200x128xi32, #tpu.memory_space<vmem>> -> memref<1x128xi32, #tpu.memory_space<vmem>>
      %dma_wait3A_139 = tpu.memref_squeeze %dma_wait3A_138 : memref<1x128xi32, #tpu.memory_space<vmem>> -> memref<128xi32, #tpu.memory_space<vmem>>
      %dma_wait3A_140 = arith.constant 0 : i32
      %dma_wait3A_141 = arith.constant 0 : i32
      %dma_wait3A_142 = tpu.memref_slice %arg2[%dma_wait3A_140, %dma_wait3A_141] : memref<1000000x128xf32, #tpu.memory_space<hbm>> -> memref<1000000x128xf32, #tpu.memory_space<hbm>>
      tpu.wait_indirect_dma semaphore(%arg14 : memref<!tpu.dma_semaphore, #tpu.memory_space<semaphore_mem>>) src(%dma_wait3A_142 : memref<1000000x128xf32, #tpu.memory_space<hbm>>) dst(%arg8 : memref<128x128xf32, #tpu.memory_space<vmem>>)
      %add3A_143 = arith.constant 3 : i32
      %add3A_144 = arith.addi %add3A_135, %add3A_143 : i32
      %lt3A_145 = arith.constant 200 : i32
      %lt3A_146 = arith.cmpi slt, %add3A_144, %lt3A_145 : i32
      %convert_element_type3A_147 = arith.extui %lt3A_146 : i1 to i32
      %cond3A_148 = arith.constant 0 : i32
      %cond3A_149 = arith.cmpi ne, %convert_element_type3A_147, %cond3A_148 : i32
      scf.if %cond3A_149 {
        %add3A_196 = arith.constant 3 : i32
        %add3A_197 = arith.addi %add3A_135, %add3A_196 : i32
        %dma_start3A_198 = arith.constant 0 : i32
        %dma_start3A_199 = tpu.memref_slice %arg5[%add3A_197, %dma_start3A_198] : memref<200x128xi32, #tpu.memory_space<vmem>> -> memref<1x128xi32, #tpu.memory_space<vmem>>
        %dma_start3A_200 = tpu.memref_squeeze %dma_start3A_199 : memref<1x128xi32, #tpu.memory_space<vmem>> -> memref<128xi32, #tpu.memory_space<vmem>>
        %dma_start3A_201 = arith.constant 0 : i32
        %dma_start3A_202 = arith.constant 0 : i32
        %dma_start3A_203 = tpu.memref_slice %arg2[%dma_start3A_201, %dma_start3A_202] : memref<1000000x128xf32, #tpu.memory_space<hbm>> -> memref<1000000x128xf32, #tpu.memory_space<hbm>>
        tpu.enqueue_indirect_dma source(%dma_start3A_203 : memref<1000000x128xf32, #tpu.memory_space<hbm>>) target(%arg7 : memref<128x128xf32, #tpu.memory_space<vmem>>) offsets(%dma_start3A_200 : memref<128xi32, #tpu.memory_space<vmem>>) semaphore(%arg13 : memref<!tpu.dma_semaphore, #tpu.memory_space<semaphore_mem>>)
      } else {
      }
      %ge3A_150 = arith.constant 2 : i32
      %ge3A_151 = arith.cmpi sge, %add3A_135, %ge3A_150 : i32
      %convert_element_type3A_152 = arith.extui %ge3A_151 : i1 to i32
      %cond3A_153 = arith.constant 0 : i32
      %cond3A_154 = arith.cmpi ne, %convert_element_type3A_152, %cond3A_153 : i32
      scf.if %cond3A_154 {
        %dma_wait3A_196 = arith.constant 0 : i32
        %dma_wait3A_197 = arith.constant 0 : i32
        %dma_wait3A_198 = tpu.memref_slice %arg4[%dma_wait3A_196, %dma_wait3A_197, %mul3A_2] : memref<200x64x4096xf32, #tpu.memory_space<hbm>> -> memref<1x64x128xf32, #tpu.memory_space<hbm>>
        %dma_wait3A_199 = tpu.memref_squeeze %dma_wait3A_198 : memref<1x64x128xf32, #tpu.memory_space<hbm>> -> memref<64x128xf32, #tpu.memory_space<hbm>>
        %dma_wait3A_200 = arith.constant 0 : i32
        %dma_wait3A_201 = tpu.memref_slice %arg4[%dma_wait3A_196, %dma_wait3A_200, %mul3A_2] : memref<200x64x4096xf32, #tpu.memory_space<hbm>> -> memref<1x64x128xf32, #tpu.memory_space<hbm>>
        %dma_wait3A_202 = tpu.memref_squeeze %dma_wait3A_201 : memref<1x64x128xf32, #tpu.memory_space<hbm>> -> memref<64x128xf32, #tpu.memory_space<hbm>>
        tpu.wait_dma2 semaphore(%arg16 : memref<!tpu.dma_semaphore, #tpu.memory_space<semaphore_mem>>) src(%arg10 : memref<64x128xf32, #tpu.memory_space<vmem>>) dst(%dma_wait3A_202 : memref<64x128xf32, #tpu.memory_space<hbm>>)
      } else {
      }
      %parallel_loop3A_155 = arith.constant 0 : i32
      %parallel_loop3A_156 = arith.constant 64 : i32
      %parallel_loop3A_157 = arith.constant 1 : i32
      scf.for %parallel_loop3A_196 = %parallel_loop3A_155 to %parallel_loop3A_156 step %parallel_loop3A_157  : i32 {
        %parallel_loop3A_197 = vector.broadcast %parallel_loop3A_196 : i32 to vector<16xi32>
        %parallel_loop3A_198 = tpu.vector_load_idx %arg8[%add3A_5, %parallel_loop3A_197] : memref<128x128xf32, #tpu.memory_space<vmem>>[vector<16xi32>, vector<16xi32>], vector<16xf32>,
        %parallel_loop3A_199 = arith.index_cast %parallel_loop3A_196 : i32 to index
        %parallel_loop3A_200 = arith.constant 0 : index
        %parallel_loop3A_201 = tpu.vector_load %arg10[%parallel_loop3A_199, %parallel_loop3A_200] {strides = array<i32>} : memref<64x128xf32, #tpu.memory_space<vmem>>, vector<16xf32>,
        tpu.vector_store %arg10[%parallel_loop3A_199, %parallel_loop3A_200], %parallel_loop3A_198 {strides = array<i32>} : memref<64x128xf32, #tpu.memory_space<vmem>>, vector<16xf32>,
        %parallel_loop3A_202 = tpu.vector_load_idx %arg8[%add3A_9, %parallel_loop3A_197] : memref<128x128xf32, #tpu.memory_space<vmem>>[vector<16xi32>, vector<16xi32>], vector<16xf32>,
        %parallel_loop3A_203 = arith.index_cast %parallel_loop3A_196 : i32 to index
        %parallel_loop3A_204 = arith.constant 16 : index
        %parallel_loop3A_205 = tpu.vector_load %arg10[%parallel_loop3A_203, %parallel_loop3A_204] {strides = array<i32>} : memref<64x128xf32, #tpu.memory_space<vmem>>, vector<16xf32>,
        tpu.vector_store %arg10[%parallel_loop3A_203, %parallel_loop3A_204], %parallel_loop3A_202 {strides = array<i32>} : memref<64x128xf32, #tpu.memory_space<vmem>>, vector<16xf32>,
        %parallel_loop3A_206 = tpu.vector_load_idx %arg8[%add3A_13, %parallel_loop3A_197] : memref<128x128xf32, #tpu.memory_space<vmem>>[vector<16xi32>, vector<16xi32>], vector<16xf32>,
        %parallel_loop3A_207 = arith.index_cast %parallel_loop3A_196 : i32 to index
        %parallel_loop3A_208 = arith.constant 32 : index
        %parallel_loop3A_209 = tpu.vector_load %arg10[%parallel_loop3A_207, %parallel_loop3A_208] {strides = array<i32>} : memref<64x128xf32, #tpu.memory_space<vmem>>, vector<16xf32>,
        tpu.vector_store %arg10[%parallel_loop3A_207, %parallel_loop3A_208], %parallel_loop3A_206 {strides = array<i32>} : memref<64x128xf32, #tpu.memory_space<vmem>>, vector<16xf32>,
        %parallel_loop3A_210 = tpu.vector_load_idx %arg8[%add3A_17, %parallel_loop3A_197] : memref<128x128xf32, #tpu.memory_space<vmem>>[vector<16xi32>, vector<16xi32>], vector<16xf32>,
        %parallel_loop3A_211 = arith.index_cast %parallel_loop3A_196 : i32 to index
        %parallel_loop3A_212 = arith.constant 48 : index
        %parallel_loop3A_213 = tpu.vector_load %arg10[%parallel_loop3A_211, %parallel_loop3A_212] {strides = array<i32>} : memref<64x128xf32, #tpu.memory_space<vmem>>, vector<16xf32>,
        tpu.vector_store %arg10[%parallel_loop3A_211, %parallel_loop3A_212], %parallel_loop3A_210 {strides = array<i32>} : memref<64x128xf32, #tpu.memory_space<vmem>>, vector<16xf32>,
        %parallel_loop3A_214 = tpu.vector_load_idx %arg8[%add3A_21, %parallel_loop3A_197] : memref<128x128xf32, #tpu.memory_space<vmem>>[vector<16xi32>, vector<16xi32>], vector<16xf32>,
        %parallel_loop3A_215 = arith.index_cast %parallel_loop3A_196 : i32 to index
        %parallel_loop3A_216 = arith.constant 64 : index
        %parallel_loop3A_217 = tpu.vector_load %arg10[%parallel_loop3A_215, %parallel_loop3A_216] {strides = array<i32>} : memref<64x128xf32, #tpu.memory_space<vmem>>, vector<16xf32>,
        tpu.vector_store %arg10[%parallel_loop3A_215, %parallel_loop3A_216], %parallel_loop3A_214 {strides = array<i32>} : memref<64x128xf32, #tpu.memory_space<vmem>>, vector<16xf32>,
        %parallel_loop3A_218 = tpu.vector_load_idx %arg8[%add3A_25, %parallel_loop3A_197] : memref<128x128xf32, #tpu.memory_space<vmem>>[vector<16xi32>, vector<16xi32>], vector<16xf32>,
        %parallel_loop3A_219 = arith.index_cast %parallel_loop3A_196 : i32 to index
        %parallel_loop3A_220 = arith.constant 80 : index
        %parallel_loop3A_221 = tpu.vector_load %arg10[%parallel_loop3A_219, %parallel_loop3A_220] {strides = array<i32>} : memref<64x128xf32, #tpu.memory_space<vmem>>, vector<16xf32>,
        tpu.vector_store %arg10[%parallel_loop3A_219, %parallel_loop3A_220], %parallel_loop3A_218 {strides = array<i32>} : memref<64x128xf32, #tpu.memory_space<vmem>>, vector<16xf32>,
        %parallel_loop3A_222 = tpu.vector_load_idx %arg8[%add3A_29, %parallel_loop3A_197] : memref<128x128xf32, #tpu.memory_space<vmem>>[vector<16xi32>, vector<16xi32>], vector<16xf32>,
        %parallel_loop3A_223 = arith.index_cast %parallel_loop3A_196 : i32 to index
        %parallel_loop3A_224 = arith.constant 96 : index
        %parallel_loop3A_225 = tpu.vector_load %arg10[%parallel_loop3A_223, %parallel_loop3A_224] {strides = array<i32>} : memref<64x128xf32, #tpu.memory_space<vmem>>, vector<16xf32>,
        tpu.vector_store %arg10[%parallel_loop3A_223, %parallel_loop3A_224], %parallel_loop3A_222 {strides = array<i32>} : memref<64x128xf32, #tpu.memory_space<vmem>>, vector<16xf32>,
        %parallel_loop3A_226 = tpu.vector_load_idx %arg8[%add3A_33, %parallel_loop3A_197] : memref<128x128xf32, #tpu.memory_space<vmem>>[vector<16xi32>, vector<16xi32>], vector<16xf32>,
        %parallel_loop3A_227 = arith.index_cast %parallel_loop3A_196 : i32 to index
        %parallel_loop3A_228 = arith.constant 112 : index
        %parallel_loop3A_229 = tpu.vector_load %arg10[%parallel_loop3A_227, %parallel_loop3A_228] {strides = array<i32>} : memref<64x128xf32, #tpu.memory_space<vmem>>, vector<16xf32>,
        tpu.vector_store %arg10[%parallel_loop3A_227, %parallel_loop3A_228], %parallel_loop3A_226 {strides = array<i32>} : memref<64x128xf32, #tpu.memory_space<vmem>>, vector<16xf32>,
      } {sc.loop_unroll_factor = 32 : i64, sc.parallel_access}
      %dma_start3A_158 = arith.constant 0 : i32
      %dma_start3A_159 = tpu.memref_slice %arg4[%add3A_135, %dma_start3A_158, %mul3A_2] : memref<200x64x4096xf32, #tpu.memory_space<hbm>> -> memref<1x64x128xf32, #tpu.memory_space<hbm>>
      %dma_start3A_160 = tpu.memref_squeeze %dma_start3A_159 : memref<1x64x128xf32, #tpu.memory_space<hbm>> -> memref<64x128xf32, #tpu.memory_space<hbm>>
      %dma_start3A_161 = arith.constant 0 : i32
      %dma_start3A_162 = tpu.memref_slice %arg4[%add3A_135, %dma_start3A_161, %mul3A_2] : memref<200x64x4096xf32, #tpu.memory_space<hbm>> -> memref<1x64x128xf32, #tpu.memory_space<hbm>>
      %dma_start3A_163 = tpu.memref_squeeze %dma_start3A_162 : memref<1x64x128xf32, #tpu.memory_space<hbm>> -> memref<64x128xf32, #tpu.memory_space<hbm>>
      tpu.enqueue_dma source(%arg10 : memref<64x128xf32, #tpu.memory_space<vmem>>) target(%dma_start3A_163 : memref<64x128xf32, #tpu.memory_space<hbm>>) target_semaphore(%arg16 : memref<!tpu.dma_semaphore, #tpu.memory_space<semaphore_mem>>)
      %mul3A_164 = arith.constant 4 : i32
      %mul3A_165 = arith.muli %scan3A_72, %mul3A_164 : i32
      %add3A_166 = arith.constant 3 : i32
      %add3A_167 = arith.addi %mul3A_165, %add3A_166 : i32
      %dma_wait3A_168 = arith.constant 0 : i32
      %dma_wait3A_169 = arith.constant 0 : i32
      %dma_wait3A_170 = tpu.memref_slice %arg5[%dma_wait3A_168, %dma_wait3A_169] : memref<200x128xi32, #tpu.memory_space<vmem>> -> memref<1x128xi32, #tpu.memory_space<vmem>>
      %dma_wait3A_171 = tpu.memref_squeeze %dma_wait3A_170 : memref<1x128xi32, #tpu.memory_space<vmem>> -> memref<128xi32, #tpu.memory_space<vmem>>
      %dma_wait3A_172 = arith.constant 0 : i32
      %dma_wait3A_173 = arith.constant 0 : i32
      %dma_wait3A_174 = tpu.memref_slice %arg2[%dma_wait3A_172, %dma_wait3A_173] : memref<1000000x128xf32, #tpu.memory_space<hbm>> -> memref<1000000x128xf32, #tpu.memory_space<hbm>>
      tpu.wait_indirect_dma semaphore(%arg15 : memref<!tpu.dma_semaphore, #tpu.memory_space<semaphore_mem>>) src(%dma_wait3A_174 : memref<1000000x128xf32, #tpu.memory_space<hbm>>) dst(%arg9 : memref<128x128xf32, #tpu.memory_space<vmem>>)
      %add3A_175 = arith.constant 3 : i32
      %add3A_176 = arith.addi %add3A_167, %add3A_175 : i32
      %lt3A_177 = arith.constant 200 : i32
      %lt3A_178 = arith.cmpi slt, %add3A_176, %lt3A_177 : i32
      %convert_element_type3A_179 = arith.extui %lt3A_178 : i1 to i32
      %cond3A_180 = arith.constant 0 : i32
      %cond3A_181 = arith.cmpi ne, %convert_element_type3A_179, %cond3A_180 : i32
      scf.if %cond3A_181 {
        %add3A_196 = arith.constant 3 : i32
        %add3A_197 = arith.addi %add3A_167, %add3A_196 : i32
        %dma_start3A_198 = arith.constant 0 : i32
        %dma_start3A_199 = tpu.memref_slice %arg5[%add3A_197, %dma_start3A_198] : memref<200x128xi32, #tpu.memory_space<vmem>> -> memref<1x128xi32, #tpu.memory_space<vmem>>
        %dma_start3A_200 = tpu.memref_squeeze %dma_start3A_199 : memref<1x128xi32, #tpu.memory_space<vmem>> -> memref<128xi32, #tpu.memory_space<vmem>>
        %dma_start3A_201 = arith.constant 0 : i32
        %dma_start3A_202 = arith.constant 0 : i32
        %dma_start3A_203 = tpu.memref_slice %arg2[%dma_start3A_201, %dma_start3A_202] : memref<1000000x128xf32, #tpu.memory_space<hbm>> -> memref<1000000x128xf32, #tpu.memory_space<hbm>>
        tpu.enqueue_indirect_dma source(%dma_start3A_203 : memref<1000000x128xf32, #tpu.memory_space<hbm>>) target(%arg8 : memref<128x128xf32, #tpu.memory_space<vmem>>) offsets(%dma_start3A_200 : memref<128xi32, #tpu.memory_space<vmem>>) semaphore(%arg14 : memref<!tpu.dma_semaphore, #tpu.memory_space<semaphore_mem>>)
      } else {
      }
      %ge3A_182 = arith.constant 2 : i32
      %ge3A_183 = arith.cmpi sge, %add3A_167, %ge3A_182 : i32
      %convert_element_type3A_184 = arith.extui %ge3A_183 : i1 to i32
      %cond3A_185 = arith.constant 0 : i32
      %cond3A_186 = arith.cmpi ne, %convert_element_type3A_184, %cond3A_185 : i32
      scf.if %cond3A_186 {
        %dma_wait3A_196 = arith.constant 0 : i32
        %dma_wait3A_197 = arith.constant 0 : i32
        %dma_wait3A_198 = tpu.memref_slice %arg4[%dma_wait3A_196, %dma_wait3A_197, %mul3A_2] : memref<200x64x4096xf32, #tpu.memory_space<hbm>> -> memref<1x64x128xf32, #tpu.memory_space<hbm>>
        %dma_wait3A_199 = tpu.memref_squeeze %dma_wait3A_198 : memref<1x64x128xf32, #tpu.memory_space<hbm>> -> memref<64x128xf32, #tpu.memory_space<hbm>>
        %dma_wait3A_200 = arith.constant 0 : i32
        %dma_wait3A_201 = tpu.memref_slice %arg4[%dma_wait3A_196, %dma_wait3A_200, %mul3A_2] : memref<200x64x4096xf32, #tpu.memory_space<hbm>> -> memref<1x64x128xf32, #tpu.memory_space<hbm>>
        %dma_wait3A_202 = tpu.memref_squeeze %dma_wait3A_201 : memref<1x64x128xf32, #tpu.memory_space<hbm>> -> memref<64x128xf32, #tpu.memory_space<hbm>>
        tpu.wait_dma2 semaphore(%arg17 : memref<!tpu.dma_semaphore, #tpu.memory_space<semaphore_mem>>) src(%arg11 : memref<64x128xf32, #tpu.memory_space<vmem>>) dst(%dma_wait3A_202 : memref<64x128xf32, #tpu.memory_space<hbm>>)
      } else {
      }
      %parallel_loop3A_187 = arith.constant 0 : i32
      %parallel_loop3A_188 = arith.constant 64 : i32
      %parallel_loop3A_189 = arith.constant 1 : i32
      scf.for %parallel_loop3A_196 = %parallel_loop3A_187 to %parallel_loop3A_188 step %parallel_loop3A_189  : i32 {
        %parallel_loop3A_197 = vector.broadcast %parallel_loop3A_196 : i32 to vector<16xi32>
        %parallel_loop3A_198 = tpu.vector_load_idx %arg9[%add3A_5, %parallel_loop3A_197] : memref<128x128xf32, #tpu.memory_space<vmem>>[vector<16xi32>, vector<16xi32>], vector<16xf32>,
        %parallel_loop3A_199 = arith.index_cast %parallel_loop3A_196 : i32 to index
        %parallel_loop3A_200 = arith.constant 0 : index
        %parallel_loop3A_201 = tpu.vector_load %arg11[%parallel_loop3A_199, %parallel_loop3A_200] {strides = array<i32>} : memref<64x128xf32, #tpu.memory_space<vmem>>, vector<16xf32>,
        tpu.vector_store %arg11[%parallel_loop3A_199, %parallel_loop3A_200], %parallel_loop3A_198 {strides = array<i32>} : memref<64x128xf32, #tpu.memory_space<vmem>>, vector<16xf32>,
        %parallel_loop3A_202 = tpu.vector_load_idx %arg9[%add3A_9, %parallel_loop3A_197] : memref<128x128xf32, #tpu.memory_space<vmem>>[vector<16xi32>, vector<16xi32>], vector<16xf32>,
        %parallel_loop3A_203 = arith.index_cast %parallel_loop3A_196 : i32 to index
        %parallel_loop3A_204 = arith.constant 16 : index
        %parallel_loop3A_205 = tpu.vector_load %arg11[%parallel_loop3A_203, %parallel_loop3A_204] {strides = array<i32>} : memref<64x128xf32, #tpu.memory_space<vmem>>, vector<16xf32>,
        tpu.vector_store %arg11[%parallel_loop3A_203, %parallel_loop3A_204], %parallel_loop3A_202 {strides = array<i32>} : memref<64x128xf32, #tpu.memory_space<vmem>>, vector<16xf32>,
        %parallel_loop3A_206 = tpu.vector_load_idx %arg9[%add3A_13, %parallel_loop3A_197] : memref<128x128xf32, #tpu.memory_space<vmem>>[vector<16xi32>, vector<16xi32>], vector<16xf32>,
        %parallel_loop3A_207 = arith.index_cast %parallel_loop3A_196 : i32 to index
        %parallel_loop3A_208 = arith.constant 32 : index
        %parallel_loop3A_209 = tpu.vector_load %arg11[%parallel_loop3A_207, %parallel_loop3A_208] {strides = array<i32>} : memref<64x128xf32, #tpu.memory_space<vmem>>, vector<16xf32>,
        tpu.vector_store %arg11[%parallel_loop3A_207, %parallel_loop3A_208], %parallel_loop3A_206 {strides = array<i32>} : memref<64x128xf32, #tpu.memory_space<vmem>>, vector<16xf32>,
        %parallel_loop3A_210 = tpu.vector_load_idx %arg9[%add3A_17, %parallel_loop3A_197] : memref<128x128xf32, #tpu.memory_space<vmem>>[vector<16xi32>, vector<16xi32>], vector<16xf32>,
        %parallel_loop3A_211 = arith.index_cast %parallel_loop3A_196 : i32 to index
        %parallel_loop3A_212 = arith.constant 48 : index
        %parallel_loop3A_213 = tpu.vector_load %arg11[%parallel_loop3A_211, %parallel_loop3A_212] {strides = array<i32>} : memref<64x128xf32, #tpu.memory_space<vmem>>, vector<16xf32>,
        tpu.vector_store %arg11[%parallel_loop3A_211, %parallel_loop3A_212], %parallel_loop3A_210 {strides = array<i32>} : memref<64x128xf32, #tpu.memory_space<vmem>>, vector<16xf32>,
        %parallel_loop3A_214 = tpu.vector_load_idx %arg9[%add3A_21, %parallel_loop3A_197] : memref<128x128xf32, #tpu.memory_space<vmem>>[vector<16xi32>, vector<16xi32>], vector<16xf32>,
        %parallel_loop3A_215 = arith.index_cast %parallel_loop3A_196 : i32 to index
        %parallel_loop3A_216 = arith.constant 64 : index
        %parallel_loop3A_217 = tpu.vector_load %arg11[%parallel_loop3A_215, %parallel_loop3A_216] {strides = array<i32>} : memref<64x128xf32, #tpu.memory_space<vmem>>, vector<16xf32>,
        tpu.vector_store %arg11[%parallel_loop3A_215, %parallel_loop3A_216], %parallel_loop3A_214 {strides = array<i32>} : memref<64x128xf32, #tpu.memory_space<vmem>>, vector<16xf32>,
        %parallel_loop3A_218 = tpu.vector_load_idx %arg9[%add3A_25, %parallel_loop3A_197] : memref<128x128xf32, #tpu.memory_space<vmem>>[vector<16xi32>, vector<16xi32>], vector<16xf32>,
        %parallel_loop3A_219 = arith.index_cast %parallel_loop3A_196 : i32 to index
        %parallel_loop3A_220 = arith.constant 80 : index
        %parallel_loop3A_221 = tpu.vector_load %arg11[%parallel_loop3A_219, %parallel_loop3A_220] {strides = array<i32>} : memref<64x128xf32, #tpu.memory_space<vmem>>, vector<16xf32>,
        tpu.vector_store %arg11[%parallel_loop3A_219, %parallel_loop3A_220], %parallel_loop3A_218 {strides = array<i32>} : memref<64x128xf32, #tpu.memory_space<vmem>>, vector<16xf32>,
        %parallel_loop3A_222 = tpu.vector_load_idx %arg9[%add3A_29, %parallel_loop3A_197] : memref<128x128xf32, #tpu.memory_space<vmem>>[vector<16xi32>, vector<16xi32>], vector<16xf32>,
        %parallel_loop3A_223 = arith.index_cast %parallel_loop3A_196 : i32 to index
        %parallel_loop3A_224 = arith.constant 96 : index
        %parallel_loop3A_225 = tpu.vector_load %arg11[%parallel_loop3A_223, %parallel_loop3A_224] {strides = array<i32>} : memref<64x128xf32, #tpu.memory_space<vmem>>, vector<16xf32>,
        tpu.vector_store %arg11[%parallel_loop3A_223, %parallel_loop3A_224], %parallel_loop3A_222 {strides = array<i32>} : memref<64x128xf32, #tpu.memory_space<vmem>>, vector<16xf32>,
        %parallel_loop3A_226 = tpu.vector_load_idx %arg9[%add3A_33, %parallel_loop3A_197] : memref<128x128xf32, #tpu.memory_space<vmem>>[vector<16xi32>, vector<16xi32>], vector<16xf32>,
        %parallel_loop3A_227 = arith.index_cast %parallel_loop3A_196 : i32 to index
        %parallel_loop3A_228 = arith.constant 112 : index
        %parallel_loop3A_229 = tpu.vector_load %arg11[%parallel_loop3A_227, %parallel_loop3A_228] {strides = array<i32>} : memref<64x128xf32, #tpu.memory_space<vmem>>, vector<16xf32>,
        tpu.vector_store %arg11[%parallel_loop3A_227, %parallel_loop3A_228], %parallel_loop3A_226 {strides = array<i32>} : memref<64x128xf32, #tpu.memory_space<vmem>>, vector<16xf32>,
      } {sc.loop_unroll_factor = 32 : i64, sc.parallel_access}
      %dma_start3A_190 = arith.constant 0 : i32
      %dma_start3A_191 = tpu.memref_slice %arg4[%add3A_167, %dma_start3A_190, %mul3A_2] : memref<200x64x4096xf32, #tpu.memory_space<hbm>> -> memref<1x64x128xf32, #tpu.memory_space<hbm>>
      %dma_start3A_192 = tpu.memref_squeeze %dma_start3A_191 : memref<1x64x128xf32, #tpu.memory_space<hbm>> -> memref<64x128xf32, #tpu.memory_space<hbm>>
      %dma_start3A_193 = arith.constant 0 : i32
      %dma_start3A_194 = tpu.memref_slice %arg4[%add3A_167, %dma_start3A_193, %mul3A_2] : memref<200x64x4096xf32, #tpu.memory_space<hbm>> -> memref<1x64x128xf32, #tpu.memory_space<hbm>>
      %dma_start3A_195 = tpu.memref_squeeze %dma_start3A_194 : memref<1x64x128xf32, #tpu.memory_space<hbm>> -> memref<64x128xf32, #tpu.memory_space<hbm>>
      tpu.enqueue_dma source(%arg11 : memref<64x128xf32, #tpu.memory_space<vmem>>) target(%dma_start3A_195 : memref<64x128xf32, #tpu.memory_space<hbm>>) target_semaphore(%arg17 : memref<!tpu.dma_semaphore, #tpu.memory_space<semaphore_mem>>)
    }
    %scan3A_58 = arith.constant 50 : i32
    %dma_wait3A = arith.constant 0 : i32
    %dma_wait3A_59 = arith.constant 0 : i32
    %dma_wait3A_60 = tpu.memref_slice %arg4[%dma_wait3A, %dma_wait3A_59, %mul3A_2] : memref<200x64x4096xf32, #tpu.memory_space<hbm>> -> memref<1x64x128xf32, #tpu.memory_space<hbm>>
    %dma_wait3A_61 = tpu.memref_squeeze %dma_wait3A_60 : memref<1x64x128xf32, #tpu.memory_space<hbm>> -> memref<64x128xf32, #tpu.memory_space<hbm>>
    %dma_wait3A_62 = arith.constant 0 : i32
    %dma_wait3A_63 = tpu.memref_slice %arg4[%dma_wait3A, %dma_wait3A_62, %mul3A_2] : memref<200x64x4096xf32, #tpu.memory_space<hbm>> -> memref<1x64x128xf32, #tpu.memory_space<hbm>>
    %dma_wait3A_64 = tpu.memref_squeeze %dma_wait3A_63 : memref<1x64x128xf32, #tpu.memory_space<hbm>> -> memref<64x128xf32, #tpu.memory_space<hbm>>
    tpu.wait_dma2 semaphore(%arg16 : memref<!tpu.dma_semaphore, #tpu.memory_space<semaphore_mem>>) src(%arg10 : memref<64x128xf32, #tpu.memory_space<vmem>>) dst(%dma_wait3A_64 : memref<64x128xf32, #tpu.memory_space<hbm>>)
    %dma_wait3A_65 = arith.constant 0 : i32
    %dma_wait3A_66 = arith.constant 0 : i32
    %dma_wait3A_67 = tpu.memref_slice %arg4[%dma_wait3A_65, %dma_wait3A_66, %mul3A_2] : memref<200x64x4096xf32, #tpu.memory_space<hbm>> -> memref<1x64x128xf32, #tpu.memory_space<hbm>>
    %dma_wait3A_68 = tpu.memref_squeeze %dma_wait3A_67 : memref<1x64x128xf32, #tpu.memory_space<hbm>> -> memref<64x128xf32, #tpu.memory_space<hbm>>
    %dma_wait3A_69 = arith.constant 0 : i32
    %dma_wait3A_70 = tpu.memref_slice %arg4[%dma_wait3A_65, %dma_wait3A_69, %mul3A_2] : memref<200x64x4096xf32, #tpu.memory_space<hbm>> -> memref<1x64x128xf32, #tpu.memory_space<hbm>>
    %dma_wait3A_71 = tpu.memref_squeeze %dma_wait3A_70 : memref<1x64x128xf32, #tpu.memory_space<hbm>> -> memref<64x128xf32, #tpu.memory_space<hbm>>
    tpu.wait_dma2 semaphore(%arg17 : memref<!tpu.dma_semaphore, #tpu.memory_space<semaphore_mem>>) src(%arg11 : memref<64x128xf32, #tpu.memory_space<vmem>>) dst(%dma_wait3A_71 : memref<64x128xf32, #tpu.memory_space<hbm>>)
    return
  }
}

module attributes {stable_mosaic.version = 14 : i64} {
  func.func @p0_body(%arg0: i32, %arg1: memref<64x4096xf32, #tpu.memory_space<vmem>>, %arg2: memref<4096x128xf32, #tpu.memory_space<vmem>>) attributes {dimension_semantics = [#tpu.dimension_semantics<arbitrary>], iteration_bounds = array<i64: 245>, scalar_prefetch = 0 : i64, scratch_operands = 0 : i64, tpu.core_type = #tpu.core_type<tc>, window_params = [{transform_indices = @transform_0, window_bounds = array<i64: 64, 4096>}, {transform_indices = @transform_1, window_bounds = array<i64: 4096, 128>}]} {
    %iota3A = tpu.iota {dimensions = array<i32: 0>} : vector<64x64xi32>
    %iota3A_0 = tpu.iota {dimensions = array<i32: 1>} : vector<64x64xi32>
    %add3A = arith.constant 0 : i32
    %add3A_1 = vector.broadcast %add3A : i32 to vector<64x64xi32>
    %add3A_2 = arith.addi %iota3A, %add3A_1 : vector<64x64xi32>
    %eq3A = arith.cmpi eq, %add3A_2, %iota3A_0 : vector<64x64xi32>
    %convert_element_type3A = arith.extui %eq3A : vector<64x64xi1> to vector<64x64xi32>
    %convert_element_type3A_3 = arith.sitofp %convert_element_type3A : vector<64x64xi32> to vector<64x64xf32>
    %mul3A = arith.constant 8.000000e+00 : f32
    %mul3A_4 = vector.broadcast %mul3A : f32 to vector<64x64xf32>
    %mul3A_5 = arith.mulf %mul3A_4, %convert_element_type3A_3 : vector<64x64xf32>
    %get3A = arith.constant 0 : index
    %get3A_6 = arith.constant 0 : index
    %get3A_7 = vector.load %arg1[%get3A, %get3A_6] : memref<64x4096xf32, #tpu.memory_space<vmem>>, vector<64x4096xf32>
    %dot_general3A = arith.constant dense<0.000000e+00> : vector<4096x64xf32>
    %dot_general3A_8 = tpu.matmul %get3A_7, %mul3A_5, %dot_general3A {dimension_numbers = #tpu.dot_dimension_numbers<[0], [0], [1], [1], [0, 1, 1, 1], [], []>, transpose_lhs_hint = false} : vector<64x4096xf32>, vector<64x64xf32>, vector<4096x64xf32> -> vector<4096x64xf32>
    %swap3A = arith.constant 0 : index
    %swap3A_9 = arith.constant 0 : index
    %swap3A_10 = vector.load %arg2[%swap3A, %swap3A_9] : memref<4096x128xf32, #tpu.memory_space<vmem>>, vector<4096x64xf32>
    tpu.vector_store %arg2[%swap3A, %swap3A_9], %dot_general3A_8 {strides = array<i32>} : memref<4096x128xf32, #tpu.memory_space<vmem>>, vector<4096x64xf32>,
    return
  }
  func.func @transform_0(%arg0: i32) -> (i32, i32) {
    %c0_i32 = arith.constant 0 : i32
    %c0_i32_0 = arith.constant 0 : i32
    return %c0_i32, %arg0 : i32, i32
  }
  func.func @transform_1(%arg0: i32) -> (i32, i32) {
    %c0_i32 = arith.constant 0 : i32
    %c0_i32_0 = arith.constant 0 : i32
    return %arg0, %c0_i32 : i32, i32
  }
}

</mosaic_0001>

<sc_bundles>
// kernel: kernel.4.cloned.1.call-start
scs
__scs_entry_jumppad:
0x0: {  	(pc) =	sbr.rel $0x88, $3  }
0x1: {  	(tag) =	ssettag $0x0;
	lr =	simm.s32 $0x1  }
0x2: {  	[smem:$0x3F9F] =	sst lr;
	_ =	strace $0xD0000000  }
0x3: {  	_ = 	snop  }
0x4: {  	_ = 	snop  }
0x5: {  	_ = 	snop  }
0x6: {  	_ = 	snop  }
0x7: {  	_ = 	snop  }
__scs_overlays_trampoline_lowered:
0x8: {  	[smem:$0x3FAE] =	sst s0  }
0x9: {  	[smem:$0x3FAF] =	sst s1  }
0xa: {  	[smem:$0x3FB0] =	sst s2  }
0xb: {  	[smem:$0x3FB1] =	sst s3  }
0xc: {  	[smem:$0x3FB2] =	sst s4  }
0xd: {  	[smem:$0x3FB3] =	sst s5  }
0xe: {  	[smem:$0x3FB4] =	sst s6  }
0xf: {  	[smem:$0x3FB5] =	sst s7  }
0x10: {  	[smem:$0x3FB6] =	sst s8  }
0x11: {  	[smem:$0x3FB7] =	sst s9;
	s0 =	simm.s32 @!p0 $0x0  }
0x12: {  	s1 =	sld [smem:$0x3F9D];
	s0 =	simm.s32 @p0 $0x1  }
0x13: {  	[smem:$0x3FB8] =	sst s0;
	s0 =	simm.s32 @!p1 $0x0  }
0x14: {  	s2 =	sld [smem:$0x3F9C];
	s0 =	simm.s32 @p1 $0x1  }
0x15: {  	[smem:$0x3FB9] =	sst s0;
	s0 =	simm.s32 @!p2 $0x0  }
0x16: {  	s3 =	sld [smem:$0x3FDB];
	s0 =	simm.s32 @p2 $0x1  }
0x17: {  	s4 =	simm.s32 $0x1BF5;
	[smem:$0x3FBB] =	sst s0  }
0x18: {  	s0 =	sld [smem:$0x3F9E];
	_ =	swait.ge [sflag:s4], $0x0  }
0x19: {  	s7 =	sld [smem:$0x3F9F]  }
0x1a: {  	s8 =	sadd.s32 $0xFFFFE003, lr  }
0x1b: {  	s9 =	sadd.s32 $0xFFFFFEF7, lr;
	s5 =	simm.s32 $0xFFFFFFFF;
	p2 =	slt.u32 s8, $0xFFFFF086  }
0x1c: {  	p1 =	slt.u32 s9, $0xF7A;
	s5 =	simm.s32 @!p2 $0x0  }
0x1d: {  	s5 =	simm.s32 @p1 $0x1;
	p0 =	seq.s32 s7, s2  }
0x1e: {  	s7 =	smul.u32 @!p0 $0xF7A, s2;
	p2 =	seq.s32 @!p0 s5, $0x0  }
0x1f: {  	s9 =	smul.u32 $0xF7A, s1;
	s8 =	simm.s32 @!p0 $0x1BF5;
	p2 =	por !p2, p0  }
0x20: {  	[sflag:s8] =	ssyncset.s32 @!p0 $0xFFFFF086;
	s6 =	sadd.s32 @!p0 s3, s7;
	s7 =	simm.s32 @!p0 $0x108  }
0x21: {  	s3 =	sadd.s32 s3, s9;
	s6 =	sadd.s32 @!p0 $0x88, s6;
	s7 =	simm.s32 @p2 $0x1082  }
0x22: {  	[simem:s7], [sflag:s8] =	dma.local @!p0 [hbm:s6], $0xF7A  }
0x23: {  	s9 =	sor.u32 $0xD0000000, s2;
	s6 =	simm.s32 $0x108;
	_ =	swait.ge @!p0 [sflag:s8], $0x0  }
0x24: {  	s3 =	sadd.s32 $0x88, s3;
	s6 =	simm.s32 @!p1 $0x1082;
	[sflag:s4] =	ssyncset.s32 $0xFFFFF086  }
0x25: {  	[simem:s6], [sflag:s4] =	dma.local [hbm:s3], $0xF7A  }
0x26: {  	[smem:$0x3F9F] =	sst s1;
	(tag) =	ssettag s2;
	_ =	strace s9  }
0x27: {  	s1 =	sld [smem:$0x3FAF]  }
0x28: {  	s2 =	sld [smem:$0x3FB0]  }
0x29: {  	s4 =	sld [smem:$0x3FB2]  }
0x2a: {  	p0 =	seq.s32 s5, $0x0;
	s5 =	sld [smem:$0x3FB3]  }
0x2b: {  	s6 =	sld [smem:$0x3FB4]  }
0x2c: {  	s7 =	sld [smem:$0x3FB5]  }
0x2d: {  	s3 =	simm.s32 $0x108;
	s8 =	sld [smem:$0x3FB6]  }
0x2e: {  	s3 =	simm.s32 @!p0 $0x1082;
	s9 =	sld [smem:$0x3FB7]  }
0x2f: {  	lr =	sadd.s32 s0, s3;
	s0 =	sld [smem:$0x3FAE]  }
0x30: {  	s3 =	sld [smem:$0x3FB1]  }
0x31: {  	[smem:$0x3FBA] =	sst s10  }
0x32: {  	s10 =	sld [smem:$0x3FB8];
	_ =	sdelay $0x3  }
0x33: {  	p0 =	seq.s32 s10, $0x1;
	s10 =	sld [smem:$0x3FBA];
	_ =	sdelay $0x3  }
0x34: {  	[smem:$0x3FBA] =	sst s10  }
0x35: {  	s10 =	sld [smem:$0x3FB9];
	_ =	sdelay $0x3  }
0x36: {  	p1 =	seq.s32 s10, $0x1;
	s10 =	sld [smem:$0x3FBA];
	_ =	sdelay $0x3  }
0x37: {  	[smem:$0x3FBA] =	sst s10  }
0x38: {  	s10 =	sld [smem:$0x3FBB]  }
0x39: {  	_ = 	snop;
	(pc) =	sbr.ind lr, $3  }
0x3a: {  	_ = 	snop  }
0x3b: {  	_ = 	snop  }
0x3c: {  	p2 =	seq.s32 s10, $0x1;
	s10 =	sld [smem:$0x3FBA]  }
0x3d: {  	_ =	shalt  }
0x3e: {  	_ =	shalt  }
0x3f: {  	_ =	shalt  }
0x40: {  	_ =	shalt  }
0x41: {  	_ =	shalt  }
0x42: {  	_ =	shalt  }
0x43: {  	_ =	shalt  }
0x44: {  	_ =	shalt  }
0x45: {  	_ =	shalt  }
0x46: {  	_ =	shalt  }
0x47: {  	_ =	shalt  }
0x48: {  	_ =	shalt  }
0x49: {  	_ =	shalt  }
0x4a: {  	_ =	shalt  }
0x4b: {  	_ =	shalt  }
0x4c: {  	_ =	shalt  }
0x4d: {  	_ =	shalt  }
0x4e: {  	_ =	shalt  }
0x4f: {  	_ =	shalt  }
0x50: {  	_ =	shalt  }
0x51: {  	_ =	shalt  }
0x52: {  	_ =	shalt  }
0x53: {  	_ =	shalt  }
0x54: {  	_ =	shalt  }
0x55: {  	_ =	shalt  }
0x56: {  	_ =	shalt  }
0x57: {  	_ =	shalt  }
0x58: {  	_ =	shalt  }
0x59: {  	_ =	shalt  }
0x5a: {  	_ =	shalt  }
0x5b: {  	_ =	shalt  }
0x5c: {  	_ =	shalt  }
0x5d: {  	_ =	shalt  }
0x5e: {  	_ =	shalt  }
0x5f: {  	_ =	shalt  }
0x60: {  	_ =	shalt  }
0x61: {  	_ =	shalt  }
0x62: {  	_ =	shalt  }
0x63: {  	_ =	shalt  }
0x64: {  	_ =	shalt  }
0x65: {  	_ =	shalt  }
0x66: {  	_ =	shalt  }
0x67: {  	_ =	shalt  }
0x68: {  	_ =	shalt  }
0x69: {  	_ =	shalt  }
0x6a: {  	_ =	shalt  }
0x6b: {  	_ =	shalt  }
0x6c: {  	_ =	shalt  }
0x6d: {  	_ =	shalt  }
0x6e: {  	_ =	shalt  }
0x6f: {  	_ =	shalt  }
0x70: {  	_ =	shalt  }
0x71: {  	_ =	shalt  }
0x72: {  	_ =	shalt  }
0x73: {  	_ =	shalt  }
0x74: {  	_ =	shalt  }
0x75: {  	_ =	shalt  }
0x76: {  	_ =	shalt  }
0x77: {  	_ =	shalt  }
0x78: {  	_ =	shalt  }
0x79: {  	_ =	shalt  }
0x7a: {  	_ =	shalt  }
0x7b: {  	_ =	shalt  }
0x7c: {  	_ =	shalt  }
0x7d: {  	_ =	shalt  }
0x7e: {  	_ =	shalt  }
0x7f: {  	_ =	shalt  }
0x80: {  	_ =	shalt  }
0x81: {  	_ =	shalt  }
0x82: {  	_ =	shalt  }
0x83: {  	_ =	shalt  }
0x84: {  	_ =	shalt  }
0x85: {  	_ =	shalt  }
0x86: {  	_ =	shalt  }
0x87: {  	_ =	shalt  }
.Lfunc_end0:
.L_simem_size_0:
called_computation_lowered:
.L_overlay_start_0:
0x88: {  	s2 =	sld [smem:$0x3FD9]  }
0x89: {  	s3 =	sld [smem:$0x3FFE];
	_ =	sdelay $0x1  }
0x8a: {  	s1 =	srdreg.scid  }
0x8b: {  	s0 =	sand.u32 $0x1, s1  }
0x8c: {  	s17 =	sshll.u32 s0, $0xA;
	s2 =	sadd.s32 s3, s2  }
0x8d: {  	s2 =	sadd.s32 s2, s17  }
0x8e: {  	[smem:$0x3FC6] =	sst s2  }
0x8f: {  	_ = 	snop  }
0x90: {  	s2 =	sld [smem:$0x3FC9]  }
0x91: {  	s18 =	sld [smem:$0x3FD0];
	(tm) =	ssettm $0x1  }
0x92: {  	s4 =	sld [smem:$0x3FFB];
	_ =	sdelay $0x3  }
0x93: {  	_ =	strace s4  }
0x94: {  	s4 =	sld [smem:$0x3FFC];
	_ =	sdelay $0x3  }
0x95: {  	_ =	strace s4  }
0x96: {  	s4 =	sld [smem:$0x3FFD];
	_ =	sdelay $0x3  }
0x97: {  	_ =	strace s4  }
0x98: {  	_ =	strace $0x8FFFFFFF  }
0x99: {  	s19 =	sld [smem:$0x3FDB];
	_ =	sdelay $0x1  }
0x9a: {  	s5 =	simm.s32 $_scs_section_size  }
0x9b: {  	s6 =	simm.s32 $_size__tile_overlayer_lowered;
	s7 =	simm.s32 $_tile_overlayer_lowered  }
0x9c: {  	s22 =	simm.s32 $0x1BFF;
	s21 =	sshll.u32 s7, $0x1;
	s4 =	sadd.s32 s5, s19  }
0x9d: {  	s8 =	simm.s32 $0x0;
	s20 =	sshll.u32 s6, $0x1;
	s6 =	sadd.s32 s21, s4  }
0x9e: {  	[timem:s8], [sflag:s22] =	dma.local [hbm:s6], s20  }
0x9f: {  	_ =	swait.ge [sflag:s22], s20  }
0xa0: {  	s5 =	ssub.s32 $0x0, s20;
	[sflag:s22] =	ssyncset.done $0x0  }
0xa1: {  	[sflag:s22] =	ssyncadd.s32 s5;
	_ =	sdelay $0x1  }
0xa2: {  	s23 =	simm.s32 $0x1B8B  }
0xa3: {  	_ =	swait.ge [sflag:s23], $0x1  }
0xa4: {  	[sflag:s23] =	ssyncset.done $0x0  }
0xa5: {  	s25 =	simm.s32 $0x1B8E;
	s24 =	sld [smem:$0x3FFE];
	[sflag:s23] =	ssyncadd.s32 $0xFFFFFFFF  }
0xa6: {  	s26 =	simm.s32 $execute0_lowered;
	[smem:$0x3FD2] =	sst s25  }
0xa7: {  	s6 =	sshll.u32 s26, $0x1;
	_ =	strace $0x80000046;
	[dreg:$0x1] =	wrdreg $0xFFFFFFFF  }
0xa8: {  	s28 =	simm.s32 $_size_execute0_lowered;
	s4 =	sadd.s32 s4, s6;
	[dreg:$0x0] =	wrdreg $0x0  }
0xa9: {  	s6 =	sshll.u32 s28, $0x1;
	[dreg:$0x2] =	wrdreg s4  }
0xaa: {  	[dreg:$0x3] =	wrdreg s6  }
0xab: {  	[dreg:$0x4] =	wrdreg $0xC0  }
0xac: {  	_ =	task [dreg:s8], $0x5FFFF  }
0xad: {  	[dreg:$0x1] =	wrdreg $0xFFFFFFFF  }
0xae: {  	[dreg:$0x0] =	wrdreg $0x60  }
0xaf: {  	[dreg:$0x2] =	wrdreg s24  }
0xb0: {  	[dreg:$0x3] =	wrdreg s2  }
0xb1: {  	[dreg:$0x4] =	wrdreg s18  }
0xb2: {  	[dreg:$0x5] =	wrdreg $0x9  }
0xb3: {  	_ =	task.clear_ibuf [dreg:s8], $0x6FFFF;
	_ =	strace $0x90000046  }
0xb4: {  	s29 =	simm.s32 $0x9;
	_ =	strace $0x80000048  }
0xb5: {  	_ =	swait.ge [sflag:s29], $0x1  }
0xb6: {  	[sflag:s29] =	ssyncadd.s32 $0xFFFFFFFF  }
0xb7: {  	_ =	strace $0x90000048  }
0xb8: {  	_ =	sfence  }
0xb9: {  	s30 =	sld [smem:$0x0];
	_ =	sdelay $0x2  }
0xba: {  	s31 =	sshll.u32 s1, $0xD;
	s1 =	sshrl.u32 s1, $0x2  }
0xbb: {  	s3 =	sand.u32 $0x4000, s31;
	s1 =	sadd.s32 s1, s30  }
0xbc: {  	s0 =	sor.u32 s3, s0;
	s1 =	sshll.u32 s1, $0x11  }
0xbd: {  	s0 =	sor.u32 s1, s0  }
0xbe: {  	s0 =	sadd.s32 $0x8F2B, s0  }
0xbf: {  	[sflag:s0] =	ssyncadd.remote.s32 $0x1  }
0xc0: {  	_ =	sfence.sel $0xFFFF  }
0xc1: {  	[dreg:$0x0] =	wrdreg $0xFFFFFFFF;
	(pc) =	sbr.abs _section_cstart, $3  }
0xc2: {  	[dreg:$0x1] =	wrdreg $0xFFFFFFFF  }
0xc3: {  	_ =	task.clear_ibuf [dreg:s8], $0x2FFFF;
	_ =	strace $0x9FFFFFFF  }
0xc4: {  	(tm) =	ssettm $0x7FFFFFFF  }
0xc5: {  	_ =	shalt  }
tec
execute0_lowered:
.L_overlay_start_1:
0x0: {  	(tag) =	ssettag $0x1  }
0x1: {  	s0 =	rddreg [dreg:$0x0]  }
0x2: {  	s1 =	rddreg [dreg:$0x1]  }
0x3: {  	s20 =	rddreg [dreg:$0x2];
	s2 =	srdreg.scid  }
0x4: {  	s3 =	stileid.u32;
	s5 =	simm.s32 $0x0;
	s10 =	simm.s32 $0x400  }
0x5: {  	s11 =	simm.s32 $0x8000;
	s14 =	simm.s32 $0x6400;
	s15 =	simm.s32 $0xA400  }
0x6: {  	s17 =	simm.s32 $0xE400;
	s19 =	simm.s32 $0x12400;
	s21 =	simm.s32 $0x2  }
0x7: {  	s23 =	simm.s32 $0x3;
	s24 =	simm.s32 $0x5;
	s25 =	simm.s32 $0x4  }
0x8: {  	s2 =	sand.u32 $0x1, s2;
	s3 =	sshll.u32 s3, $0xB;
	[smem:$0x7FF] =	sst s5  }
0x9: {  	v0 =	vlaneseq.u32;
	s30 =	sadd.s32 $0x8000, s20;
	s31 =	sadd.s32 $0x10000, s20;
	s4 =	sshll.u32 s2, $0xA  }
0xa: {  	v0 =	vmul.u32 $0x80, v0;
	s2 =	ssub.s32 $0x2, s2;
	_ =	strace $0x80000047;
	s4 =	sor.u32 s4, s3  }
0xb: {  	[dreg:$0x5] =	wrdreg s30;
	s28 =	sshrl.u32 s2, $0x1;
	s6 =	sshrl.u32 s4, $0x3  }
0xc: {  	[dreg:$0x6] =	wrdreg s31;
	v1 =	vor.u32 $0x800, v0;
	s29 =	ssub.s32 s2, s28;
	s1 =	sadd.s32 s1, s6  }
0xd: {  	s5 =	sadd.s32 $0x400, s0;
	v2 =	vor.u32 $0x1000, v0;
	v3 =	vor.u32 $0x1800, v0;
	v4 =	vor.u32 $0x2000, v0;
	s0 =	smax.u32 s29, $0x1;
	[dreg:$0x4] =	wrdreg s1  }
0xe: {  	s26 =	simm.s32 $0x6;
	v5 =	vor.u32 $0x2800, v0;
	v6 =	vor.u32 $0x3000, v0;
	v7 =	vor.u32 $0x3800, v0;
	[dreg:$0x7] =	wrdreg s0;
	s1 =	simm.s32 $0x0  }
.LBB2_1:
0xf: {  	[dreg:$0x8] =	wrdreg s1  }
0x10: {  	s0 =	simm.s32 $0x0;
	s22 =	rddreg [dreg:$0x4];
	s28 =	simm.s32 $0x7  }
0x11: {  	[tilespmem:s0], [sflag:$0x7] =	stream.strided.gather [hbm4b:s22+s10], $0x6400, s11, s10, $0x38;
	[tilespmem:$0x1A400] =	vst v63  }
0x12: {  	_ =	swait.ge [sflag:s28], $0x6400  }
0x13: {  	[sflag:s28] =	ssyncset.done $0x0  }
0x14: {  	s30 =	simm.s32 $0x80;
	[sflag:s28] =	ssyncadd.s32 $0xFFFF9C00  }
0x15: {  	[tilespmem:s14], [sflag:$0x1] =	stream.indirect.gather [hbm4b:s5+s30], $0x80, s0, s30, $0xb8;
	[tilespmem:$0x1A400] =	vst v63  }
0x16: {  	_ = 	snop  }
0x17: {  	[tilespmem:s15], [sflag:$0x2] =	stream.indirect.gather [hbm4b:s5+s30], $0x80, s30, s30, $0xb8;
	[tilespmem:$0x1A400] =	vst v63  }
0x18: {  	s31 =	simm.s32 $0x100;
	s29 =	simm.s32 $0x0  }
0x19: {  	[tilespmem:s17], [sflag:$0x3] =	stream.indirect.gather [hbm4b:s5+s30], $0x80, s31, s30, $0xb8;
	[tilespmem:$0x1A400] =	vst v63  }
.LBB2_2:
0x1a: {  	s1 =	simm.s32 $0x1  }
0x1b: {  	s30 =	sshllo.u32 s29, $0x2;
	_ =	swait.ge [sflag:s1], $0x4000  }
0x1c: {  	s31 =	simm.s32 $0x80;
	s0 =	sshll.u32 s30, $0x7;
	[sflag:s1] =	ssyncset.done $0x0  }
0x1d: {  	p0 =	seq.s32 s29, $0x0;
	s0 =	sand.u32 $0x3FFFFF80, s0;
	[sflag:s1] =	ssyncadd.s32 $0xFFFFC000  }
0x1e: {  	[tilespmem:s19], [sflag:$0x4] =	stream.indirect.gather [hbm4b:s5+s31], $0x80, s0, s31, $0xb8;
	[tilespmem:$0x1A400] =	vst v63  }
0x1f: {  	s0 =	simm.s32 @!p0 $0x5  }
0x20: {  	_ =	swait.ge @!p0 [sflag:s0], $0x2000  }
0x21: {  	[sflag:s0] =	ssyncset.done @!p0 $0x0  }
0x22: {  	[sflag:s0] =	ssyncadd.s32 @!p0 $0xFFFFE000;
	s0 =	simm.s32 $0x0;
	p0 =	por $0x1, $0x1  }
.LBB2_3:
0x23: {  	v8 =	vmov s0  }
0x24: {  	v8 =	vand.u32 $0x60, v8  }
0x25: {  	v8 =	vbroadcast v8, $0x0;
	_ =	sdelay $0x1  }
0x26: {  	v9 =	vor.u32 v0, v8;
	_ =	sdelay $0x4  }
0x27: {  	v9 =	vld.idx.msk [tilespmem:v9+s14+$0x0], $0xffff  }
0x28: {  	v10 =	vor.u32 v1, v8;
	_ =	sdelay $0x1  }
0x29: {  	s1 =	sshll.u32 s0, $0x7  }
0x2a: {  	s1 =	sand.u32 $0x3FFFFF80, s1  }
0x2b: {  	[tilespmem:s1+$0x16400] =	vst v9  }
0x2c: {  	v9 =	vld.idx.msk [tilespmem:v10+s14+$0x0], $0xffff  }
0x2d: {  	v12 =	vor.u32 v2, v8;
	_ =	sdelay $0x3  }
0x2e: {  	[tilespmem:s1+$0x16410] =	vst v9  }
0x2f: {  	v9 =	vld.idx.msk [tilespmem:v12+s14+$0x0], $0xffff  }
0x30: {  	v13 =	vor.u32 v3, v8;
	_ =	sdelay $0x3  }
0x31: {  	[tilespmem:s1+$0x16420] =	vst v9  }
0x32: {  	v9 =	vld.idx.msk [tilespmem:v13+s14+$0x0], $0xffff  }
0x33: {  	v14 =	vor.u32 v4, v8;
	_ =	sdelay $0x3  }
0x34: {  	[tilespmem:s1+$0x16430] =	vst v9  }
0x35: {  	v9 =	vld.idx.msk [tilespmem:v14+s14+$0x0], $0xffff  }
0x36: {  	v15 =	vor.u32 v5, v8;
	_ =	sdelay $0x1  }
0x37: {  	s2 =	sor.u32 $0x1, s0  }
0x38: {  	v11 =	vmov s2  }
0x39: {  	v16 =	vand.u32 $0x61, v11;
	[tilespmem:s1+$0x16440] =	vst v9  }
0x3a: {  	v11 =	vbroadcast v16, $0x0;
	v10 =	vld.idx.msk [tilespmem:v15+s14+$0x0], $0xffff  }
0x3b: {  	v17 =	vor.u32 v6, v8  }
0x3c: {  	v12 =	vor.u32 v0, v11;
	_ =	sdelay $0x2  }
0x3d: {  	[tilespmem:s1+$0x16450] =	vst v10  }
0x3e: {  	v13 =	vld.idx.msk [tilespmem:v17+s14+$0x0], $0xffff  }
0x3f: {  	v9 =	vld.idx.msk [tilespmem:v12+s14+$0x0], $0xffff  }
0x40: {  	v18 =	vor.u32 v1, v11;
	_ =	sdelay $0x1  }
0x41: {  	s2 =	sshll.u32 s2, $0x7  }
0x42: {  	s2 =	sand.u32 $0x3FFFFF80, s2  }
0x43: {  	[tilespmem:s2+$0x16400] =	vst v9  }
0x44: {  	v9 =	vld.idx.msk [tilespmem:v18+s14+$0x0], $0xffff  }
0x45: {  	v19 =	vor.u32 v2, v11;
	_ =	sdelay $0x3  }
0x46: {  	[tilespmem:s2+$0x16410] =	vst v9  }
0x47: {  	v9 =	vld.idx.msk [tilespmem:v19+s14+$0x0], $0xffff  }
0x48: {  	v20 =	vor.u32 v3, v11;
	_ =	sdelay $0x3  }
0x49: {  	[tilespmem:s2+$0x16420] =	vst v9  }
0x4a: {  	v9 =	vld.idx.msk [tilespmem:v20+s14+$0x0], $0xffff  }
0x4b: {  	v21 =	vor.u32 v4, v11;
	_ =	sdelay $0x3  }
0x4c: {  	s6 =	sor.u32 $0x3, s0;
	[tilespmem:s2+$0x16430] =	vst v9  }
0x4d: {  	s13 =	sor.u32 $0x6, s0;
	v14 =	vmov s6;
	v9 =	vld.idx.msk [tilespmem:v21+s14+$0x0], $0xffff  }
0x4e: {  	s12 =	sor.u32 $0x5, s0;
	v28 =	vmov s13;
	v22 =	vor.u32 v5, v11;
	v14 =	vand.u32 $0x63, v14  }
0x4f: {  	v15 =	vor.u32 v7, v8;
	v8 =	vbroadcast v14, $0x0;
	v18 =	vmov s12  }
0x50: {  	s3 =	sor.u32 $0x2, s0;
	v27 =	vand.u32 $0x65, v18;
	v18 =	vand.u32 $0x66, v28  }
0x51: {  	v24 =	vmov s3;
	v17 =	vor.u32 v0, v8;
	[tilespmem:s1+$0x16460] =	vst v13;
	v13 =	vbroadcast v18, $0x0  }
0x52: {  	[tilespmem:s2+$0x16440] =	vst v9;
	v9 =	vand.u32 $0x62, v24  }
0x53: {  	v31 =	vor.u32 v0, v13;
	v10 =	vld.idx.msk [tilespmem:v22+s14+$0x0], $0xffff;
	v9 =	vbroadcast v9, $0x0  }
0x54: {  	v23 =	vor.u32 v6, v11  }
0x55: {  	v16 =	vor.u32 v0, v9  }
0x56: {  	s9 =	sor.u32 $0x4, s0;
	v17 =	vld.idx.msk [tilespmem:v17+s14+$0x0], $0xffff  }
0x57: {  	v26 =	vmov s9;
	v15 =	vld.idx.msk [tilespmem:v15+s14+$0x0], $0xffff  }
0x58: {  	v18 =	vld.idx.msk [tilespmem:v31+s14+$0x0], $0xffff;
	[tilespmem:s2+$0x16450] =	vst v10;
	v10 =	vand.u32 $0x64, v26  }
0x59: {  	v25 =	vor.u32 v7, v11;
	s6 =	sshll.u32 s6, $0x7;
	v12 =	vld.idx.msk [tilespmem:v23+s14+$0x0], $0xffff;
	v11 =	vbroadcast v10, $0x0;
	v23 =	vor.u32 v1, v8  }
0x5a: {  	s16 =	sand.u32 $0x3FFFFF80, s6;
	v34 =	vor.u32 v1, v13;
	v10 =	vbroadcast v27, $0x0;
	v16 =	vld.idx.msk [tilespmem:v16+s14+$0x0], $0xffff  }
0x5b: {  	s28 =	sor.u32 $0x7, s0;
	s7 =	sshll.u32 s9, $0x7;
	s9 =	sshll.u32 s13, $0x7;
	[tilespmem:s16+$0x16400] =	vst v17;
	v20 =	vor.u32 v0, v11  }
0x5c: {  	s8 =	sshll.u32 s12, $0x7;
	s12 =	sand.u32 $0x3FFFFF80, s9;
	[tilespmem:s1+$0x16470] =	vst v15;
	v19 =	vmov s28;
	v30 =	vor.u32 v0, v10  }
0x5d: {  	s3 =	sshll.u32 s3, $0x7;
	v29 =	vand.u32 $0x67, v19;
	[tilespmem:s12+$0x16400] =	vst v18;
	v22 =	vor.u32 v1, v9  }
0x5e: {  	s1 =	sand.u32 $0x3FFFFF80, s3;
	[tilespmem:s2+$0x16460] =	vst v12;
	v12 =	vbroadcast v29, $0x0;
	v23 =	vld.idx.msk [tilespmem:v23+s14+$0x0], $0xffff  }
0x5f: {  	[tilespmem:s1+$0x16400] =	vst v16;
	v16 =	vld.idx.msk [tilespmem:v34+s14+$0x0], $0xffff  }
0x60: {  	v21 =	vor.u32 v0, v12;
	v20 =	vld.idx.msk [tilespmem:v20+s14+$0x0], $0xffff  }
0x61: {  	v37 =	vor.u32 v2, v8;
	v19 =	vld.idx.msk [tilespmem:v30+s14+$0x0], $0xffff  }
0x62: {  	v40 =	vor.u32 v2, v13;
	v22 =	vld.idx.msk [tilespmem:v22+s14+$0x0], $0xffff  }
0x63: {  	v32 =	vor.u32 v1, v11;
	[tilespmem:s16+$0x16410] =	vst v23  }
0x64: {  	s3 =	sand.u32 $0x3FFFFF80, s7;
	v33 =	vor.u32 v1, v10;
	v14 =	vld.idx.msk [tilespmem:v25+s14+$0x0], $0xffff;
	[tilespmem:s12+$0x16410] =	vst v16  }
0x65: {  	s6 =	sand.u32 $0x3FFFFF80, s8;
	v36 =	vor.u32 v2, v9;
	v21 =	vld.idx.msk [tilespmem:v21+s14+$0x0], $0xffff;
	[tilespmem:s3+$0x16400] =	vst v20  }
0x66: {  	[tilespmem:s6+$0x16400] =	vst v19;
	v19 =	vld.idx.msk [tilespmem:v37+s14+$0x0], $0xffff  }
0x67: {  	[tilespmem:s1+$0x16410] =	vst v22;
	v22 =	vld.idx.msk [tilespmem:v40+s14+$0x0], $0xffff  }
0x68: {  	s13 =	sshll.u32 s28, $0x7;
	v35 =	vor.u32 v1, v12;
	v15 =	vld.idx.msk [tilespmem:v32+s14+$0x0], $0xffff  }
0x69: {  	s18 =	sand.u32 $0x3FFFFF80, s13;
	v43 =	vor.u32 v3, v8;
	[tilespmem:s2+$0x16470] =	vst v14;
	v14 =	vld.idx.msk [tilespmem:v33+s14+$0x0], $0xffff  }
0x6a: {  	v46 =	vor.u32 v3, v13;
	v20 =	vld.idx.msk [tilespmem:v36+s14+$0x0], $0xffff;
	[tilespmem:s18+$0x16400] =	vst v21  }
0x6b: {  	v38 =	vor.u32 v2, v11;
	[tilespmem:s16+$0x16420] =	vst v19  }
0x6c: {  	v39 =	vor.u32 v2, v10;
	[tilespmem:s12+$0x16420] =	vst v22  }
0x6d: {  	v42 =	vor.u32 v3, v9;
	v17 =	vld.idx.msk [tilespmem:v35+s14+$0x0], $0xffff;
	[tilespmem:s3+$0x16410] =	vst v15  }
0x6e: {  	[tilespmem:s6+$0x16410] =	vst v14;
	v14 =	vld.idx.msk [tilespmem:v43+s14+$0x0], $0xffff  }
0x6f: {  	[tilespmem:s1+$0x16420] =	vst v20;
	v20 =	vld.idx.msk [tilespmem:v46+s14+$0x0], $0xffff  }
0x70: {  	v41 =	vor.u32 v2, v12;
	v18 =	vld.idx.msk [tilespmem:v38+s14+$0x0], $0xffff  }
0x71: {  	v49 =	vor.u32 v4, v8;
	v21 =	vld.idx.msk [tilespmem:v39+s14+$0x0], $0xffff  }
0x72: {  	v52 =	vor.u32 v4, v13;
	v15 =	vld.idx.msk [tilespmem:v42+s14+$0x0], $0xffff;
	[tilespmem:s18+$0x16410] =	vst v17  }
0x73: {  	v44 =	vor.u32 v3, v11;
	[tilespmem:s16+$0x16430] =	vst v14  }
0x74: {  	v45 =	vor.u32 v3, v10;
	[tilespmem:s12+$0x16430] =	vst v20  }
0x75: {  	v48 =	vor.u32 v4, v9;
	v23 =	vld.idx.msk [tilespmem:v41+s14+$0x0], $0xffff;
	[tilespmem:s3+$0x16420] =	vst v18  }
0x76: {  	[tilespmem:s6+$0x16420] =	vst v21;
	v21 =	vld.idx.msk [tilespmem:v49+s14+$0x0], $0xffff  }
0x77: {  	[tilespmem:s1+$0x16430] =	vst v15;
	v15 =	vld.idx.msk [tilespmem:v52+s14+$0x0], $0xffff  }
0x78: {  	v47 =	vor.u32 v3, v12;
	v16 =	vld.idx.msk [tilespmem:v44+s14+$0x0], $0xffff  }
0x79: {  	v55 =	vor.u32 v5, v8;
	v17 =	vld.idx.msk [tilespmem:v45+s14+$0x0], $0xffff  }
0x7a: {  	v58 =	vor.u32 v5, v13;
	v18 =	vld.idx.msk [tilespmem:v48+s14+$0x0], $0xffff;
	[tilespmem:s18+$0x16420] =	vst v23  }
0x7b: {  	v50 =	vor.u32 v4, v11;
	[tilespmem:s16+$0x16440] =	vst v21  }
0x7c: {  	v51 =	vor.u32 v4, v10;
	[tilespmem:s12+$0x16440] =	vst v15  }
0x7d: {  	v54 =	vor.u32 v5, v9;
	v19 =	vld.idx.msk [tilespmem:v47+s14+$0x0], $0xffff;
	[tilespmem:s3+$0x16430] =	vst v16  }
0x7e: {  	[tilespmem:s6+$0x16430] =	vst v17;
	v17 =	vld.idx.msk [tilespmem:v55+s14+$0x0], $0xffff  }
0x7f: {  	[tilespmem:s1+$0x16440] =	vst v18;
	v18 =	vld.idx.msk [tilespmem:v58+s14+$0x0], $0xffff  }
0x80: {  	v53 =	vor.u32 v4, v12;
	v22 =	vld.idx.msk [tilespmem:v50+s14+$0x0], $0xffff  }
0x81: {  	v61 =	vor.u32 v6, v8;
	v23 =	vld.idx.msk [tilespmem:v51+s14+$0x0], $0xffff  }
0x82: {  	v28 =	vor.u32 v6, v13;
	v16 =	vld.idx.msk [tilespmem:v54+s14+$0x0], $0xffff;
	[tilespmem:s18+$0x16430] =	vst v19  }
0x83: {  	v56 =	vor.u32 v5, v11;
	[tilespmem:s16+$0x16450] =	vst v17  }
0x84: {  	[tilespmem:s12+$0x16450] =	vst v18  }
0x85: {  	v57 =	vor.u32 v5, v10;
	v14 =	vld.idx.msk [tilespmem:v53+s14+$0x0], $0xffff;
	[tilespmem:s3+$0x16440] =	vst v22  }
0x86: {  	v60 =	vor.u32 v6, v9;
	[tilespmem:s6+$0x16440] =	vst v23;
	v23 =	vld.idx.msk [tilespmem:v61+s14+$0x0], $0xffff  }
0x87: {  	v59 =	vor.u32 v5, v12;
	[tilespmem:s1+$0x16450] =	vst v16;
	v16 =	vld.idx.msk [tilespmem:v28+s14+$0x0], $0xffff  }
0x88: {  	s7 =	sor.u32 $0xC, s0;
	v31 =	vor.u32 v7, v8;
	v20 =	vld.idx.msk [tilespmem:v56+s14+$0x0], $0xffff  }
0x89: {  	v34 =	vor.u32 v7, v13;
	v40 =	vmov s7  }
0x8a: {  	v62 =	vor.u32 v6, v11;
	s2 =	sor.u32 $0x8, s0;
	v41 =	vand.u32 $0x6C, v40;
	v19 =	vld.idx.msk [tilespmem:v57+s14+$0x0], $0xffff;
	[tilespmem:s18+$0x16440] =	vst v14  }
0x8b: {  	v63 =	vor.u32 v6, v10;
	v30 =	vmov s2;
	v13 =	vbroadcast v41, $0x0;
	v22 =	vld.idx.msk [tilespmem:v60+s14+$0x0], $0xffff;
	[tilespmem:s16+$0x16460] =	vst v23  }
0x8c: {  	v24 =	vor.u32 v7, v9;
	v8 =	vand.u32 $0x68, v30;
	[tilespmem:s12+$0x16460] =	vst v16;
	v21 =	vld.idx.msk [tilespmem:v59+s14+$0x0], $0xffff  }
0x8d: {  	s13 =	sor.u32 $0xA, s0;
	v8 =	vbroadcast v8, $0x0;
	v48 =	vor.u32 v0, v13;
	[tilespmem:s3+$0x16450] =	vst v20;
	v20 =	vld.idx.msk [tilespmem:v31+s14+$0x0], $0xffff  }
0x8e: {  	v29 =	vor.u32 v6, v12;
	v37 =	vmov s13;
	v45 =	vld.idx.msk [tilespmem:v34+s14+$0x0], $0xffff  }
0x8f: {  	v33 =	vor.u32 v7, v10;
	v10 =	vand.u32 $0x6A, v37;
	v36 =	vor.u32 v0, v8;
	[tilespmem:s6+$0x16450] =	vst v19;
	v15 =	vld.idx.msk [tilespmem:v62+s14+$0x0], $0xffff  }
0x90: {  	s31 =	sor.u32 $0x9, s0;
	v11 =	vor.u32 v7, v11;
	v10 =	vbroadcast v10, $0x0;
	[tilespmem:s1+$0x16460] =	vst v22;
	v14 =	vld.idx.msk [tilespmem:v63+s14+$0x0], $0xffff  }
0x91: {  	v32 =	vmov s31;
	v24 =	vld.idx.msk [tilespmem:v24+s14+$0x0], $0xffff;
	[tilespmem:s18+$0x16450] =	vst v21  }
0x92: {  	s22 =	sor.u32 $0xB, s0;
	v9 =	vand.u32 $0x69, v32;
	v43 =	vor.u32 v0, v10;
	[tilespmem:s16+$0x16470] =	vst v20;
	v21 =	vld.idx.msk [tilespmem:v48+s14+$0x0], $0xffff  }
0x93: {  	s8 =	sor.u32 $0xD, s0;
	v9 =	vbroadcast v9, $0x0;
	v39 =	vmov s22;
	v55 =	vor.u32 v1, v13;
	[tilespmem:s12+$0x16470] =	vst v45;
	v17 =	vld.idx.msk [tilespmem:v29+s14+$0x0], $0xffff  }
0x94: {  	v35 =	vor.u32 v7, v12;
	v42 =	vmov s8;
	v12 =	vand.u32 $0x6B, v39;
	v49 =	vld.idx.msk [tilespmem:v36+s14+$0x0], $0xffff;
	[tilespmem:s3+$0x16460] =	vst v15  }
0x95: {  	s28 =	sshll.u32 s7, $0x7;
	v44 =	vand.u32 $0x6D, v42;
	v51 =	vor.u32 v1, v8;
	[tilespmem:s6+$0x16460] =	vst v14;
	v15 =	vld.idx.msk [tilespmem:v11+s14+$0x0], $0xffff;
	v11 =	vbroadcast v12, $0x0  }
0x96: {  	s9 =	sand.u32 $0x3FFFFF80, s28;
	v38 =	vor.u32 v0, v9;
	[tilespmem:s1+$0x16470] =	vst v24;
	v18 =	vld.idx.msk [tilespmem:v33+s14+$0x0], $0xffff;
	v12 =	vbroadcast v44, $0x0  }
0x97: {  	v16 =	vld.idx.msk [tilespmem:v43+s14+$0x0], $0xffff;
	s16 =	sshll.u32 s2, $0x7;
	v46 =	vor.u32 v0, v11;
	[tilespmem:s9+$0x16400] =	vst v21  }
0x98: {  	s1 =	sand.u32 $0x3FFFFF80, s16;
	v50 =	vor.u32 v0, v12;
	[tilespmem:s18+$0x16460] =	vst v17;
	v20 =	vld.idx.msk [tilespmem:v55+s14+$0x0], $0xffff  }
0x99: {  	v53 =	vor.u32 v1, v10;
	[tilespmem:s1+$0x16400] =	vst v49;
	v47 =	vld.idx.msk [tilespmem:v35+s14+$0x0], $0xffff  }
0x9a: {  	v61 =	vor.u32 v2, v13;
	s2 =	sshll.u32 s13, $0x7;
	[tilespmem:s3+$0x16470] =	vst v15;
	v15 =	vld.idx.msk [tilespmem:v51+s14+$0x0], $0xffff  }
0x9b: {  	v57 =	vor.u32 v2, v8;
	v23 =	vld.idx.msk [tilespmem:v38+s14+$0x0], $0xffff;
	[tilespmem:s6+$0x16470] =	vst v18;
	s3 =	sand.u32 $0x3FFFFF80, s2  }
0x9c: {  	v52 =	vor.u32 v1, v9;
	[tilespmem:s3+$0x16400] =	vst v16;
	v17 =	vld.idx.msk [tilespmem:v46+s14+$0x0], $0xffff  }
0x9d: {  	v54 =	vor.u32 v1, v11;
	v22 =	vld.idx.msk [tilespmem:v50+s14+$0x0], $0xffff;
	[tilespmem:s9+$0x16410] =	vst v20  }
0x9e: {  	v56 =	vor.u32 v1, v12;
	v14 =	vld.idx.msk [tilespmem:v53+s14+$0x0], $0xffff;
	[tilespmem:s18+$0x16470] =	vst v47;
	s18 =	sshll.u32 s31, $0x7  }
0x9f: {  	s22 =	sshll.u32 s22, $0x7;
	v59 =	vor.u32 v2, v10;
	[tilespmem:s1+$0x16410] =	vst v15;
	v15 =	vld.idx.msk [tilespmem:v61+s14+$0x0], $0xffff;
	s16 =	sand.u32 $0x3FFFFF80, s18  }
0xa0: {  	v27 =	vor.u32 v3, v13;
	s6 =	sand.u32 $0x3FFFFF80, s22;
	s31 =	sshll.u32 s8, $0x7;
	v16 =	vld.idx.msk [tilespmem:v57+s14+$0x0], $0xffff;
	[tilespmem:s16+$0x16400] =	vst v23  }
0xa1: {  	v63 =	vor.u32 v3, v8;
	s12 =	sand.u32 $0x3FFFFF80, s31;
	[tilespmem:s6+$0x16400] =	vst v17;
	v18 =	vld.idx.msk [tilespmem:v52+s14+$0x0], $0xffff  }
0xa2: {  	v58 =	vor.u32 v2, v9;
	[tilespmem:s12+$0x16400] =	vst v22;
	v19 =	vld.idx.msk [tilespmem:v54+s14+$0x0], $0xffff  }
0xa3: {  	v60 =	vor.u32 v2, v11;
	[tilespmem:s3+$0x16410] =	vst v14;
	v23 =	vld.idx.msk [tilespmem:v56+s14+$0x0], $0xffff  }
0xa4: {  	v62 =	vor.u32 v2, v12;
	v21 =	vld.idx.msk [tilespmem:v59+s14+$0x0], $0xffff;
	[tilespmem:s9+$0x16420] =	vst v15  }
0xa5: {  	v25 =	vor.u32 v3, v10;
	[tilespmem:s1+$0x16420] =	vst v16;
	v16 =	vld.idx.msk [tilespmem:v27+s14+$0x0], $0xffff  }
0xa6: {  	v33 =	vor.u32 v4, v13;
	v14 =	vld.idx.msk [tilespmem:v63+s14+$0x0], $0xffff;
	[tilespmem:s16+$0x16410] =	vst v18  }
0xa7: {  	v29 =	vor.u32 v4, v8;
	[tilespmem:s6+$0x16410] =	vst v19;
	v17 =	vld.idx.msk [tilespmem:v58+s14+$0x0], $0xffff  }
0xa8: {  	v24 =	vor.u32 v3, v9;
	[tilespmem:s12+$0x16410] =	vst v23;
	v22 =	vld.idx.msk [tilespmem:v60+s14+$0x0], $0xffff  }
0xa9: {  	v26 =	vor.u32 v3, v11;
	[tilespmem:s3+$0x16420] =	vst v21;
	v18 =	vld.idx.msk [tilespmem:v62+s14+$0x0], $0xffff  }
0xaa: {  	v28 =	vor.u32 v3, v12;
	v20 =	vld.idx.msk [tilespmem:v25+s14+$0x0], $0xffff;
	[tilespmem:s9+$0x16430] =	vst v16  }
0xab: {  	v31 =	vor.u32 v4, v10;
	[tilespmem:s1+$0x16430] =	vst v14;
	v14 =	vld.idx.msk [tilespmem:v33+s14+$0x0], $0xffff  }
0xac: {  	v39 =	vor.u32 v5, v13;
	v21 =	vld.idx.msk [tilespmem:v29+s14+$0x0], $0xffff;
	[tilespmem:s16+$0x16420] =	vst v17  }
0xad: {  	v35 =	vor.u32 v5, v8;
	[tilespmem:s6+$0x16420] =	vst v22;
	v19 =	vld.idx.msk [tilespmem:v24+s14+$0x0], $0xffff  }
0xae: {  	v30 =	vor.u32 v4, v9;
	[tilespmem:s12+$0x16420] =	vst v18;
	v23 =	vld.idx.msk [tilespmem:v26+s14+$0x0], $0xffff  }
0xaf: {  	v32 =	vor.u32 v4, v11;
	[tilespmem:s3+$0x16430] =	vst v20;
	v17 =	vld.idx.msk [tilespmem:v28+s14+$0x0], $0xffff  }
0xb0: {  	v34 =	vor.u32 v4, v12;
	v15 =	vld.idx.msk [tilespmem:v31+s14+$0x0], $0xffff;
	[tilespmem:s9+$0x16440] =	vst v14  }
0xb1: {  	v37 =	vor.u32 v5, v10;
	[tilespmem:s1+$0x16440] =	vst v21;
	v21 =	vld.idx.msk [tilespmem:v39+s14+$0x0], $0xffff  }
0xb2: {  	v20 =	vld.idx.msk [tilespmem:v35+s14+$0x0], $0xffff;
	[tilespmem:s16+$0x16430] =	vst v19  }
0xb3: {  	v45 =	vor.u32 v6, v13;
	[tilespmem:s6+$0x16430] =	vst v23;
	v22 =	vld.idx.msk [tilespmem:v30+s14+$0x0], $0xffff  }
0xb4: {  	v36 =	vor.u32 v5, v9;
	[tilespmem:s12+$0x16430] =	vst v17;
	v18 =	vld.idx.msk [tilespmem:v32+s14+$0x0], $0xffff  }
0xb5: {  	v38 =	vor.u32 v5, v11;
	[tilespmem:s3+$0x16440] =	vst v15;
	v19 =	vld.idx.msk [tilespmem:v34+s14+$0x0], $0xffff  }
0xb6: {  	v40 =	vor.u32 v5, v12;
	v16 =	vld.idx.msk [tilespmem:v37+s14+$0x0], $0xffff;
	[tilespmem:s9+$0x16450] =	vst v21  }
0xb7: {  	v43 =	vor.u32 v6, v10;
	[tilespmem:s1+$0x16450] =	vst v20  }
0xb8: {  	v41 =	vor.u32 v6, v8;
	v20 =	vld.idx.msk [tilespmem:v45+s14+$0x0], $0xffff;
	[tilespmem:s16+$0x16440] =	vst v22  }
0xb9: {  	v25 =	vor.u32 v7, v13;
	[tilespmem:s6+$0x16440] =	vst v18;
	v23 =	vld.idx.msk [tilespmem:v36+s14+$0x0], $0xffff  }
0xba: {  	v42 =	vor.u32 v6, v9;
	s2 =	sor.u32 $0xE, s0;
	[tilespmem:s12+$0x16440] =	vst v19;
	v17 =	vld.idx.msk [tilespmem:v38+s14+$0x0], $0xffff  }
0xbb: {  	v44 =	vor.u32 v6, v11;
	v47 =	vor.u32 v7, v8;
	v8 =	vmov s2;
	s8 =	sor.u32 $0x10, s0;
	[tilespmem:s3+$0x16450] =	vst v16;
	v22 =	vld.idx.msk [tilespmem:v40+s14+$0x0], $0xffff  }
0xbc: {  	v46 =	vor.u32 v6, v12;
	v8 =	vand.u32 $0x6E, v8;
	v55 =	vmov s8;
	v14 =	vld.idx.msk [tilespmem:v43+s14+$0x0], $0xffff  }
0xbd: {  	v50 =	vor.u32 v7, v10;
	v8 =	vbroadcast v8, $0x0;
	v10 =	vand.u32 $0x70, v55;
	v15 =	vld.idx.msk [tilespmem:v41+s14+$0x0], $0xffff;
	[tilespmem:s9+$0x16460] =	vst v20  }
0xbe: {  	s7 =	sor.u32 $0xF, s0;
	v10 =	vbroadcast v10, $0x0;
	v62 =	vld.idx.msk [tilespmem:v25+s14+$0x0], $0xffff;
	[tilespmem:s16+$0x16450] =	vst v23  }
0xbf: {  	v49 =	vmov s7;
	v54 =	vor.u32 v0, v8;
	[tilespmem:s6+$0x16450] =	vst v17;
	v18 =	vld.idx.msk [tilespmem:v42+s14+$0x0], $0xffff  }
0xc0: {  	v48 =	vor.u32 v7, v9;
	s13 =	sor.u32 $0x11, s0;
	v9 =	vand.u32 $0x6F, v49;
	v60 =	vor.u32 v0, v10;
	[tilespmem:s12+$0x16450] =	vst v22;
	v19 =	vld.idx.msk [tilespmem:v44+s14+$0x0], $0xffff  }
0xc1: {  	v9 =	vbroadcast v9, $0x0;
	v51 =	vor.u32 v7, v11;
	v57 =	vmov s13;
	s18 =	sor.u32 $0x12, s0;
	[tilespmem:s3+$0x16460] =	vst v14;
	v52 =	vld.idx.msk [tilespmem:v46+s14+$0x0], $0xffff  }
0xc2: {  	s22 =	sor.u32 $0x13, s0;
	v53 =	vor.u32 v7, v12;
	v11 =	vand.u32 $0x71, v57;
	v58 =	vmov s18;
	[tilespmem:s1+$0x16460] =	vst v15;
	v14 =	vld.idx.msk [tilespmem:v50+s14+$0x0], $0xffff  }
0xc3: {  	v11 =	vbroadcast v11, $0x0;
	v59 =	vmov s22;
	v12 =	vand.u32 $0x72, v58;
	v24 =	vld.idx.msk [tilespmem:v47+s14+$0x0], $0xffff;
	[tilespmem:s9+$0x16470] =	vst v62  }
0xc4: {  	v56 =	vor.u32 v0, v9;
	v61 =	vand.u32 $0x73, v59;
	v27 =	vld.idx.msk [tilespmem:v54+s14+$0x0], $0xffff;
	v13 =	vbroadcast v12, $0x0;
	[tilespmem:s16+$0x16460] =	vst v18  }
0xc5: {  	v63 =	vor.u32 v0, v11;
	v12 =	vbroadcast v61, $0x0;
	v20 =	vld.idx.msk [tilespmem:v60+s14+$0x0], $0xffff;
	[tilespmem:s6+$0x16460] =	vst v19  }
0xc6: {  	v26 =	vor.u32 v0, v13;
	[tilespmem:s12+$0x16460] =	vst v52;
	v16 =	vld.idx.msk [tilespmem:v48+s14+$0x0], $0xffff  }
0xc7: {  	v28 =	vor.u32 v0, v12;
	[tilespmem:s3+$0x16470] =	vst v14;
	s3 =	sshll.u32 s2, $0x7;
	v19 =	vld.idx.msk [tilespmem:v51+s14+$0x0], $0xffff  }
0xc8: {  	v29 =	vor.u32 v1, v8;
	[tilespmem:s1+$0x16470] =	vst v24;
	s2 =	sshll.u32 s8, $0x7;
	v25 =	vld.idx.msk [tilespmem:v53+s14+$0x0], $0xffff;
	s1 =	sand.u32 $0x3FFFFF80, s3  }
0xc9: {  	v31 =	vor.u32 v1, v10;
	v18 =	vld.idx.msk [tilespmem:v56+s14+$0x0], $0xffff;
	s3 =	sand.u32 $0x3FFFFF80, s2;
	[tilespmem:s1+$0x16400] =	vst v27  }
0xca: {  	v30 =	vor.u32 v1, v9;
	v15 =	vld.idx.msk [tilespmem:v63+s14+$0x0], $0xffff;
	[tilespmem:s3+$0x16400] =	vst v20  }
0xcb: {  	v32 =	vor.u32 v1, v11;
	v22 =	vld.idx.msk [tilespmem:v26+s14+$0x0], $0xffff;
	[tilespmem:s16+$0x16470] =	vst v16  }
0xcc: {  	v33 =	vor.u32 v1, v13;
	v23 =	vld.idx.msk [tilespmem:v28+s14+$0x0], $0xffff;
	[tilespmem:s6+$0x16470] =	vst v19;
	s6 =	sshll.u32 s7, $0x7  }
0xcd: {  	v34 =	vor.u32 v1, v12;
	s9 =	sshll.u32 s13, $0x7;
	v14 =	vld.idx.msk [tilespmem:v29+s14+$0x0], $0xffff;
	[tilespmem:s12+$0x16470] =	vst v25;
	s16 =	sand.u32 $0x3FFFFF80, s6  }
0xce: {  	v35 =	vor.u32 v2, v8;
	v17 =	vld.idx.msk [tilespmem:v31+s14+$0x0], $0xffff;
	s12 =	sshll.u32 s18, $0x7;
	s6 =	sand.u32 $0x3FFFFF80, s9;
	[tilespmem:s16+$0x16400] =	vst v18  }
0xcf: {  	v37 =	vor.u32 v2, v10;
	s13 =	sshll.u32 s22, $0x7;
	s9 =	sand.u32 $0x3FFFFF80, s12;
	[tilespmem:s6+$0x16400] =	vst v15;
	v19 =	vld.idx.msk [tilespmem:v30+s14+$0x0], $0xffff  }
0xd0: {  	v36 =	vor.u32 v2, v9;
	s12 =	sand.u32 $0x3FFFFF80, s13;
	[tilespmem:s9+$0x16400] =	vst v22;
	v21 =	vld.idx.msk [tilespmem:v32+s14+$0x0], $0xffff  }
0xd1: {  	v38 =	vor.u32 v2, v11;
	[tilespmem:s12+$0x16400] =	vst v23;
	v16 =	vld.idx.msk [tilespmem:v33+s14+$0x0], $0xffff  }
0xd2: {  	v39 =	vor.u32 v2, v13;
	[tilespmem:s1+$0x16410] =	vst v14;
	v18 =	vld.idx.msk [tilespmem:v34+s14+$0x0], $0xffff  }
0xd3: {  	v40 =	vor.u32 v2, v12;
	[tilespmem:s3+$0x16410] =	vst v17;
	v20 =	vld.idx.msk [tilespmem:v35+s14+$0x0], $0xffff  }
0xd4: {  	v41 =	vor.u32 v3, v8;
	v22 =	vld.idx.msk [tilespmem:v37+s14+$0x0], $0xffff;
	[tilespmem:s16+$0x16410] =	vst v19  }
0xd5: {  	v43 =	vor.u32 v3, v10;
	[tilespmem:s6+$0x16410] =	vst v21;
	v15 =	vld.idx.msk [tilespmem:v36+s14+$0x0], $0xffff  }
0xd6: {  	v42 =	vor.u32 v3, v9;
	[tilespmem:s9+$0x16410] =	vst v16;
	v23 =	vld.idx.msk [tilespmem:v38+s14+$0x0], $0xffff  }
0xd7: {  	v44 =	vor.u32 v3, v11;
	[tilespmem:s12+$0x16410] =	vst v18;
	v14 =	vld.idx.msk [tilespmem:v39+s14+$0x0], $0xffff  }
0xd8: {  	v45 =	vor.u32 v3, v13;
	[tilespmem:s1+$0x16420] =	vst v20;
	v19 =	vld.idx.msk [tilespmem:v40+s14+$0x0], $0xffff  }
0xd9: {  	v46 =	vor.u32 v3, v12;
	[tilespmem:s3+$0x16420] =	vst v22;
	v17 =	vld.idx.msk [tilespmem:v41+s14+$0x0], $0xffff  }
0xda: {  	v47 =	vor.u32 v4, v8;
	v16 =	vld.idx.msk [tilespmem:v43+s14+$0x0], $0xffff;
	[tilespmem:s16+$0x16420] =	vst v15  }
0xdb: {  	v49 =	vor.u32 v4, v10;
	[tilespmem:s6+$0x16420] =	vst v23;
	v21 =	vld.idx.msk [tilespmem:v42+s14+$0x0], $0xffff  }
0xdc: {  	v48 =	vor.u32 v4, v9;
	[tilespmem:s9+$0x16420] =	vst v14;
	v18 =	vld.idx.msk [tilespmem:v44+s14+$0x0], $0xffff  }
0xdd: {  	v50 =	vor.u32 v4, v11;
	[tilespmem:s12+$0x16420] =	vst v19;
	v20 =	vld.idx.msk [tilespmem:v45+s14+$0x0], $0xffff  }
0xde: {  	v51 =	vor.u32 v4, v13;
	[tilespmem:s1+$0x16430] =	vst v17;
	v15 =	vld.idx.msk [tilespmem:v46+s14+$0x0], $0xffff  }
0xdf: {  	v52 =	vor.u32 v4, v12;
	[tilespmem:s3+$0x16430] =	vst v16;
	v22 =	vld.idx.msk [tilespmem:v47+s14+$0x0], $0xffff  }
0xe0: {  	v53 =	vor.u32 v5, v8;
	v14 =	vld.idx.msk [tilespmem:v49+s14+$0x0], $0xffff;
	[tilespmem:s16+$0x16430] =	vst v21  }
0xe1: {  	v55 =	vor.u32 v5, v10;
	[tilespmem:s6+$0x16430] =	vst v18;
	v23 =	vld.idx.msk [tilespmem:v48+s14+$0x0], $0xffff  }
0xe2: {  	v54 =	vor.u32 v5, v9;
	[tilespmem:s9+$0x16430] =	vst v20;
	v19 =	vld.idx.msk [tilespmem:v50+s14+$0x0], $0xffff  }
0xe3: {  	v56 =	vor.u32 v5, v11;
	[tilespmem:s12+$0x16430] =	vst v15;
	v17 =	vld.idx.msk [tilespmem:v51+s14+$0x0], $0xffff  }
0xe4: {  	v57 =	vor.u32 v5, v13;
	[tilespmem:s1+$0x16440] =	vst v22;
	v21 =	vld.idx.msk [tilespmem:v52+s14+$0x0], $0xffff  }
0xe5: {  	v58 =	vor.u32 v5, v12;
	[tilespmem:s3+$0x16440] =	vst v14;
	v16 =	vld.idx.msk [tilespmem:v53+s14+$0x0], $0xffff  }
0xe6: {  	v59 =	vor.u32 v6, v8;
	v20 =	vld.idx.msk [tilespmem:v55+s14+$0x0], $0xffff;
	[tilespmem:s16+$0x16440] =	vst v23  }
0xe7: {  	v61 =	vor.u32 v6, v10;
	[tilespmem:s6+$0x16440] =	vst v19;
	v18 =	vld.idx.msk [tilespmem:v54+s14+$0x0], $0xffff  }
0xe8: {  	v60 =	vor.u32 v6, v9;
	[tilespmem:s9+$0x16440] =	vst v17;
	v15 =	vld.idx.msk [tilespmem:v56+s14+$0x0], $0xffff  }
0xe9: {  	v62 =	vor.u32 v6, v11;
	[tilespmem:s12+$0x16440] =	vst v21;
	v22 =	vld.idx.msk [tilespmem:v57+s14+$0x0], $0xffff  }
0xea: {  	v63 =	vor.u32 v6, v13;
	[tilespmem:s1+$0x16450] =	vst v16;
	v23 =	vld.idx.msk [tilespmem:v58+s14+$0x0], $0xffff  }
0xeb: {  	v28 =	vor.u32 v6, v12;
	s18 =	sor.u32 $0x14, s0;
	[tilespmem:s3+$0x16450] =	vst v20;
	v14 =	vld.idx.msk [tilespmem:v59+s14+$0x0], $0xffff  }
0xec: {  	s2 =	sor.u32 $0x15, s0;
	v29 =	vor.u32 v7, v8;
	v8 =	vmov s18;
	v17 =	vld.idx.msk [tilespmem:v61+s14+$0x0], $0xffff;
	[tilespmem:s16+$0x16450] =	vst v18  }
0xed: {  	s22 =	sor.u32 $0x17, s0;
	v31 =	vmov s2;
	v8 =	vand.u32 $0x74, v8;
	v32 =	vor.u32 v7, v10;
	[tilespmem:s6+$0x16450] =	vst v15;
	v19 =	vld.idx.msk [tilespmem:v60+s14+$0x0], $0xffff  }
0xee: {  	s8 =	sor.u32 $0x18, s0;
	v30 =	vor.u32 v7, v9;
	v33 =	vor.u32 v7, v11;
	v40 =	vmov s22;
	[tilespmem:s9+$0x16450] =	vst v22;
	v21 =	vld.idx.msk [tilespmem:v62+s14+$0x0], $0xffff  }
0xef: {  	v34 =	vor.u32 v7, v13;
	v41 =	vmov s8;
	v11 =	vand.u32 $0x77, v40;
	[tilespmem:s12+$0x16450] =	vst v23;
	v16 =	vld.idx.msk [tilespmem:v63+s14+$0x0], $0xffff  }
0xf0: {  	s13 =	sor.u32 $0x19, s0;
	v36 =	vor.u32 v7, v12;
	v12 =	vand.u32 $0x78, v41;
	v11 =	vbroadcast v11, $0x0;
	[tilespmem:s1+$0x16460] =	vst v14;
	v35 =	vld.idx.msk [tilespmem:v28+s14+$0x0], $0xffff  }
0xf1: {  	v8 =	vbroadcast v8, $0x0;
	v13 =	vbroadcast v12, $0x0;
	v42 =	vmov s13;
	[tilespmem:s3+$0x16460] =	vst v17;
	v24 =	vld.idx.msk [tilespmem:v29+s14+$0x0], $0xffff  }
0xf2: {  	s7 =	sor.u32 $0x16, s0;
	v9 =	vand.u32 $0x75, v31;
	v46 =	vor.u32 v0, v11;
	v44 =	vand.u32 $0x79, v42;
	v15 =	vld.idx.msk [tilespmem:v32+s14+$0x0], $0xffff;
	[tilespmem:s16+$0x16460] =	vst v19  }
0xf3: {  	v38 =	vmov s7;
	v47 =	vor.u32 v0, v13;
	v12 =	vbroadcast v44, $0x0;
	[tilespmem:s6+$0x16460] =	vst v21;
	v20 =	vld.idx.msk [tilespmem:v30+s14+$0x0], $0xffff  }
0xf4: {  	v9 =	vbroadcast v9, $0x0;
	v37 =	vor.u32 v0, v8;
	v10 =	vand.u32 $0x76, v38;
	[tilespmem:s9+$0x16460] =	vst v16;
	v21 =	vld.idx.msk [tilespmem:v33+s14+$0x0], $0xffff  }
0xf5: {  	v10 =	vbroadcast v10, $0x0;
	v49 =	vor.u32 v0, v12;
	[tilespmem:s12+$0x16460] =	vst v35;
	v45 =	vld.idx.msk [tilespmem:v34+s14+$0x0], $0xffff  }
0xf6: {  	v39 =	vor.u32 v0, v9;
	[tilespmem:s1+$0x16470] =	vst v24;
	v18 =	vld.idx.msk [tilespmem:v36+s14+$0x0], $0xffff  }
0xf7: {  	v43 =	vor.u32 v0, v10;
	v14 =	vld.idx.msk [tilespmem:v46+s14+$0x0], $0xffff;
	[tilespmem:s3+$0x16470] =	vst v15  }
0xf8: {  	v53 =	vor.u32 v1, v11;
	v22 =	vld.idx.msk [tilespmem:v47+s14+$0x0], $0xffff;
	[tilespmem:s16+$0x16470] =	vst v20  }
0xf9: {  	v48 =	vld.idx.msk [tilespmem:v37+s14+$0x0], $0xffff;
	v54 =	vor.u32 v1, v13;
	[tilespmem:s6+$0x16470] =	vst v21  }
0xfa: {  	s22 =	sshll.u32 s22, $0x7;
	v50 =	vor.u32 v1, v8;
	v23 =	vld.idx.msk [tilespmem:v49+s14+$0x0], $0xffff;
	[tilespmem:s9+$0x16470] =	vst v45  }
0xfb: {  	s28 =	sshll.u32 s8, $0x7;
	v55 =	vor.u32 v1, v12;
	v19 =	vld.idx.msk [tilespmem:v39+s14+$0x0], $0xffff;
	[tilespmem:s12+$0x16470] =	vst v18;
	s6 =	sand.u32 $0x3FFFFF80, s22  }
0xfc: {  	v51 =	vor.u32 v1, v9;
	v16 =	vld.idx.msk [tilespmem:v43+s14+$0x0], $0xffff;
	s16 =	sshll.u32 s18, $0x7;
	s9 =	sand.u32 $0x3FFFFF80, s28;
	[tilespmem:s6+$0x16400] =	vst v14  }
0xfd: {  	s31 =	sshll.u32 s13, $0x7;
	v52 =	vor.u32 v1, v10;
	s1 =	sand.u32 $0x3FFFFF80, s16;
	[tilespmem:s9+$0x16400] =	vst v22;
	v18 =	vld.idx.msk [tilespmem:v53+s14+$0x0], $0xffff  }
0xfe: {  	v59 =	vor.u32 v2, v11;
	s18 =	sshll.u32 s2, $0x7;
	s12 =	sand.u32 $0x3FFFFF80, s31;
	[tilespmem:s1+$0x16400] =	vst v48;
	v20 =	vld.idx.msk [tilespmem:v54+s14+$0x0], $0xffff  }
0xff: {  	v60 =	vor.u32 v2, v13;
	s2 =	sshll.u32 s7, $0x7;
	s16 =	sand.u32 $0x3FFFFF80, s18;
	[tilespmem:s12+$0x16400] =	vst v23;
	v15 =	vld.idx.msk [tilespmem:v50+s14+$0x0], $0xffff  }
0x100: {  	v56 =	vor.u32 v2, v8;
	s3 =	sand.u32 $0x3FFFFF80, s2;
	[tilespmem:s16+$0x16400] =	vst v19;
	v19 =	vld.idx.msk [tilespmem:v55+s14+$0x0], $0xffff  }
0x101: {  	v61 =	vor.u32 v2, v12;
	[tilespmem:s3+$0x16400] =	vst v16;
	v21 =	vld.idx.msk [tilespmem:v51+s14+$0x0], $0xffff  }
0x102: {  	v57 =	vor.u32 v2, v9;
	v17 =	vld.idx.msk [tilespmem:v52+s14+$0x0], $0xffff;
	[tilespmem:s6+$0x16410] =	vst v18  }
0x103: {  	v58 =	vor.u32 v2, v10;
	[tilespmem:s9+$0x16410] =	vst v20;
	v23 =	vld.idx.msk [tilespmem:v59+s14+$0x0], $0xffff  }
0x104: {  	v25 =	vor.u32 v3, v11;
	[tilespmem:s1+$0x16410] =	vst v15;
	v15 =	vld.idx.msk [tilespmem:v60+s14+$0x0], $0xffff  }
0x105: {  	v26 =	vor.u32 v3, v13;
	[tilespmem:s12+$0x16410] =	vst v19;
	v16 =	vld.idx.msk [tilespmem:v56+s14+$0x0], $0xffff  }
0x106: {  	v62 =	vor.u32 v3, v8;
	[tilespmem:s16+$0x16410] =	vst v21;
	v21 =	vld.idx.msk [tilespmem:v61+s14+$0x0], $0xffff  }
0x107: {  	v27 =	vor.u32 v3, v12;
	[tilespmem:s3+$0x16410] =	vst v17;
	v14 =	vld.idx.msk [tilespmem:v57+s14+$0x0], $0xffff  }
0x108: {  	v63 =	vor.u32 v3, v9;
	v22 =	vld.idx.msk [tilespmem:v58+s14+$0x0], $0xffff;
	[tilespmem:s6+$0x16420] =	vst v23  }
0x109: {  	v24 =	vor.u32 v3, v10;
	[tilespmem:s9+$0x16420] =	vst v15;
	v19 =	vld.idx.msk [tilespmem:v25+s14+$0x0], $0xffff  }
0x10a: {  	v31 =	vor.u32 v4, v11;
	[tilespmem:s1+$0x16420] =	vst v16;
	v16 =	vld.idx.msk [tilespmem:v26+s14+$0x0], $0xffff  }
0x10b: {  	v32 =	vor.u32 v4, v13;
	[tilespmem:s12+$0x16420] =	vst v21;
	v17 =	vld.idx.msk [tilespmem:v62+s14+$0x0], $0xffff  }
0x10c: {  	v28 =	vor.u32 v4, v8;
	[tilespmem:s16+$0x16420] =	vst v14;
	v14 =	vld.idx.msk [tilespmem:v27+s14+$0x0], $0xffff  }
0x10d: {  	v33 =	vor.u32 v4, v12;
	[tilespmem:s3+$0x16420] =	vst v22;
	v18 =	vld.idx.msk [tilespmem:v63+s14+$0x0], $0xffff  }
0x10e: {  	v29 =	vor.u32 v4, v9;
	v20 =	vld.idx.msk [tilespmem:v24+s14+$0x0], $0xffff;
	[tilespmem:s6+$0x16430] =	vst v19  }
0x10f: {  	v30 =	vor.u32 v4, v10;
	[tilespmem:s9+$0x16430] =	vst v16;
	v21 =	vld.idx.msk [tilespmem:v31+s14+$0x0], $0xffff  }
0x110: {  	[tilespmem:s1+$0x16430] =	vst v17;
	v17 =	vld.idx.msk [tilespmem:v32+s14+$0x0], $0xffff  }
0x111: {  	v37 =	vor.u32 v5, v11;
	[tilespmem:s12+$0x16430] =	vst v14;
	v22 =	vld.idx.msk [tilespmem:v28+s14+$0x0], $0xffff  }
0x112: {  	v34 =	vor.u32 v5, v8;
	[tilespmem:s16+$0x16430] =	vst v18;
	v18 =	vld.idx.msk [tilespmem:v33+s14+$0x0], $0xffff  }
0x113: {  	v38 =	vor.u32 v5, v13;
	[tilespmem:s3+$0x16430] =	vst v20;
	v23 =	vld.idx.msk [tilespmem:v29+s14+$0x0], $0xffff  }
0x114: {  	v39 =	vor.u32 v5, v12;
	v15 =	vld.idx.msk [tilespmem:v30+s14+$0x0], $0xffff;
	[tilespmem:s6+$0x16440] =	vst v21  }
0x115: {  	v36 =	vor.u32 v5, v10;
	[tilespmem:s9+$0x16440] =	vst v17  }
0x116: {  	v35 =	vor.u32 v5, v9;
	[tilespmem:s1+$0x16440] =	vst v22;
	v14 =	vld.idx.msk [tilespmem:v37+s14+$0x0], $0xffff  }
0x117: {  	v43 =	vor.u32 v6, v11;
	[tilespmem:s12+$0x16440] =	vst v18;
	v20 =	vld.idx.msk [tilespmem:v34+s14+$0x0], $0xffff  }
0x118: {  	v40 =	vor.u32 v6, v8;
	[tilespmem:s16+$0x16440] =	vst v23;
	v22 =	vld.idx.msk [tilespmem:v38+s14+$0x0], $0xffff  }
0x119: {  	v44 =	vor.u32 v6, v13;
	[tilespmem:s3+$0x16440] =	vst v15;
	v23 =	vld.idx.msk [tilespmem:v39+s14+$0x0], $0xffff  }
0x11a: {  	v45 =	vor.u32 v6, v12;
	v16 =	vld.idx.msk [tilespmem:v36+s14+$0x0], $0xffff  }
0x11b: {  	v42 =	vor.u32 v6, v10;
	v19 =	vld.idx.msk [tilespmem:v35+s14+$0x0], $0xffff;
	[tilespmem:s6+$0x16450] =	vst v14  }
0x11c: {  	v41 =	vor.u32 v6, v9;
	[tilespmem:s1+$0x16450] =	vst v20;
	v18 =	vld.idx.msk [tilespmem:v43+s14+$0x0], $0xffff  }
0x11d: {  	v46 =	vor.u32 v7, v8;
	s2 =	sor.u32 $0x1A, s0;
	v50 =	vor.u32 v7, v11;
	[tilespmem:s9+$0x16450] =	vst v22;
	v15 =	vld.idx.msk [tilespmem:v40+s14+$0x0], $0xffff  }
0x11e: {  	s8 =	sor.u32 $0x1C, s0;
	v47 =	vor.u32 v7, v9;
	v49 =	vor.u32 v7, v10;
	s7 =	sor.u32 $0x1B, s0;
	v8 =	vmov s2;
	[tilespmem:s12+$0x16450] =	vst v23;
	v20 =	vld.idx.msk [tilespmem:v44+s14+$0x0], $0xffff  }
0x11f: {  	v13 =	vor.u32 v7, v13;
	v48 =	vmov s7;
	v54 =	vmov s8;
	[tilespmem:s3+$0x16450] =	vst v16;
	v51 =	vld.idx.msk [tilespmem:v45+s14+$0x0], $0xffff  }
0x120: {  	s18 =	sor.u32 $0x1D, s0;
	v8 =	vand.u32 $0x7A, v8;
	v9 =	vand.u32 $0x7B, v48;
	v52 =	vor.u32 v7, v12;
	[tilespmem:s16+$0x16450] =	vst v19;
	v17 =	vld.idx.msk [tilespmem:v42+s14+$0x0], $0xffff  }
0x121: {  	v10 =	vand.u32 $0x7C, v54;
	v8 =	vbroadcast v8, $0x0;
	v56 =	vmov s18;
	v21 =	vld.idx.msk [tilespmem:v41+s14+$0x0], $0xffff;
	[tilespmem:s6+$0x16460] =	vst v18  }
0x122: {  	s22 =	sor.u32 $0x1E, s0;
	v9 =	vbroadcast v9, $0x0;
	v10 =	vbroadcast v10, $0x0;
	v11 =	vand.u32 $0x7D, v56;
	[tilespmem:s1+$0x16460] =	vst v15;
	v18 =	vld.idx.msk [tilespmem:v50+s14+$0x0], $0xffff  }
0x123: {  	s13 =	sor.u32 $0x1F, s0;
	v53 =	vor.u32 v0, v8;
	v57 =	vmov s22;
	v11 =	vbroadcast v11, $0x0;
	[tilespmem:s9+$0x16460] =	vst v20;
	v24 =	vld.idx.msk [tilespmem:v46+s14+$0x0], $0xffff  }
0x124: {  	v55 =	vor.u32 v0, v9;
	v58 =	vmov s13;
	v12 =	vand.u32 $0x7E, v57;
	[tilespmem:s12+$0x16460] =	vst v51;
	v60 =	vld.idx.msk [tilespmem:v13+s14+$0x0], $0xffff  }
0x125: {  	v12 =	vbroadcast v12, $0x0;
	v61 =	vor.u32 v0, v11;
	[tilespmem:s3+$0x16460] =	vst v17;
	v17 =	vand.u32 $0x7F, v58;
	v62 =	vld.idx.msk [tilespmem:v52+s14+$0x0], $0xffff  }
0x126: {  	v59 =	vor.u32 v0, v10;
	[tilespmem:s16+$0x16460] =	vst v21;
	v14 =	vld.idx.msk [tilespmem:v49+s14+$0x0], $0xffff;
	v13 =	vbroadcast v17, $0x0  }
0x127: {  	v63 =	vor.u32 v0, v12;
	v16 =	vld.idx.msk [tilespmem:v47+s14+$0x0], $0xffff;
	[tilespmem:s6+$0x16470] =	vst v18  }
0x128: {  	v25 =	vor.u32 v0, v13;
	[tilespmem:s1+$0x16470] =	vst v24;
	v24 =	vld.idx.msk [tilespmem:v53+s14+$0x0], $0xffff  }
0x129: {  	v26 =	vor.u32 v1, v8;
	v21 =	vld.idx.msk [tilespmem:v55+s14+$0x0], $0xffff;
	[tilespmem:s9+$0x16470] =	vst v60  }
0x12a: {  	v27 =	vor.u32 v1, v9;
	v15 =	vld.idx.msk [tilespmem:v61+s14+$0x0], $0xffff;
	[tilespmem:s12+$0x16470] =	vst v62  }
0x12b: {  	v29 =	vor.u32 v1, v11;
	v20 =	vld.idx.msk [tilespmem:v59+s14+$0x0], $0xffff;
	[tilespmem:s3+$0x16470] =	vst v14;
	s3 =	sshll.u32 s2, $0x7  }
0x12c: {  	v28 =	vor.u32 v1, v10;
	v19 =	vld.idx.msk [tilespmem:v63+s14+$0x0], $0xffff;
	s6 =	sshll.u32 s7, $0x7;
	[tilespmem:s16+$0x16470] =	vst v16;
	s0 =	sand.u32 $0x3FFFFF80, s3  }
0x12d: {  	v30 =	vor.u32 v1, v12;
	s12 =	sshll.u32 s18, $0x7;
	s1 =	sand.u32 $0x3FFFFF80, s6;
	v23 =	vld.idx.msk [tilespmem:v25+s14+$0x0], $0xffff;
	[tilespmem:s0+$0x16400] =	vst v24  }
0x12e: {  	v31 =	vor.u32 v1, v13;
	s2 =	sshll.u32 s8, $0x7;
	s16 =	sand.u32 $0x3FFFFF80, s12;
	[tilespmem:s1+$0x16400] =	vst v21;
	v14 =	vld.idx.msk [tilespmem:v26+s14+$0x0], $0xffff  }
0x12f: {  	v32 =	vor.u32 v2, v8;
	s18 =	sshll.u32 s22, $0x7;
	s9 =	sand.u32 $0x3FFFFF80, s2;
	[tilespmem:s16+$0x16400] =	vst v15;
	v18 =	vld.idx.msk [tilespmem:v27+s14+$0x0], $0xffff  }
0x130: {  	s28 =	sshll.u32 s13, $0x7;
	v33 =	vor.u32 v2, v9;
	s22 =	sand.u32 $0x3FFFFF80, s18;
	[tilespmem:s9+$0x16400] =	vst v20;
	v17 =	vld.idx.msk [tilespmem:v29+s14+$0x0], $0xffff  }
0x131: {  	s31 =	sand.u32 $0x3FFFFF80, s28;
	v35 =	vor.u32 v2, v11;
	[tilespmem:s22+$0x16400] =	vst v19;
	v22 =	vld.idx.msk [tilespmem:v28+s14+$0x0], $0xffff  }
0x132: {  	v34 =	vor.u32 v2, v10;
	v16 =	vld.idx.msk [tilespmem:v30+s14+$0x0], $0xffff;
	[tilespmem:s31+$0x16400] =	vst v23  }
0x133: {  	v36 =	vor.u32 v2, v12;
	v21 =	vld.idx.msk [tilespmem:v31+s14+$0x0], $0xffff;
	[tilespmem:s0+$0x16410] =	vst v14  }
0x134: {  	v37 =	vor.u32 v2, v13;
	[tilespmem:s1+$0x16410] =	vst v18;
	v20 =	vld.idx.msk [tilespmem:v32+s14+$0x0], $0xffff  }
0x135: {  	v38 =	vor.u32 v3, v8;
	[tilespmem:s16+$0x16410] =	vst v17;
	v15 =	vld.idx.msk [tilespmem:v33+s14+$0x0], $0xffff  }
0x136: {  	v39 =	vor.u32 v3, v9;
	[tilespmem:s9+$0x16410] =	vst v22;
	v23 =	vld.idx.msk [tilespmem:v35+s14+$0x0], $0xffff  }
0x137: {  	v41 =	vor.u32 v3, v11;
	[tilespmem:s22+$0x16410] =	vst v16;
	v19 =	vld.idx.msk [tilespmem:v34+s14+$0x0], $0xffff  }
0x138: {  	v40 =	vor.u32 v3, v10;
	v14 =	vld.idx.msk [tilespmem:v36+s14+$0x0], $0xffff;
	[tilespmem:s31+$0x16410] =	vst v21  }
0x139: {  	v42 =	vor.u32 v3, v12;
	v18 =	vld.idx.msk [tilespmem:v37+s14+$0x0], $0xffff;
	[tilespmem:s0+$0x16420] =	vst v20  }
0x13a: {  	v43 =	vor.u32 v3, v13;
	[tilespmem:s1+$0x16420] =	vst v15;
	v22 =	vld.idx.msk [tilespmem:v38+s14+$0x0], $0xffff  }
0x13b: {  	v44 =	vor.u32 v4, v8;
	[tilespmem:s16+$0x16420] =	vst v23;
	v17 =	vld.idx.msk [tilespmem:v39+s14+$0x0], $0xffff  }
0x13c: {  	v45 =	vor.u32 v4, v9;
	[tilespmem:s9+$0x16420] =	vst v19;
	v21 =	vld.idx.msk [tilespmem:v41+s14+$0x0], $0xffff  }
0x13d: {  	v47 =	vor.u32 v4, v11;
	v16 =	vld.idx.msk [tilespmem:v40+s14+$0x0], $0xffff;
	[tilespmem:s22+$0x16420] =	vst v14  }
0x13e: {  	v46 =	vor.u32 v4, v10;
	v20 =	vld.idx.msk [tilespmem:v42+s14+$0x0], $0xffff;
	[tilespmem:s31+$0x16420] =	vst v18  }
0x13f: {  	v48 =	vor.u32 v4, v12;
	v15 =	vld.idx.msk [tilespmem:v43+s14+$0x0], $0xffff;
	[tilespmem:s0+$0x16430] =	vst v22  }
0x140: {  	v49 =	vor.u32 v4, v13;
	[tilespmem:s1+$0x16430] =	vst v17;
	v19 =	vld.idx.msk [tilespmem:v44+s14+$0x0], $0xffff  }
0x141: {  	v50 =	vor.u32 v5, v8;
	[tilespmem:s16+$0x16430] =	vst v21;
	v23 =	vld.idx.msk [tilespmem:v45+s14+$0x0], $0xffff  }
0x142: {  	v51 =	vor.u32 v5, v9;
	[tilespmem:s9+$0x16430] =	vst v16;
	v18 =	vld.idx.msk [tilespmem:v47+s14+$0x0], $0xffff  }
0x143: {  	v53 =	vor.u32 v5, v11;
	v14 =	vld.idx.msk [tilespmem:v46+s14+$0x0], $0xffff;
	[tilespmem:s22+$0x16430] =	vst v20  }
0x144: {  	v52 =	vor.u32 v5, v10;
	v22 =	vld.idx.msk [tilespmem:v48+s14+$0x0], $0xffff;
	[tilespmem:s31+$0x16430] =	vst v15  }
0x145: {  	v54 =	vor.u32 v5, v12;
	v17 =	vld.idx.msk [tilespmem:v49+s14+$0x0], $0xffff;
	[tilespmem:s0+$0x16440] =	vst v19  }
0x146: {  	v55 =	vor.u32 v5, v13;
	[tilespmem:s1+$0x16440] =	vst v23;
	v16 =	vld.idx.msk [tilespmem:v50+s14+$0x0], $0xffff  }
0x147: {  	v56 =	vor.u32 v6, v8;
	[tilespmem:s16+$0x16440] =	vst v18;
	v21 =	vld.idx.msk [tilespmem:v51+s14+$0x0], $0xffff  }
0x148: {  	v57 =	vor.u32 v6, v9;
	[tilespmem:s9+$0x16440] =	vst v14;
	v15 =	vld.idx.msk [tilespmem:v53+s14+$0x0], $0xffff  }
0x149: {  	v59 =	vor.u32 v6, v11;
	v20 =	vld.idx.msk [tilespmem:v52+s14+$0x0], $0xffff;
	[tilespmem:s22+$0x16440] =	vst v22  }
0x14a: {  	v58 =	vor.u32 v6, v10;
	v19 =	vld.idx.msk [tilespmem:v54+s14+$0x0], $0xffff;
	[tilespmem:s31+$0x16440] =	vst v17  }
0x14b: {  	v60 =	vor.u32 v6, v12;
	v23 =	vld.idx.msk [tilespmem:v55+s14+$0x0], $0xffff;
	[tilespmem:s0+$0x16450] =	vst v16  }
0x14c: {  	v61 =	vor.u32 v6, v13;
	[tilespmem:s1+$0x16450] =	vst v21;
	v14 =	vld.idx.msk [tilespmem:v56+s14+$0x0], $0xffff  }
0x14d: {  	v8 =	vor.u32 v7, v8;
	[tilespmem:s16+$0x16450] =	vst v15;
	v18 =	vld.idx.msk [tilespmem:v57+s14+$0x0], $0xffff  }
0x14e: {  	v9 =	vor.u32 v7, v9;
	[tilespmem:s9+$0x16450] =	vst v20;
	v17 =	vld.idx.msk [tilespmem:v59+s14+$0x0], $0xffff  }
0x14f: {  	v11 =	vor.u32 v7, v11;
	v62 =	vld.idx.msk [tilespmem:v58+s14+$0x0], $0xffff;
	[tilespmem:s22+$0x16450] =	vst v19  }
0x150: {  	v10 =	vor.u32 v7, v10;
	v16 =	vld.idx.msk [tilespmem:v60+s14+$0x0], $0xffff;
	[tilespmem:s31+$0x16450] =	vst v23  }
0x151: {  	v12 =	vor.u32 v7, v12;
	v63 =	vld.idx.msk [tilespmem:v61+s14+$0x0], $0xffff;
	[tilespmem:s0+$0x16460] =	vst v14  }
0x152: {  	v13 =	vor.u32 v7, v13;
	[tilespmem:s1+$0x16460] =	vst v18;
	v8 =	vld.idx.msk [tilespmem:v8+s14+$0x0], $0xffff  }
0x153: {  	[tilespmem:s16+$0x16460] =	vst v17;
	v9 =	vld.idx.msk [tilespmem:v9+s14+$0x0], $0xffff  }
0x154: {  	[tilespmem:s9+$0x16460] =	vst v62;
	v11 =	vld.idx.msk [tilespmem:v11+s14+$0x0], $0xffff  }
0x155: {  	v10 =	vld.idx.msk [tilespmem:v10+s14+$0x0], $0xffff;
	[tilespmem:s22+$0x16460] =	vst v16  }
0x156: {  	v12 =	vld.idx.msk [tilespmem:v12+s14+$0x0], $0xffff;
	[tilespmem:s31+$0x16460] =	vst v63  }
0x157: {  	p1 =	por p0, p0;
	[tilespmem:s0+$0x16470] =	vst v8;
	v8 =	vld.idx.msk [tilespmem:v13+s14+$0x0], $0xffff  }
.Ltmp0:
0x158: {  	[tilespmem:s1+$0x16470] =	vst v9;
	(pc) =	sbr.rel @p1 .LBB2_3-.Ltmp0, $4  }
0x159: {  	[tilespmem:s16+$0x16470] =	vst v11  }
0x15a: {  	[tilespmem:s9+$0x16470] =	vst v10  }
0x15b: {  	[tilespmem:s22+$0x16470] =	vst v12  }
0x15c: {  	p0 =	por $0x0, $0x0;
	s0 =	simm.s32 $0x20;
	[tilespmem:s31+$0x16470] =	vst v8  }
0x15d: {  	s0 =	sshll.u32 s29, $0x14  }
0x15e: {  	s0 =	sor.u32 s4, s0  }
0x15f: {  	p0 =	seq.s32 s29, $0x31;
	s31 =	sshrl.u32 s0, $0x3  }
0x160: {  	s1 =	simm.s32 $0x16400;
	p1 =	seq.s32 @!p0 s29, $0x0;
	s0 =	sadd.s32 s20, s31  }
0x161: {  	[hbm4b:s0+s10] =	stream.strided.scatter [tilespmem:s1], [sflag:$0x5], $0x2000, s11, s10, $0x38;
	[tilespmem:$0x1A400] =	vst v63  }
0x162: {  	s2 =	simm.s32 @!p0 $0x80;
	s0 =	sshll.u32 @!p0 s29, $0x9;
	_ =	swait.ge [sflag:s21], $0x4000  }
0x163: {  	s3 =	simm.s32 @!p0 $0x6400;
	s0 =	sand.u32 @!p0 $0x3FFFFE00, s0;
	[sflag:s21] =	ssyncset.done $0x0  }
0x164: {  	p1 =	por p0, !p1;
	s1 =	sadd.s32 @!p0 $0x200, s0;
	[sflag:s21] =	ssyncadd.s32 $0xFFFFC000  }
0x165: {  	[tilespmem:s3], [sflag:$0x1] =	stream.indirect.gather @!p0 [hbm4b:s5+s2], $0x80, s1, s2, $0xb8;
	[tilespmem:$0x1A400] =	vst v63  }
0x166: {  	_ =	swait.ge @p1 [sflag:s26], $0x2000  }
0x167: {  	s18 =	smov.u32 s20;
	[sflag:s26] =	ssyncset.done @p1 $0x0  }
0x168: {  	s1 =	simm.s32 $0x0;
	[sflag:s26] =	ssyncadd.s32 @p1 $0xFFFFE000;
	p1 =	por $0x1, $0x1  }
.LBB2_5:
0x169: {  	v8 =	vmov s1  }
0x16a: {  	v8 =	vand.u32 $0x60, v8  }
0x16b: {  	v8 =	vbroadcast v8, $0x0;
	_ =	sdelay $0x1  }
0x16c: {  	v9 =	vor.u32 v0, v8;
	_ =	sdelay $0x4  }
0x16d: {  	v9 =	vld.idx.msk [tilespmem:v9+s15+$0x0], $0xffff  }
0x16e: {  	v10 =	vor.u32 v1, v8;
	_ =	sdelay $0x1  }
0x16f: {  	s2 =	sshll.u32 s1, $0x7  }
0x170: {  	s3 =	sand.u32 $0x3FFFFF80, s2  }
0x171: {  	[tilespmem:s3+$0x18400] =	vst v9  }
0x172: {  	v9 =	vld.idx.msk [tilespmem:v10+s15+$0x0], $0xffff  }
0x173: {  	v12 =	vor.u32 v2, v8;
	_ =	sdelay $0x3  }
0x174: {  	[tilespmem:s3+$0x18410] =	vst v9  }
0x175: {  	v9 =	vld.idx.msk [tilespmem:v12+s15+$0x0], $0xffff  }
0x176: {  	v13 =	vor.u32 v3, v8;
	_ =	sdelay $0x3  }
0x177: {  	[tilespmem:s3+$0x18420] =	vst v9  }
0x178: {  	v9 =	vld.idx.msk [tilespmem:v13+s15+$0x0], $0xffff  }
0x179: {  	v14 =	vor.u32 v4, v8;
	_ =	sdelay $0x3  }
0x17a: {  	[tilespmem:s3+$0x18430] =	vst v9  }
0x17b: {  	v9 =	vld.idx.msk [tilespmem:v14+s15+$0x0], $0xffff  }
0x17c: {  	v15 =	vor.u32 v5, v8;
	_ =	sdelay $0x1  }
0x17d: {  	s13 =	sor.u32 $0x1, s1  }
0x17e: {  	v11 =	vmov s13  }
0x17f: {  	v16 =	vand.u32 $0x61, v11;
	[tilespmem:s3+$0x18440] =	vst v9  }
0x180: {  	v11 =	vbroadcast v16, $0x0;
	v10 =	vld.idx.msk [tilespmem:v15+s15+$0x0], $0xffff  }
0x181: {  	v17 =	vor.u32 v6, v8  }
0x182: {  	v12 =	vor.u32 v0, v11;
	_ =	sdelay $0x2  }
0x183: {  	[tilespmem:s3+$0x18450] =	vst v10  }
0x184: {  	v13 =	vld.idx.msk [tilespmem:v17+s15+$0x0], $0xffff  }
0x185: {  	v9 =	vld.idx.msk [tilespmem:v12+s15+$0x0], $0xffff  }
0x186: {  	v18 =	vor.u32 v1, v11;
	_ =	sdelay $0x1  }
0x187: {  	s2 =	sshll.u32 s13, $0x7  }
0x188: {  	s2 =	sand.u32 $0x3FFFFF80, s2  }
0x189: {  	[tilespmem:s2+$0x18400] =	vst v9  }
0x18a: {  	v9 =	vld.idx.msk [tilespmem:v18+s15+$0x0], $0xffff  }
0x18b: {  	v19 =	vor.u32 v2, v11;
	_ =	sdelay $0x3  }
0x18c: {  	[tilespmem:s2+$0x18410] =	vst v9  }
0x18d: {  	v9 =	vld.idx.msk [tilespmem:v19+s15+$0x0], $0xffff  }
0x18e: {  	v20 =	vor.u32 v3, v11;
	_ =	sdelay $0x3  }
0x18f: {  	[tilespmem:s2+$0x18420] =	vst v9  }
0x190: {  	v9 =	vld.idx.msk [tilespmem:v20+s15+$0x0], $0xffff  }
0x191: {  	v21 =	vor.u32 v4, v11;
	_ =	sdelay $0x3  }
0x192: {  	[tilespmem:s2+$0x18430] =	vst v9  }
0x193: {  	s7 =	sor.u32 $0x3, s1;
	s12 =	sor.u32 $0x6, s1;
	v9 =	vld.idx.msk [tilespmem:v21+s15+$0x0], $0xffff  }
0x194: {  	s9 =	sor.u32 $0x5, s1;
	v28 =	vmov s12;
	v22 =	vor.u32 v5, v11;
	v14 =	vmov s7  }
0x195: {  	v14 =	vand.u32 $0x63, v14;
	v15 =	vor.u32 v7, v8;
	v18 =	vmov s9  }
0x196: {  	s6 =	sor.u32 $0x2, s1;
	v8 =	vbroadcast v14, $0x0;
	v27 =	vand.u32 $0x65, v18;
	v18 =	vand.u32 $0x66, v28  }
0x197: {  	v24 =	vmov s6;
	[tilespmem:s3+$0x18460] =	vst v13;
	v13 =	vbroadcast v18, $0x0  }
0x198: {  	v17 =	vor.u32 v0, v8;
	[tilespmem:s2+$0x18440] =	vst v9;
	v9 =	vand.u32 $0x62, v24  }
0x199: {  	v31 =	vor.u32 v0, v13;
	v10 =	vld.idx.msk [tilespmem:v22+s15+$0x0], $0xffff;
	v9 =	vbroadcast v9, $0x0  }
0x19a: {  	v23 =	vor.u32 v6, v11  }
0x19b: {  	v16 =	vor.u32 v0, v9  }
0x19c: {  	s8 =	sor.u32 $0x4, s1;
	v15 =	vld.idx.msk [tilespmem:v15+s15+$0x0], $0xffff  }
0x19d: {  	v26 =	vmov s8;
	v17 =	vld.idx.msk [tilespmem:v17+s15+$0x0], $0xffff  }
0x19e: {  	v18 =	vld.idx.msk [tilespmem:v31+s15+$0x0], $0xffff;
	[tilespmem:s2+$0x18450] =	vst v10;
	v10 =	vand.u32 $0x64, v26  }
0x19f: {  	v25 =	vor.u32 v7, v11;
	v12 =	vld.idx.msk [tilespmem:v23+s15+$0x0], $0xffff;
	v11 =	vbroadcast v10, $0x0;
	v23 =	vor.u32 v1, v8  }
0x1a0: {  	s20 =	sshll.u32 s7, $0x7;
	v34 =	vor.u32 v1, v13;
	v10 =	vbroadcast v27, $0x0;
	v16 =	vld.idx.msk [tilespmem:v16+s15+$0x0], $0xffff  }
0x1a1: {  	s13 =	sor.u32 $0x7, s1;
	s7 =	sshll.u32 s12, $0x7;
	[tilespmem:s3+$0x18470] =	vst v15;
	s3 =	sand.u32 $0x3FFFFF80, s20;
	v20 =	vor.u32 v0, v11  }
0x1a2: {  	s12 =	sand.u32 $0x3FFFFF80, s7;
	v19 =	vmov s13;
	[tilespmem:s3+$0x18400] =	vst v17;
	v30 =	vor.u32 v0, v10  }
0x1a3: {  	s16 =	sshll.u32 s6, $0x7;
	v29 =	vand.u32 $0x67, v19;
	[tilespmem:s12+$0x18400] =	vst v18;
	v22 =	vor.u32 v1, v9  }
0x1a4: {  	s16 =	sand.u32 $0x3FFFFF80, s16;
	[tilespmem:s2+$0x18460] =	vst v12;
	v12 =	vbroadcast v29, $0x0;
	v23 =	vld.idx.msk [tilespmem:v23+s15+$0x0], $0xffff  }
0x1a5: {  	[tilespmem:s16+$0x18400] =	vst v16;
	v16 =	vld.idx.msk [tilespmem:v34+s15+$0x0], $0xffff  }
0x1a6: {  	v21 =	vor.u32 v0, v12;
	v20 =	vld.idx.msk [tilespmem:v20+s15+$0x0], $0xffff  }
0x1a7: {  	v37 =	vor.u32 v2, v8;
	v19 =	vld.idx.msk [tilespmem:v30+s15+$0x0], $0xffff  }
0x1a8: {  	v40 =	vor.u32 v2, v13;
	v22 =	vld.idx.msk [tilespmem:v22+s15+$0x0], $0xffff  }
0x1a9: {  	s22 =	sshll.u32 s8, $0x7;
	v32 =	vor.u32 v1, v11;
	[tilespmem:s3+$0x18410] =	vst v23  }
0x1aa: {  	s28 =	sshll.u32 s9, $0x7;
	s6 =	sand.u32 $0x3FFFFF80, s22;
	v33 =	vor.u32 v1, v10;
	v14 =	vld.idx.msk [tilespmem:v25+s15+$0x0], $0xffff;
	[tilespmem:s12+$0x18410] =	vst v16  }
0x1ab: {  	s9 =	sand.u32 $0x3FFFFF80, s28;
	v36 =	vor.u32 v2, v9;
	v21 =	vld.idx.msk [tilespmem:v21+s15+$0x0], $0xffff;
	[tilespmem:s6+$0x18400] =	vst v20  }
0x1ac: {  	[tilespmem:s9+$0x18400] =	vst v19;
	v19 =	vld.idx.msk [tilespmem:v37+s15+$0x0], $0xffff  }
0x1ad: {  	[tilespmem:s16+$0x18410] =	vst v22;
	v22 =	vld.idx.msk [tilespmem:v40+s15+$0x0], $0xffff  }
0x1ae: {  	s8 =	sshll.u32 s13, $0x7;
	v35 =	vor.u32 v1, v12;
	v15 =	vld.idx.msk [tilespmem:v32+s15+$0x0], $0xffff  }
0x1af: {  	v43 =	vor.u32 v3, v8;
	s28 =	sand.u32 $0x3FFFFF80, s8;
	[tilespmem:s2+$0x18470] =	vst v14;
	v14 =	vld.idx.msk [tilespmem:v33+s15+$0x0], $0xffff  }
0x1b0: {  	v46 =	vor.u32 v3, v13;
	v20 =	vld.idx.msk [tilespmem:v36+s15+$0x0], $0xffff;
	[tilespmem:s28+$0x18400] =	vst v21  }
0x1b1: {  	v38 =	vor.u32 v2, v11;
	[tilespmem:s3+$0x18420] =	vst v19  }
0x1b2: {  	v39 =	vor.u32 v2, v10;
	[tilespmem:s12+$0x18420] =	vst v22  }
0x1b3: {  	v42 =	vor.u32 v3, v9;
	v17 =	vld.idx.msk [tilespmem:v35+s15+$0x0], $0xffff;
	[tilespmem:s6+$0x18410] =	vst v15  }
0x1b4: {  	[tilespmem:s9+$0x18410] =	vst v14;
	v14 =	vld.idx.msk [tilespmem:v43+s15+$0x0], $0xffff  }
0x1b5: {  	[tilespmem:s16+$0x18420] =	vst v20;
	v20 =	vld.idx.msk [tilespmem:v46+s15+$0x0], $0xffff  }
0x1b6: {  	v41 =	vor.u32 v2, v12;
	v18 =	vld.idx.msk [tilespmem:v38+s15+$0x0], $0xffff  }
0x1b7: {  	v49 =	vor.u32 v4, v8;
	v21 =	vld.idx.msk [tilespmem:v39+s15+$0x0], $0xffff  }
0x1b8: {  	v52 =	vor.u32 v4, v13;
	v15 =	vld.idx.msk [tilespmem:v42+s15+$0x0], $0xffff;
	[tilespmem:s28+$0x18410] =	vst v17  }
0x1b9: {  	v44 =	vor.u32 v3, v11;
	[tilespmem:s3+$0x18430] =	vst v14  }
0x1ba: {  	v45 =	vor.u32 v3, v10;
	[tilespmem:s12+$0x18430] =	vst v20  }
0x1bb: {  	v48 =	vor.u32 v4, v9;
	v23 =	vld.idx.msk [tilespmem:v41+s15+$0x0], $0xffff;
	[tilespmem:s6+$0x18420] =	vst v18  }
0x1bc: {  	[tilespmem:s9+$0x18420] =	vst v21;
	v21 =	vld.idx.msk [tilespmem:v49+s15+$0x0], $0xffff  }
0x1bd: {  	[tilespmem:s16+$0x18430] =	vst v15;
	v15 =	vld.idx.msk [tilespmem:v52+s15+$0x0], $0xffff  }
0x1be: {  	v47 =	vor.u32 v3, v12;
	v16 =	vld.idx.msk [tilespmem:v44+s15+$0x0], $0xffff  }
0x1bf: {  	v55 =	vor.u32 v5, v8;
	v17 =	vld.idx.msk [tilespmem:v45+s15+$0x0], $0xffff  }
0x1c0: {  	v58 =	vor.u32 v5, v13;
	v18 =	vld.idx.msk [tilespmem:v48+s15+$0x0], $0xffff;
	[tilespmem:s28+$0x18420] =	vst v23  }
0x1c1: {  	v50 =	vor.u32 v4, v11;
	[tilespmem:s3+$0x18440] =	vst v21  }
0x1c2: {  	v51 =	vor.u32 v4, v10;
	[tilespmem:s12+$0x18440] =	vst v15  }
0x1c3: {  	v54 =	vor.u32 v5, v9;
	v19 =	vld.idx.msk [tilespmem:v47+s15+$0x0], $0xffff;
	[tilespmem:s6+$0x18430] =	vst v16  }
0x1c4: {  	[tilespmem:s9+$0x18430] =	vst v17;
	v17 =	vld.idx.msk [tilespmem:v55+s15+$0x0], $0xffff  }
0x1c5: {  	[tilespmem:s16+$0x18440] =	vst v18;
	v18 =	vld.idx.msk [tilespmem:v58+s15+$0x0], $0xffff  }
0x1c6: {  	v53 =	vor.u32 v4, v12;
	v22 =	vld.idx.msk [tilespmem:v50+s15+$0x0], $0xffff  }
0x1c7: {  	v61 =	vor.u32 v6, v8;
	v23 =	vld.idx.msk [tilespmem:v51+s15+$0x0], $0xffff  }
0x1c8: {  	v28 =	vor.u32 v6, v13;
	v16 =	vld.idx.msk [tilespmem:v54+s15+$0x0], $0xffff;
	[tilespmem:s28+$0x18430] =	vst v19  }
0x1c9: {  	v56 =	vor.u32 v5, v11;
	[tilespmem:s3+$0x18450] =	vst v17  }
0x1ca: {  	[tilespmem:s12+$0x18450] =	vst v18  }
0x1cb: {  	v57 =	vor.u32 v5, v10;
	v14 =	vld.idx.msk [tilespmem:v53+s15+$0x0], $0xffff;
	[tilespmem:s6+$0x18440] =	vst v22  }
0x1cc: {  	v60 =	vor.u32 v6, v9;
	[tilespmem:s9+$0x18440] =	vst v23;
	v23 =	vld.idx.msk [tilespmem:v61+s15+$0x0], $0xffff  }
0x1cd: {  	v59 =	vor.u32 v5, v12;
	[tilespmem:s16+$0x18450] =	vst v16;
	v16 =	vld.idx.msk [tilespmem:v28+s15+$0x0], $0xffff  }
0x1ce: {  	v31 =	vor.u32 v7, v8;
	s2 =	sor.u32 $0x9, s1;
	v20 =	vld.idx.msk [tilespmem:v56+s15+$0x0], $0xffff  }
0x1cf: {  	s20 =	sor.u32 $0xC, s1;
	v24 =	vor.u32 v7, v9;
	v34 =	vor.u32 v7, v13;
	v32 =	vmov s2  }
0x1d0: {  	v62 =	vor.u32 v6, v11;
	v40 =	vmov s20;
	v9 =	vand.u32 $0x69, v32;
	v19 =	vld.idx.msk [tilespmem:v57+s15+$0x0], $0xffff;
	[tilespmem:s28+$0x18440] =	vst v14  }
0x1d1: {  	s13 =	sor.u32 $0x8, s1;
	v63 =	vor.u32 v6, v10;
	v9 =	vbroadcast v9, $0x0;
	v41 =	vand.u32 $0x6C, v40;
	v22 =	vld.idx.msk [tilespmem:v60+s15+$0x0], $0xffff;
	[tilespmem:s3+$0x18460] =	vst v23  }
0x1d2: {  	v30 =	vmov s13;
	v13 =	vbroadcast v41, $0x0;
	[tilespmem:s12+$0x18460] =	vst v16;
	v21 =	vld.idx.msk [tilespmem:v59+s15+$0x0], $0xffff  }
0x1d3: {  	v8 =	vand.u32 $0x68, v30;
	v38 =	vor.u32 v0, v9;
	[tilespmem:s6+$0x18450] =	vst v20;
	v20 =	vld.idx.msk [tilespmem:v31+s15+$0x0], $0xffff  }
0x1d4: {  	s7 =	sor.u32 $0xA, s1;
	v8 =	vbroadcast v8, $0x0;
	v48 =	vor.u32 v0, v13;
	v45 =	vld.idx.msk [tilespmem:v34+s15+$0x0], $0xffff  }
0x1d5: {  	v29 =	vor.u32 v6, v12;
	v37 =	vmov s7;
	[tilespmem:s9+$0x18450] =	vst v19;
	v15 =	vld.idx.msk [tilespmem:v62+s15+$0x0], $0xffff  }
0x1d6: {  	v33 =	vor.u32 v7, v10;
	v36 =	vor.u32 v0, v8;
	v10 =	vand.u32 $0x6A, v37;
	[tilespmem:s16+$0x18460] =	vst v22;
	v14 =	vld.idx.msk [tilespmem:v63+s15+$0x0], $0xffff  }
0x1d7: {  	v11 =	vor.u32 v7, v11;
	v10 =	vbroadcast v10, $0x0;
	v24 =	vld.idx.msk [tilespmem:v24+s15+$0x0], $0xffff;
	[tilespmem:s28+$0x18450] =	vst v21  }
0x1d8: {  	v23 =	vld.idx.msk [tilespmem:v38+s15+$0x0], $0xffff;
	[tilespmem:s3+$0x18470] =	vst v20  }
0x1d9: {  	s8 =	sor.u32 $0xB, s1;
	v43 =	vor.u32 v0, v10;
	[tilespmem:s12+$0x18470] =	vst v45;
	v21 =	vld.idx.msk [tilespmem:v48+s15+$0x0], $0xffff  }
0x1da: {  	s22 =	sor.u32 $0xD, s1;
	v39 =	vmov s8;
	v55 =	vor.u32 v1, v13;
	v17 =	vld.idx.msk [tilespmem:v29+s15+$0x0], $0xffff;
	[tilespmem:s6+$0x18460] =	vst v15  }
0x1db: {  	s2 =	sshll.u32 s2, $0x7;
	v35 =	vor.u32 v7, v12;
	v42 =	vmov s22;
	v12 =	vand.u32 $0x6B, v39;
	v49 =	vld.idx.msk [tilespmem:v36+s15+$0x0], $0xffff;
	s12 =	sshll.u32 s13, $0x7;
	[tilespmem:s9+$0x18460] =	vst v14  }
0x1dc: {  	v44 =	vand.u32 $0x6D, v42;
	v51 =	vor.u32 v1, v8;
	s3 =	sand.u32 $0x3FFFFF80, s2;
	s13 =	sshll.u32 s7, $0x7;
	s7 =	sshll.u32 s20, $0x7;
	[tilespmem:s16+$0x18470] =	vst v24;
	v15 =	vld.idx.msk [tilespmem:v11+s15+$0x0], $0xffff;
	v11 =	vbroadcast v12, $0x0  }
0x1dd: {  	v52 =	vor.u32 v1, v9;
	s16 =	sand.u32 $0x3FFFFF80, s12;
	[tilespmem:s3+$0x18400] =	vst v23;
	s12 =	sand.u32 $0x3FFFFF80, s7;
	v18 =	vld.idx.msk [tilespmem:v33+s15+$0x0], $0xffff;
	v12 =	vbroadcast v44, $0x0  }
0x1de: {  	v16 =	vld.idx.msk [tilespmem:v43+s15+$0x0], $0xffff;
	v46 =	vor.u32 v0, v11;
	[tilespmem:s12+$0x18400] =	vst v21  }
0x1df: {  	v50 =	vor.u32 v0, v12;
	[tilespmem:s28+$0x18460] =	vst v17;
	v20 =	vld.idx.msk [tilespmem:v55+s15+$0x0], $0xffff  }
0x1e0: {  	v53 =	vor.u32 v1, v10;
	[tilespmem:s16+$0x18400] =	vst v49;
	v47 =	vld.idx.msk [tilespmem:v35+s15+$0x0], $0xffff  }
0x1e1: {  	v61 =	vor.u32 v2, v13;
	[tilespmem:s6+$0x18470] =	vst v15;
	v15 =	vld.idx.msk [tilespmem:v51+s15+$0x0], $0xffff  }
0x1e2: {  	v57 =	vor.u32 v2, v8;
	[tilespmem:s9+$0x18470] =	vst v18;
	s6 =	sand.u32 $0x3FFFFF80, s13;
	v18 =	vld.idx.msk [tilespmem:v52+s15+$0x0], $0xffff  }
0x1e3: {  	v58 =	vor.u32 v2, v9;
	[tilespmem:s6+$0x18400] =	vst v16;
	v17 =	vld.idx.msk [tilespmem:v46+s15+$0x0], $0xffff  }
0x1e4: {  	v54 =	vor.u32 v1, v11;
	v22 =	vld.idx.msk [tilespmem:v50+s15+$0x0], $0xffff;
	[tilespmem:s12+$0x18410] =	vst v20  }
0x1e5: {  	v56 =	vor.u32 v1, v12;
	v14 =	vld.idx.msk [tilespmem:v53+s15+$0x0], $0xffff;
	[tilespmem:s28+$0x18470] =	vst v47  }
0x1e6: {  	v59 =	vor.u32 v2, v10;
	s28 =	sshll.u32 s8, $0x7;
	[tilespmem:s16+$0x18410] =	vst v15;
	v15 =	vld.idx.msk [tilespmem:v61+s15+$0x0], $0xffff  }
0x1e7: {  	v27 =	vor.u32 v3, v13;
	s8 =	sshll.u32 s22, $0x7;
	[tilespmem:s3+$0x18410] =	vst v18;
	s9 =	sand.u32 $0x3FFFFF80, s28;
	v16 =	vld.idx.msk [tilespmem:v57+s15+$0x0], $0xffff  }
0x1e8: {  	v63 =	vor.u32 v3, v8;
	s28 =	sand.u32 $0x3FFFFF80, s8;
	[tilespmem:s9+$0x18400] =	vst v17;
	v17 =	vld.idx.msk [tilespmem:v58+s15+$0x0], $0xffff  }
0x1e9: {  	v24 =	vor.u32 v3, v9;
	[tilespmem:s28+$0x18400] =	vst v22;
	v19 =	vld.idx.msk [tilespmem:v54+s15+$0x0], $0xffff  }
0x1ea: {  	v60 =	vor.u32 v2, v11;
	[tilespmem:s6+$0x18410] =	vst v14;
	v23 =	vld.idx.msk [tilespmem:v56+s15+$0x0], $0xffff  }
0x1eb: {  	v62 =	vor.u32 v2, v12;
	v21 =	vld.idx.msk [tilespmem:v59+s15+$0x0], $0xffff;
	[tilespmem:s12+$0x18420] =	vst v15  }
0x1ec: {  	v25 =	vor.u32 v3, v10;
	[tilespmem:s16+$0x18420] =	vst v16;
	v16 =	vld.idx.msk [tilespmem:v27+s15+$0x0], $0xffff  }
0x1ed: {  	v33 =	vor.u32 v4, v13;
	v14 =	vld.idx.msk [tilespmem:v63+s15+$0x0], $0xffff;
	[tilespmem:s3+$0x18420] =	vst v17  }
0x1ee: {  	v29 =	vor.u32 v4, v8;
	[tilespmem:s9+$0x18410] =	vst v19;
	v19 =	vld.idx.msk [tilespmem:v24+s15+$0x0], $0xffff  }
0x1ef: {  	v30 =	vor.u32 v4, v9;
	[tilespmem:s28+$0x18410] =	vst v23;
	v22 =	vld.idx.msk [tilespmem:v60+s15+$0x0], $0xffff  }
0x1f0: {  	v26 =	vor.u32 v3, v11;
	[tilespmem:s6+$0x18420] =	vst v21;
	v18 =	vld.idx.msk [tilespmem:v62+s15+$0x0], $0xffff  }
0x1f1: {  	v28 =	vor.u32 v3, v12;
	v20 =	vld.idx.msk [tilespmem:v25+s15+$0x0], $0xffff;
	[tilespmem:s12+$0x18430] =	vst v16  }
0x1f2: {  	v31 =	vor.u32 v4, v10;
	[tilespmem:s16+$0x18430] =	vst v14;
	v14 =	vld.idx.msk [tilespmem:v33+s15+$0x0], $0xffff  }
0x1f3: {  	v39 =	vor.u32 v5, v13;
	v21 =	vld.idx.msk [tilespmem:v29+s15+$0x0], $0xffff;
	[tilespmem:s3+$0x18430] =	vst v19  }
0x1f4: {  	v35 =	vor.u32 v5, v8;
	[tilespmem:s9+$0x18420] =	vst v22;
	v22 =	vld.idx.msk [tilespmem:v30+s15+$0x0], $0xffff  }
0x1f5: {  	v36 =	vor.u32 v5, v9;
	[tilespmem:s28+$0x18420] =	vst v18;
	v23 =	vld.idx.msk [tilespmem:v26+s15+$0x0], $0xffff  }
0x1f6: {  	v32 =	vor.u32 v4, v11;
	[tilespmem:s6+$0x18430] =	vst v20;
	v17 =	vld.idx.msk [tilespmem:v28+s15+$0x0], $0xffff  }
0x1f7: {  	v34 =	vor.u32 v4, v12;
	v15 =	vld.idx.msk [tilespmem:v31+s15+$0x0], $0xffff;
	[tilespmem:s12+$0x18440] =	vst v14  }
0x1f8: {  	v37 =	vor.u32 v5, v10;
	[tilespmem:s16+$0x18440] =	vst v21;
	v21 =	vld.idx.msk [tilespmem:v39+s15+$0x0], $0xffff  }
0x1f9: {  	v45 =	vor.u32 v6, v13;
	v20 =	vld.idx.msk [tilespmem:v35+s15+$0x0], $0xffff;
	[tilespmem:s3+$0x18440] =	vst v22  }
0x1fa: {  	v41 =	vor.u32 v6, v8;
	[tilespmem:s9+$0x18430] =	vst v23;
	v23 =	vld.idx.msk [tilespmem:v36+s15+$0x0], $0xffff  }
0x1fb: {  	v42 =	vor.u32 v6, v9;
	[tilespmem:s28+$0x18430] =	vst v17;
	v18 =	vld.idx.msk [tilespmem:v32+s15+$0x0], $0xffff  }
0x1fc: {  	v38 =	vor.u32 v5, v11;
	[tilespmem:s6+$0x18440] =	vst v15;
	v19 =	vld.idx.msk [tilespmem:v34+s15+$0x0], $0xffff  }
0x1fd: {  	s2 =	sor.u32 $0xE, s1;
	v40 =	vor.u32 v5, v12;
	v16 =	vld.idx.msk [tilespmem:v37+s15+$0x0], $0xffff;
	[tilespmem:s12+$0x18450] =	vst v21  }
0x1fe: {  	v43 =	vor.u32 v6, v10;
	v47 =	vor.u32 v7, v8;
	v8 =	vmov s2;
	[tilespmem:s16+$0x18450] =	vst v20;
	v20 =	vld.idx.msk [tilespmem:v45+s15+$0x0], $0xffff  }
0x1ff: {  	v8 =	vand.u32 $0x6E, v8;
	v25 =	vor.u32 v7, v13;
	v15 =	vld.idx.msk [tilespmem:v41+s15+$0x0], $0xffff;
	[tilespmem:s3+$0x18450] =	vst v23  }
0x200: {  	s7 =	sor.u32 $0x10, s1;
	v8 =	vbroadcast v8, $0x0;
	[tilespmem:s9+$0x18440] =	vst v18;
	v18 =	vld.idx.msk [tilespmem:v42+s15+$0x0], $0xffff  }
0x201: {  	v48 =	vor.u32 v7, v9;
	s20 =	sor.u32 $0x12, s1;
	v44 =	vor.u32 v6, v11;
	v55 =	vmov s7;
	s13 =	sor.u32 $0xF, s1;
	[tilespmem:s28+$0x18440] =	vst v19;
	v17 =	vld.idx.msk [tilespmem:v38+s15+$0x0], $0xffff  }
0x202: {  	v49 =	vmov s13;
	v58 =	vmov s20;
	v54 =	vor.u32 v0, v8;
	[tilespmem:s6+$0x18450] =	vst v16;
	v22 =	vld.idx.msk [tilespmem:v40+s15+$0x0], $0xffff  }
0x203: {  	v46 =	vor.u32 v6, v12;
	v53 =	vor.u32 v7, v12;
	v12 =	vand.u32 $0x72, v58;
	v14 =	vld.idx.msk [tilespmem:v43+s15+$0x0], $0xffff;
	[tilespmem:s12+$0x18460] =	vst v20  }
0x204: {  	v50 =	vor.u32 v7, v10;
	v10 =	vand.u32 $0x70, v55;
	v13 =	vbroadcast v12, $0x0;
	[tilespmem:s16+$0x18460] =	vst v15;
	v62 =	vld.idx.msk [tilespmem:v25+s15+$0x0], $0xffff  }
0x205: {  	v9 =	vand.u32 $0x6F, v49;
	v10 =	vbroadcast v10, $0x0;
	v24 =	vld.idx.msk [tilespmem:v47+s15+$0x0], $0xffff;
	[tilespmem:s3+$0x18460] =	vst v18  }
0x206: {  	v9 =	vbroadcast v9, $0x0;
	v26 =	vor.u32 v0, v13;
	[tilespmem:s9+$0x18450] =	vst v17;
	v16 =	vld.idx.msk [tilespmem:v48+s15+$0x0], $0xffff  }
0x207: {  	v60 =	vor.u32 v0, v10;
	v27 =	vld.idx.msk [tilespmem:v54+s15+$0x0], $0xffff;
	[tilespmem:s28+$0x18450] =	vst v22  }
0x208: {  	v56 =	vor.u32 v0, v9;
	[tilespmem:s6+$0x18460] =	vst v14;
	v19 =	vld.idx.msk [tilespmem:v44+s15+$0x0], $0xffff  }
0x209: {  	s8 =	sor.u32 $0x11, s1;
	v29 =	vor.u32 v1, v8;
	v14 =	vld.idx.msk [tilespmem:v50+s15+$0x0], $0xffff;
	[tilespmem:s12+$0x18470] =	vst v62  }
0x20a: {  	v51 =	vor.u32 v7, v11;
	s22 =	sor.u32 $0x13, s1;
	s2 =	sshll.u32 s2, $0x7;
	v57 =	vmov s8;
	v52 =	vld.idx.msk [tilespmem:v46+s15+$0x0], $0xffff;
	[tilespmem:s16+$0x18470] =	vst v24  }
0x20b: {  	v11 =	vand.u32 $0x71, v57;
	v59 =	vmov s22;
	v22 =	vld.idx.msk [tilespmem:v26+s15+$0x0], $0xffff;
	s16 =	sand.u32 $0x3FFFFF80, s2;
	[tilespmem:s3+$0x18470] =	vst v16  }
0x20c: {  	v11 =	vbroadcast v11, $0x0;
	v61 =	vand.u32 $0x73, v59;
	v33 =	vor.u32 v1, v13;
	v20 =	vld.idx.msk [tilespmem:v60+s15+$0x0], $0xffff;
	[tilespmem:s16+$0x18400] =	vst v27  }
0x20d: {  	v12 =	vbroadcast v61, $0x0;
	v31 =	vor.u32 v1, v10;
	v18 =	vld.idx.msk [tilespmem:v56+s15+$0x0], $0xffff;
	[tilespmem:s9+$0x18460] =	vst v19  }
0x20e: {  	v63 =	vor.u32 v0, v11;
	s12 =	sshll.u32 s13, $0x7;
	s13 =	sshll.u32 s7, $0x7;
	s7 =	sshll.u32 s20, $0x7;
	[tilespmem:s6+$0x18470] =	vst v14;
	v14 =	vld.idx.msk [tilespmem:v29+s15+$0x0], $0xffff  }
0x20f: {  	v28 =	vor.u32 v0, v12;
	s3 =	sand.u32 $0x3FFFFF80, s12;
	s12 =	sand.u32 $0x3FFFFF80, s7;
	[tilespmem:s28+$0x18460] =	vst v52;
	v19 =	vld.idx.msk [tilespmem:v51+s15+$0x0], $0xffff  }
0x210: {  	v30 =	vor.u32 v1, v9;
	s6 =	sand.u32 $0x3FFFFF80, s13;
	[tilespmem:s12+$0x18400] =	vst v22;
	v25 =	vld.idx.msk [tilespmem:v53+s15+$0x0], $0xffff  }
0x211: {  	v35 =	vor.u32 v2, v8;
	[tilespmem:s6+$0x18400] =	vst v20;
	v16 =	vld.idx.msk [tilespmem:v33+s15+$0x0], $0xffff  }
0x212: {  	v39 =	vor.u32 v2, v13;
	[tilespmem:s3+$0x18400] =	vst v18;
	v17 =	vld.idx.msk [tilespmem:v31+s15+$0x0], $0xffff  }
0x213: {  	v37 =	vor.u32 v2, v10;
	v15 =	vld.idx.msk [tilespmem:v63+s15+$0x0], $0xffff;
	[tilespmem:s16+$0x18410] =	vst v14  }
0x214: {  	v32 =	vor.u32 v1, v11;
	v23 =	vld.idx.msk [tilespmem:v28+s15+$0x0], $0xffff;
	[tilespmem:s9+$0x18470] =	vst v19  }
0x215: {  	v34 =	vor.u32 v1, v12;
	[tilespmem:s28+$0x18470] =	vst v25;
	v19 =	vld.idx.msk [tilespmem:v30+s15+$0x0], $0xffff  }
0x216: {  	v36 =	vor.u32 v2, v9;
	s28 =	sshll.u32 s8, $0x7;
	v20 =	vld.idx.msk [tilespmem:v35+s15+$0x0], $0xffff;
	[tilespmem:s12+$0x18410] =	vst v16  }
0x217: {  	v41 =	vor.u32 v3, v8;
	s8 =	sshll.u32 s22, $0x7;
	s9 =	sand.u32 $0x3FFFFF80, s28;
	[tilespmem:s6+$0x18410] =	vst v17;
	v14 =	vld.idx.msk [tilespmem:v39+s15+$0x0], $0xffff  }
0x218: {  	v45 =	vor.u32 v3, v13;
	s28 =	sand.u32 $0x3FFFFF80, s8;
	[tilespmem:s9+$0x18400] =	vst v15;
	v22 =	vld.idx.msk [tilespmem:v37+s15+$0x0], $0xffff  }
0x219: {  	v43 =	vor.u32 v3, v10;
	[tilespmem:s28+$0x18400] =	vst v23;
	v21 =	vld.idx.msk [tilespmem:v32+s15+$0x0], $0xffff  }
0x21a: {  	v38 =	vor.u32 v2, v11;
	v18 =	vld.idx.msk [tilespmem:v34+s15+$0x0], $0xffff;
	[tilespmem:s3+$0x18410] =	vst v19  }
0x21b: {  	v40 =	vor.u32 v2, v12;
	[tilespmem:s16+$0x18420] =	vst v20;
	v15 =	vld.idx.msk [tilespmem:v36+s15+$0x0], $0xffff  }
0x21c: {  	v42 =	vor.u32 v3, v9;
	v17 =	vld.idx.msk [tilespmem:v41+s15+$0x0], $0xffff;
	[tilespmem:s12+$0x18420] =	vst v14  }
0x21d: {  	v47 =	vor.u32 v4, v8;
	[tilespmem:s6+$0x18420] =	vst v22;
	v20 =	vld.idx.msk [tilespmem:v45+s15+$0x0], $0xffff  }
0x21e: {  	v51 =	vor.u32 v4, v13;
	[tilespmem:s9+$0x18410] =	vst v21;
	v16 =	vld.idx.msk [tilespmem:v43+s15+$0x0], $0xffff  }
0x21f: {  	v49 =	vor.u32 v4, v10;
	[tilespmem:s28+$0x18410] =	vst v18;
	v23 =	vld.idx.msk [tilespmem:v38+s15+$0x0], $0xffff  }
0x220: {  	v44 =	vor.u32 v3, v11;
	v19 =	vld.idx.msk [tilespmem:v40+s15+$0x0], $0xffff;
	[tilespmem:s3+$0x18420] =	vst v15  }
0x221: {  	v46 =	vor.u32 v3, v12;
	[tilespmem:s16+$0x18430] =	vst v17;
	v21 =	vld.idx.msk [tilespmem:v42+s15+$0x0], $0xffff  }
0x222: {  	v48 =	vor.u32 v4, v9;
	v22 =	vld.idx.msk [tilespmem:v47+s15+$0x0], $0xffff;
	[tilespmem:s12+$0x18430] =	vst v20  }
0x223: {  	v53 =	vor.u32 v5, v8;
	[tilespmem:s6+$0x18430] =	vst v16;
	v17 =	vld.idx.msk [tilespmem:v51+s15+$0x0], $0xffff  }
0x224: {  	v57 =	vor.u32 v5, v13;
	[tilespmem:s9+$0x18420] =	vst v23;
	v14 =	vld.idx.msk [tilespmem:v49+s15+$0x0], $0xffff  }
0x225: {  	v55 =	vor.u32 v5, v10;
	[tilespmem:s28+$0x18420] =	vst v19;
	v18 =	vld.idx.msk [tilespmem:v44+s15+$0x0], $0xffff  }
0x226: {  	v50 =	vor.u32 v4, v11;
	v15 =	vld.idx.msk [tilespmem:v46+s15+$0x0], $0xffff;
	[tilespmem:s3+$0x18430] =	vst v21  }
0x227: {  	v52 =	vor.u32 v4, v12;
	[tilespmem:s16+$0x18440] =	vst v22;
	v23 =	vld.idx.msk [tilespmem:v48+s15+$0x0], $0xffff  }
0x228: {  	v54 =	vor.u32 v5, v9;
	v16 =	vld.idx.msk [tilespmem:v53+s15+$0x0], $0xffff;
	[tilespmem:s12+$0x18440] =	vst v17  }
0x229: {  	v59 =	vor.u32 v6, v8;
	[tilespmem:s6+$0x18440] =	vst v14;
	v22 =	vld.idx.msk [tilespmem:v57+s15+$0x0], $0xffff  }
0x22a: {  	v63 =	vor.u32 v6, v13;
	[tilespmem:s9+$0x18430] =	vst v18;
	v20 =	vld.idx.msk [tilespmem:v55+s15+$0x0], $0xffff  }
0x22b: {  	v61 =	vor.u32 v6, v10;
	[tilespmem:s28+$0x18430] =	vst v15;
	v19 =	vld.idx.msk [tilespmem:v50+s15+$0x0], $0xffff  }
0x22c: {  	v56 =	vor.u32 v5, v11;
	s2 =	sor.u32 $0x14, s1;
	v21 =	vld.idx.msk [tilespmem:v52+s15+$0x0], $0xffff;
	[tilespmem:s3+$0x18440] =	vst v23  }
0x22d: {  	v58 =	vor.u32 v5, v12;
	v29 =	vor.u32 v7, v8;
	v8 =	vmov s2;
	[tilespmem:s16+$0x18450] =	vst v16;
	v18 =	vld.idx.msk [tilespmem:v54+s15+$0x0], $0xffff  }
0x22e: {  	v60 =	vor.u32 v6, v9;
	v8 =	vand.u32 $0x74, v8;
	v14 =	vld.idx.msk [tilespmem:v59+s15+$0x0], $0xffff;
	[tilespmem:s12+$0x18450] =	vst v22  }
0x22f: {  	v8 =	vbroadcast v8, $0x0;
	[tilespmem:s6+$0x18450] =	vst v20;
	v16 =	vld.idx.msk [tilespmem:v63+s15+$0x0], $0xffff  }
0x230: {  	v28 =	vor.u32 v6, v12;
	s7 =	sor.u32 $0x16, s1;
	v34 =	vor.u32 v7, v13;
	[tilespmem:s9+$0x18440] =	vst v19;
	v17 =	vld.idx.msk [tilespmem:v61+s15+$0x0], $0xffff  }
0x231: {  	v62 =	vor.u32 v6, v11;
	s20 =	sor.u32 $0x18, s1;
	v37 =	vor.u32 v0, v8;
	v38 =	vmov s7;
	[tilespmem:s28+$0x18440] =	vst v21;
	v15 =	vld.idx.msk [tilespmem:v56+s15+$0x0], $0xffff  }
0x232: {  	v32 =	vor.u32 v7, v10;
	v41 =	vmov s20;
	v10 =	vand.u32 $0x76, v38;
	v23 =	vld.idx.msk [tilespmem:v58+s15+$0x0], $0xffff;
	[tilespmem:s3+$0x18450] =	vst v18  }
0x233: {  	v36 =	vor.u32 v7, v12;
	v12 =	vand.u32 $0x78, v41;
	v10 =	vbroadcast v10, $0x0;
	[tilespmem:s16+$0x18460] =	vst v14;
	v19 =	vld.idx.msk [tilespmem:v60+s15+$0x0], $0xffff  }
0x234: {  	v13 =	vbroadcast v12, $0x0;
	v24 =	vld.idx.msk [tilespmem:v29+s15+$0x0], $0xffff;
	[tilespmem:s12+$0x18460] =	vst v16  }
0x235: {  	v43 =	vor.u32 v0, v10;
	[tilespmem:s6+$0x18460] =	vst v17;
	v45 =	vld.idx.msk [tilespmem:v34+s15+$0x0], $0xffff  }
0x236: {  	v47 =	vor.u32 v0, v13;
	v48 =	vld.idx.msk [tilespmem:v37+s15+$0x0], $0xffff;
	[tilespmem:s9+$0x18450] =	vst v15  }
0x237: {  	s13 =	sor.u32 $0x15, s1;
	v30 =	vor.u32 v7, v9;
	[tilespmem:s28+$0x18450] =	vst v23;
	v15 =	vld.idx.msk [tilespmem:v32+s15+$0x0], $0xffff  }
0x238: {  	v31 =	vmov s13;
	s8 =	sor.u32 $0x17, s1;
	v50 =	vor.u32 v1, v8;
	v21 =	vld.idx.msk [tilespmem:v62+s15+$0x0], $0xffff;
	[tilespmem:s3+$0x18460] =	vst v19  }
0x239: {  	v33 =	vor.u32 v7, v11;
	s2 =	sshll.u32 s2, $0x7;
	v9 =	vand.u32 $0x75, v31;
	s22 =	sor.u32 $0x19, s1;
	v40 =	vmov s8;
	v35 =	vld.idx.msk [tilespmem:v28+s15+$0x0], $0xffff;
	[tilespmem:s16+$0x18470] =	vst v24  }
0x23a: {  	v9 =	vbroadcast v9, $0x0;
	v11 =	vand.u32 $0x77, v40;
	v42 =	vmov s22;
	v16 =	vld.idx.msk [tilespmem:v43+s15+$0x0], $0xffff;
	s16 =	sand.u32 $0x3FFFFF80, s2;
	[tilespmem:s12+$0x18470] =	vst v45  }
0x23b: {  	v11 =	vbroadcast v11, $0x0;
	v44 =	vand.u32 $0x79, v42;
	v52 =	vor.u32 v1, v10;
	v22 =	vld.idx.msk [tilespmem:v47+s15+$0x0], $0xffff;
	[tilespmem:s16+$0x18400] =	vst v48  }
0x23c: {  	v39 =	vor.u32 v0, v9;
	v12 =	vbroadcast v44, $0x0;
	v20 =	vld.idx.msk [tilespmem:v30+s15+$0x0], $0xffff;
	[tilespmem:s6+$0x18470] =	vst v15  }
0x23d: {  	v46 =	vor.u32 v0, v11;
	s12 =	sshll.u32 s7, $0x7;
	v15 =	vld.idx.msk [tilespmem:v50+s15+$0x0], $0xffff;
	[tilespmem:s9+$0x18460] =	vst v21  }
0x23e: {  	s20 =	sshll.u32 s20, $0x7;
	v49 =	vor.u32 v0, v12;
	s6 =	sand.u32 $0x3FFFFF80, s12;
	[tilespmem:s28+$0x18460] =	vst v35;
	v21 =	vld.idx.msk [tilespmem:v33+s15+$0x0], $0xffff  }
0x23f: {  	v54 =	vor.u32 v1, v13;
	s12 =	sand.u32 $0x3FFFFF80, s20;
	[tilespmem:s6+$0x18400] =	vst v16;
	v18 =	vld.idx.msk [tilespmem:v36+s15+$0x0], $0xffff  }
0x240: {  	v56 =	vor.u32 v2, v8;
	[tilespmem:s12+$0x18400] =	vst v22;
	v17 =	vld.idx.msk [tilespmem:v52+s15+$0x0], $0xffff  }
0x241: {  	v58 =	vor.u32 v2, v10;
	v19 =	vld.idx.msk [tilespmem:v39+s15+$0x0], $0xffff;
	[tilespmem:s3+$0x18470] =	vst v20  }
0x242: {  	v51 =	vor.u32 v1, v9;
	v14 =	vld.idx.msk [tilespmem:v46+s15+$0x0], $0xffff;
	[tilespmem:s16+$0x18410] =	vst v15  }
0x243: {  	v53 =	vor.u32 v1, v11;
	v23 =	vld.idx.msk [tilespmem:v49+s15+$0x0], $0xffff;
	[tilespmem:s9+$0x18470] =	vst v21  }
0x244: {  	v55 =	vor.u32 v1, v12;
	v20 =	vld.idx.msk [tilespmem:v54+s15+$0x0], $0xffff;
	[tilespmem:s28+$0x18470] =	vst v18;
	s9 =	sshll.u32 s13, $0x7  }
0x245: {  	v60 =	vor.u32 v2, v13;
	v16 =	vld.idx.msk [tilespmem:v56+s15+$0x0], $0xffff;
	s13 =	sshll.u32 s8, $0x7;
	[tilespmem:s6+$0x18410] =	vst v17;
	s3 =	sand.u32 $0x3FFFFF80, s9  }
0x246: {  	v62 =	vor.u32 v3, v8;
	s28 =	sshll.u32 s22, $0x7;
	s9 =	sand.u32 $0x3FFFFF80, s13;
	v22 =	vld.idx.msk [tilespmem:v58+s15+$0x0], $0xffff;
	[tilespmem:s3+$0x18400] =	vst v19  }
0x247: {  	v24 =	vor.u32 v3, v10;
	s28 =	sand.u32 $0x3FFFFF80, s28;
	[tilespmem:s9+$0x18400] =	vst v14;
	v21 =	vld.idx.msk [tilespmem:v51+s15+$0x0], $0xffff  }
0x248: {  	v57 =	vor.u32 v2, v9;
	[tilespmem:s28+$0x18400] =	vst v23;
	v18 =	vld.idx.msk [tilespmem:v53+s15+$0x0], $0xffff  }
0x249: {  	v59 =	vor.u32 v2, v11;
	[tilespmem:s12+$0x18410] =	vst v20;
	v19 =	vld.idx.msk [tilespmem:v55+s15+$0x0], $0xffff  }
0x24a: {  	v61 =	vor.u32 v2, v12;
	v15 =	vld.idx.msk [tilespmem:v60+s15+$0x0], $0xffff;
	[tilespmem:s16+$0x18420] =	vst v16  }
0x24b: {  	v26 =	vor.u32 v3, v13;
	v17 =	vld.idx.msk [tilespmem:v62+s15+$0x0], $0xffff;
	[tilespmem:s6+$0x18420] =	vst v22  }
0x24c: {  	v28 =	vor.u32 v4, v8;
	v20 =	vld.idx.msk [tilespmem:v24+s15+$0x0], $0xffff;
	[tilespmem:s3+$0x18410] =	vst v21  }
0x24d: {  	v30 =	vor.u32 v4, v10;
	[tilespmem:s9+$0x18410] =	vst v18;
	v14 =	vld.idx.msk [tilespmem:v57+s15+$0x0], $0xffff  }
0x24e: {  	v63 =	vor.u32 v3, v9;
	[tilespmem:s28+$0x18410] =	vst v19;
	v23 =	vld.idx.msk [tilespmem:v59+s15+$0x0], $0xffff  }
0x24f: {  	v25 =	vor.u32 v3, v11;
	[tilespmem:s12+$0x18420] =	vst v15;
	v21 =	vld.idx.msk [tilespmem:v61+s15+$0x0], $0xffff  }
0x250: {  	v27 =	vor.u32 v3, v12;
	v16 =	vld.idx.msk [tilespmem:v26+s15+$0x0], $0xffff;
	[tilespmem:s16+$0x18430] =	vst v17  }
0x251: {  	v32 =	vor.u32 v4, v13;
	v22 =	vld.idx.msk [tilespmem:v28+s15+$0x0], $0xffff;
	[tilespmem:s6+$0x18430] =	vst v20  }
0x252: {  	v34 =	vor.u32 v5, v8;
	v15 =	vld.idx.msk [tilespmem:v30+s15+$0x0], $0xffff;
	[tilespmem:s3+$0x18420] =	vst v14  }
0x253: {  	v36 =	vor.u32 v5, v10;
	[tilespmem:s9+$0x18420] =	vst v23;
	v18 =	vld.idx.msk [tilespmem:v63+s15+$0x0], $0xffff  }
0x254: {  	v29 =	vor.u32 v4, v9;
	[tilespmem:s28+$0x18420] =	vst v21;
	v19 =	vld.idx.msk [tilespmem:v25+s15+$0x0], $0xffff  }
0x255: {  	v31 =	vor.u32 v4, v11;
	[tilespmem:s12+$0x18430] =	vst v16;
	v14 =	vld.idx.msk [tilespmem:v27+s15+$0x0], $0xffff  }
0x256: {  	v33 =	vor.u32 v4, v12;
	v17 =	vld.idx.msk [tilespmem:v32+s15+$0x0], $0xffff;
	[tilespmem:s16+$0x18440] =	vst v22  }
0x257: {  	v38 =	vor.u32 v5, v13;
	v20 =	vld.idx.msk [tilespmem:v34+s15+$0x0], $0xffff;
	[tilespmem:s6+$0x18440] =	vst v15  }
0x258: {  	v40 =	vor.u32 v6, v8;
	v16 =	vld.idx.msk [tilespmem:v36+s15+$0x0], $0xffff;
	[tilespmem:s3+$0x18430] =	vst v18  }
0x259: {  	v42 =	vor.u32 v6, v10;
	[tilespmem:s9+$0x18430] =	vst v19;
	v23 =	vld.idx.msk [tilespmem:v29+s15+$0x0], $0xffff  }
0x25a: {  	v35 =	vor.u32 v5, v9;
	[tilespmem:s28+$0x18430] =	vst v14;
	v21 =	vld.idx.msk [tilespmem:v31+s15+$0x0], $0xffff  }
0x25b: {  	v37 =	vor.u32 v5, v11;
	[tilespmem:s12+$0x18440] =	vst v17;
	v18 =	vld.idx.msk [tilespmem:v33+s15+$0x0], $0xffff  }
0x25c: {  	v22 =	vld.idx.msk [tilespmem:v38+s15+$0x0], $0xffff;
	[tilespmem:s16+$0x18450] =	vst v20  }
0x25d: {  	v39 =	vor.u32 v5, v12;
	v15 =	vld.idx.msk [tilespmem:v40+s15+$0x0], $0xffff;
	[tilespmem:s6+$0x18450] =	vst v16  }
0x25e: {  	v44 =	vor.u32 v6, v13;
	v17 =	vld.idx.msk [tilespmem:v42+s15+$0x0], $0xffff;
	[tilespmem:s3+$0x18440] =	vst v23  }
0x25f: {  	v46 =	vor.u32 v7, v8;
	s20 =	sor.u32 $0x1E, s1;
	[tilespmem:s9+$0x18440] =	vst v21;
	v19 =	vld.idx.msk [tilespmem:v35+s15+$0x0], $0xffff  }
0x260: {  	v41 =	vor.u32 v6, v9;
	v49 =	vor.u32 v7, v10;
	v57 =	vmov s20;
	[tilespmem:s28+$0x18440] =	vst v18;
	v14 =	vld.idx.msk [tilespmem:v37+s15+$0x0], $0xffff  }
0x261: {  	s2 =	sor.u32 $0x1A, s1;
	v45 =	vor.u32 v6, v12;
	v52 =	vor.u32 v7, v12;
	v12 =	vand.u32 $0x7E, v57;
	[tilespmem:s12+$0x18450] =	vst v22  }
0x262: {  	v43 =	vor.u32 v6, v11;
	v8 =	vmov s2;
	v12 =	vbroadcast v12, $0x0;
	v23 =	vld.idx.msk [tilespmem:v39+s15+$0x0], $0xffff;
	[tilespmem:s16+$0x18460] =	vst v15  }
0x263: {  	v8 =	vand.u32 $0x7A, v8;
	v20 =	vld.idx.msk [tilespmem:v44+s15+$0x0], $0xffff;
	[tilespmem:s6+$0x18460] =	vst v17  }
0x264: {  	v8 =	vbroadcast v8, $0x0;
	v63 =	vor.u32 v0, v12;
	v24 =	vld.idx.msk [tilespmem:v46+s15+$0x0], $0xffff;
	[tilespmem:s3+$0x18450] =	vst v19  }
0x265: {  	v13 =	vor.u32 v7, v13;
	s7 =	sor.u32 $0x1C, s1;
	[tilespmem:s9+$0x18450] =	vst v14;
	v14 =	vld.idx.msk [tilespmem:v49+s15+$0x0], $0xffff  }
0x266: {  	v47 =	vor.u32 v7, v9;
	v54 =	vmov s7;
	s8 =	sor.u32 $0x1D, s1;
	v53 =	vor.u32 v0, v8;
	v21 =	vld.idx.msk [tilespmem:v41+s15+$0x0], $0xffff  }
0x267: {  	v50 =	vor.u32 v7, v11;
	v10 =	vand.u32 $0x7C, v54;
	s22 =	sor.u32 $0x1F, s1;
	v56 =	vmov s8;
	[tilespmem:s28+$0x18450] =	vst v23;
	v18 =	vld.idx.msk [tilespmem:v43+s15+$0x0], $0xffff  }
0x268: {  	v10 =	vbroadcast v10, $0x0;
	v58 =	vmov s22;
	v11 =	vand.u32 $0x7D, v56;
	[tilespmem:s12+$0x18460] =	vst v20;
	v51 =	vld.idx.msk [tilespmem:v45+s15+$0x0], $0xffff  }
0x269: {  	s13 =	sor.u32 $0x1B, s1;
	v11 =	vbroadcast v11, $0x0;
	v17 =	vand.u32 $0x7F, v58;
	v19 =	vld.idx.msk [tilespmem:v63+s15+$0x0], $0xffff;
	[tilespmem:s16+$0x18470] =	vst v24  }
0x26a: {  	v48 =	vmov s13;
	v59 =	vor.u32 v0, v10;
	v60 =	vld.idx.msk [tilespmem:v13+s15+$0x0], $0xffff;
	v13 =	vbroadcast v17, $0x0;
	[tilespmem:s6+$0x18470] =	vst v14  }
0x26b: {  	v9 =	vand.u32 $0x7B, v48;
	v61 =	vor.u32 v0, v11;
	v24 =	vld.idx.msk [tilespmem:v53+s15+$0x0], $0xffff;
	[tilespmem:s3+$0x18460] =	vst v21  }
0x26c: {  	v9 =	vbroadcast v9, $0x0;
	s16 =	sshll.u32 s20, $0x7;
	v25 =	vor.u32 v0, v13;
	[tilespmem:s9+$0x18460] =	vst v18;
	v16 =	vld.idx.msk [tilespmem:v47+s15+$0x0], $0xffff  }
0x26d: {  	v26 =	vor.u32 v1, v8;
	s20 =	sand.u32 $0x3FFFFF80, s16;
	[tilespmem:s28+$0x18460] =	vst v51;
	v18 =	vld.idx.msk [tilespmem:v50+s15+$0x0], $0xffff  }
0x26e: {  	s2 =	sshll.u32 s2, $0x7;
	v55 =	vor.u32 v0, v9;
	[tilespmem:s20+$0x18400] =	vst v19;
	v62 =	vld.idx.msk [tilespmem:v52+s15+$0x0], $0xffff  }
0x26f: {  	s1 =	sand.u32 $0x3FFFFF80, s2;
	v20 =	vld.idx.msk [tilespmem:v59+s15+$0x0], $0xffff;
	[tilespmem:s12+$0x18470] =	vst v60  }
0x270: {  	v30 =	vor.u32 v1, v12;
	v15 =	vld.idx.msk [tilespmem:v61+s15+$0x0], $0xffff;
	[tilespmem:s1+$0x18400] =	vst v24  }
0x271: {  	v28 =	vor.u32 v1, v10;
	v23 =	vld.idx.msk [tilespmem:v25+s15+$0x0], $0xffff;
	[tilespmem:s3+$0x18470] =	vst v16  }
0x272: {  	s7 =	sshll.u32 s7, $0x7;
	v29 =	vor.u32 v1, v11;
	v14 =	vld.idx.msk [tilespmem:v26+s15+$0x0], $0xffff;
	[tilespmem:s9+$0x18470] =	vst v18  }
0x273: {  	v31 =	vor.u32 v1, v13;
	v21 =	vld.idx.msk [tilespmem:v55+s15+$0x0], $0xffff;
	s12 =	sshll.u32 s8, $0x7;
	[tilespmem:s28+$0x18470] =	vst v62;
	s9 =	sand.u32 $0x3FFFFF80, s7  }
0x274: {  	s22 =	sshll.u32 s22, $0x7;
	v32 =	vor.u32 v2, v8;
	s3 =	sshll.u32 s13, $0x7;
	s13 =	sand.u32 $0x3FFFFF80, s12;
	[tilespmem:s9+$0x18400] =	vst v20  }
0x275: {  	v27 =	vor.u32 v1, v9;
	s28 =	sand.u32 $0x3FFFFF80, s22;
	v16 =	vld.idx.msk [tilespmem:v30+s15+$0x0], $0xffff;
	[tilespmem:s13+$0x18400] =	vst v15  }
0x276: {  	[tilespmem:s28+$0x18400] =	vst v23;
	v22 =	vld.idx.msk [tilespmem:v28+s15+$0x0], $0xffff  }
0x277: {  	v36 =	vor.u32 v2, v12;
	s6 =	sand.u32 $0x3FFFFF80, s3;
	[tilespmem:s1+$0x18410] =	vst v14;
	v17 =	vld.idx.msk [tilespmem:v29+s15+$0x0], $0xffff  }
0x278: {  	v34 =	vor.u32 v2, v10;
	[tilespmem:s6+$0x18400] =	vst v21;
	v21 =	vld.idx.msk [tilespmem:v31+s15+$0x0], $0xffff  }
0x279: {  	v35 =	vor.u32 v2, v11;
	v20 =	vld.idx.msk [tilespmem:v32+s15+$0x0], $0xffff  }
0x27a: {  	v37 =	vor.u32 v2, v13;
	v18 =	vld.idx.msk [tilespmem:v27+s15+$0x0], $0xffff;
	[tilespmem:s20+$0x18410] =	vst v16  }
0x27b: {  	v38 =	vor.u32 v3, v8;
	[tilespmem:s9+$0x18410] =	vst v22  }
0x27c: {  	v33 =	vor.u32 v2, v9;
	v14 =	vld.idx.msk [tilespmem:v36+s15+$0x0], $0xffff;
	[tilespmem:s13+$0x18410] =	vst v17  }
0x27d: {  	[tilespmem:s28+$0x18410] =	vst v21;
	v19 =	vld.idx.msk [tilespmem:v34+s15+$0x0], $0xffff  }
0x27e: {  	v42 =	vor.u32 v3, v12;
	[tilespmem:s1+$0x18420] =	vst v20;
	v23 =	vld.idx.msk [tilespmem:v35+s15+$0x0], $0xffff  }
0x27f: {  	v40 =	vor.u32 v3, v10;
	[tilespmem:s6+$0x18410] =	vst v18;
	v18 =	vld.idx.msk [tilespmem:v37+s15+$0x0], $0xffff  }
0x280: {  	v41 =	vor.u32 v3, v11;
	v22 =	vld.idx.msk [tilespmem:v38+s15+$0x0], $0xffff  }
0x281: {  	v43 =	vor.u32 v3, v13;
	v15 =	vld.idx.msk [tilespmem:v33+s15+$0x0], $0xffff;
	[tilespmem:s20+$0x18420] =	vst v14  }
0x282: {  	v44 =	vor.u32 v4, v8;
	[tilespmem:s9+$0x18420] =	vst v19  }
0x283: {  	v39 =	vor.u32 v3, v9;
	v20 =	vld.idx.msk [tilespmem:v42+s15+$0x0], $0xffff;
	[tilespmem:s13+$0x18420] =	vst v23  }
0x284: {  	[tilespmem:s28+$0x18420] =	vst v18;
	v16 =	vld.idx.msk [tilespmem:v40+s15+$0x0], $0xffff  }
0x285: {  	v48 =	vor.u32 v4, v12;
	[tilespmem:s1+$0x18430] =	vst v22;
	v21 =	vld.idx.msk [tilespmem:v41+s15+$0x0], $0xffff  }
0x286: {  	v46 =	vor.u32 v4, v10;
	[tilespmem:s6+$0x18420] =	vst v15;
	v15 =	vld.idx.msk [tilespmem:v43+s15+$0x0], $0xffff  }
0x287: {  	v47 =	vor.u32 v4, v11;
	v19 =	vld.idx.msk [tilespmem:v44+s15+$0x0], $0xffff  }
0x288: {  	v49 =	vor.u32 v4, v13;
	v17 =	vld.idx.msk [tilespmem:v39+s15+$0x0], $0xffff;
	[tilespmem:s20+$0x18430] =	vst v20  }
0x289: {  	v50 =	vor.u32 v5, v8;
	[tilespmem:s9+$0x18430] =	vst v16  }
0x28a: {  	v45 =	vor.u32 v4, v9;
	v22 =	vld.idx.msk [tilespmem:v48+s15+$0x0], $0xffff;
	[tilespmem:s13+$0x18430] =	vst v21  }
0x28b: {  	[tilespmem:s28+$0x18430] =	vst v15;
	v14 =	vld.idx.msk [tilespmem:v46+s15+$0x0], $0xffff  }
0x28c: {  	v54 =	vor.u32 v5, v12;
	[tilespmem:s1+$0x18440] =	vst v19;
	v18 =	vld.idx.msk [tilespmem:v47+s15+$0x0], $0xffff  }
0x28d: {  	v52 =	vor.u32 v5, v10;
	[tilespmem:s6+$0x18430] =	vst v17;
	v17 =	vld.idx.msk [tilespmem:v49+s15+$0x0], $0xffff  }
0x28e: {  	v53 =	vor.u32 v5, v11;
	v16 =	vld.idx.msk [tilespmem:v50+s15+$0x0], $0xffff  }
0x28f: {  	v55 =	vor.u32 v5, v13;
	v23 =	vld.idx.msk [tilespmem:v45+s15+$0x0], $0xffff;
	[tilespmem:s20+$0x18440] =	vst v22  }
0x290: {  	v56 =	vor.u32 v6, v8;
	[tilespmem:s9+$0x18440] =	vst v14  }
0x291: {  	v51 =	vor.u32 v5, v9;
	v19 =	vld.idx.msk [tilespmem:v54+s15+$0x0], $0xffff;
	[tilespmem:s13+$0x18440] =	vst v18  }
0x292: {  	v60 =	vor.u32 v6, v12;
	[tilespmem:s28+$0x18440] =	vst v17;
	v20 =	vld.idx.msk [tilespmem:v52+s15+$0x0], $0xffff  }
0x293: {  	v58 =	vor.u32 v6, v10;
	[tilespmem:s1+$0x18450] =	vst v16;
	v15 =	vld.idx.msk [tilespmem:v53+s15+$0x0], $0xffff  }
0x294: {  	v59 =	vor.u32 v6, v11;
	[tilespmem:s6+$0x18440] =	vst v23;
	v23 =	vld.idx.msk [tilespmem:v55+s15+$0x0], $0xffff  }
0x295: {  	v61 =	vor.u32 v6, v13;
	v14 =	vld.idx.msk [tilespmem:v56+s15+$0x0], $0xffff  }
0x296: {  	v8 =	vor.u32 v7, v8;
	v21 =	vld.idx.msk [tilespmem:v51+s15+$0x0], $0xffff;
	[tilespmem:s20+$0x18450] =	vst v19  }
0x297: {  	v57 =	vor.u32 v6, v9;
	v16 =	vld.idx.msk [tilespmem:v60+s15+$0x0], $0xffff;
	[tilespmem:s9+$0x18450] =	vst v20  }
0x298: {  	[tilespmem:s13+$0x18450] =	vst v15;
	v62 =	vld.idx.msk [tilespmem:v58+s15+$0x0], $0xffff  }
0x299: {  	v12 =	vor.u32 v7, v12;
	[tilespmem:s28+$0x18450] =	vst v23;
	v17 =	vld.idx.msk [tilespmem:v59+s15+$0x0], $0xffff  }
0x29a: {  	v10 =	vor.u32 v7, v10;
	[tilespmem:s1+$0x18460] =	vst v14;
	v63 =	vld.idx.msk [tilespmem:v61+s15+$0x0], $0xffff  }
0x29b: {  	v11 =	vor.u32 v7, v11;
	[tilespmem:s6+$0x18450] =	vst v21;
	v8 =	vld.idx.msk [tilespmem:v8+s15+$0x0], $0xffff  }
0x29c: {  	v13 =	vor.u32 v7, v13;
	v18 =	vld.idx.msk [tilespmem:v57+s15+$0x0], $0xffff;
	[tilespmem:s20+$0x18460] =	vst v16  }
0x29d: {  	v9 =	vor.u32 v7, v9;
	[tilespmem:s9+$0x18460] =	vst v62  }
0x29e: {  	v12 =	vld.idx.msk [tilespmem:v12+s15+$0x0], $0xffff;
	[tilespmem:s13+$0x18460] =	vst v17  }
0x29f: {  	[tilespmem:s28+$0x18460] =	vst v63;
	v10 =	vld.idx.msk [tilespmem:v10+s15+$0x0], $0xffff  }
0x2a0: {  	[tilespmem:s1+$0x18470] =	vst v8;
	v11 =	vld.idx.msk [tilespmem:v11+s15+$0x0], $0xffff  }
0x2a1: {  	[tilespmem:s6+$0x18460] =	vst v18;
	v8 =	vld.idx.msk [tilespmem:v13+s15+$0x0], $0xffff  }
0x2a2: {  	p2 =	por p1, p1;
	v9 =	vld.idx.msk [tilespmem:v9+s15+$0x0], $0xffff  }
.Ltmp1:
0x2a3: {  	[tilespmem:s20+$0x18470] =	vst v12;
	(pc) =	sbr.rel @p2 .LBB2_5-.Ltmp1, $4  }
0x2a4: {  	[tilespmem:s9+$0x18470] =	vst v10  }
0x2a5: {  	[tilespmem:s13+$0x18470] =	vst v11  }
0x2a6: {  	[tilespmem:s28+$0x18470] =	vst v8  }
0x2a7: {  	p1 =	por $0x0, $0x0;
	s1 =	simm.s32 $0x20;
	[tilespmem:s6+$0x18470] =	vst v9  }
0x2a8: {  	s1 =	rddreg [dreg:$0x5]  }
0x2a9: {  	s2 =	simm.s32 $0x18400;
	s1 =	sadd.s32 s31, s1  }
0x2aa: {  	[hbm4b:s1+s10] =	stream.strided.scatter [tilespmem:s2], [sflag:$0x6], $0x2000, s11, s10, $0x38;
	[tilespmem:$0x1A400] =	vst v63  }
0x2ab: {  	_ =	swait.ge [sflag:s23], $0x4000  }
0x2ac: {  	s3 =	simm.s32 @!p0 $0xA400;
	[sflag:s23] =	ssyncset.done $0x0  }
0x2ad: {  	s1 =	sadd.s32 @!p0 $0x280, s0;
	s2 =	simm.s32 @!p0 $0x80;
	[sflag:s23] =	ssyncadd.s32 $0xFFFFC000  }
0x2ae: {  	[tilespmem:s3], [sflag:$0x2] =	stream.indirect.gather @!p0 [hbm4b:s5+s2], $0x80, s1, s2, $0xb8;
	[tilespmem:$0x1A400] =	vst v63  }
0x2af: {  	_ =	swait.ge [sflag:s24], $0x2000  }
0x2b0: {  	[sflag:s24] =	ssyncset.done $0x0  }
0x2b1: {  	p1 =	por $0x1, $0x1;
	s1 =	simm.s32 $0x0;
	[sflag:s24] =	ssyncadd.s32 $0xFFFFE000  }
.LBB2_7:
0x2b2: {  	v8 =	vmov s1  }
0x2b3: {  	v8 =	vand.u32 $0x60, v8  }
0x2b4: {  	v8 =	vbroadcast v8, $0x0;
	_ =	sdelay $0x1  }
0x2b5: {  	v9 =	vor.u32 v0, v8;
	_ =	sdelay $0x4  }
0x2b6: {  	v9 =	vld.idx.msk [tilespmem:v9+s17+$0x0], $0xffff  }
0x2b7: {  	v10 =	vor.u32 v1, v8;
	_ =	sdelay $0x1  }
0x2b8: {  	s2 =	sshll.u32 s1, $0x7  }
0x2b9: {  	s3 =	sand.u32 $0x3FFFFF80, s2  }
0x2ba: {  	[tilespmem:s3+$0x16400] =	vst v9  }
0x2bb: {  	v9 =	vld.idx.msk [tilespmem:v10+s17+$0x0], $0xffff  }
0x2bc: {  	v12 =	vor.u32 v2, v8;
	_ =	sdelay $0x3  }
0x2bd: {  	[tilespmem:s3+$0x16410] =	vst v9  }
0x2be: {  	v9 =	vld.idx.msk [tilespmem:v12+s17+$0x0], $0xffff  }
0x2bf: {  	v13 =	vor.u32 v3, v8;
	_ =	sdelay $0x3  }
0x2c0: {  	[tilespmem:s3+$0x16420] =	vst v9  }
0x2c1: {  	v9 =	vld.idx.msk [tilespmem:v13+s17+$0x0], $0xffff  }
0x2c2: {  	v14 =	vor.u32 v4, v8;
	_ =	sdelay $0x3  }
0x2c3: {  	[tilespmem:s3+$0x16430] =	vst v9  }
0x2c4: {  	v9 =	vld.idx.msk [tilespmem:v14+s17+$0x0], $0xffff  }
0x2c5: {  	v15 =	vor.u32 v5, v8;
	_ =	sdelay $0x1  }
0x2c6: {  	s13 =	sor.u32 $0x1, s1  }
0x2c7: {  	v11 =	vmov s13  }
0x2c8: {  	v16 =	vand.u32 $0x61, v11;
	[tilespmem:s3+$0x16440] =	vst v9  }
0x2c9: {  	v11 =	vbroadcast v16, $0x0;
	v10 =	vld.idx.msk [tilespmem:v15+s17+$0x0], $0xffff  }
0x2ca: {  	v17 =	vor.u32 v6, v8  }
0x2cb: {  	v12 =	vor.u32 v0, v11;
	_ =	sdelay $0x2  }
0x2cc: {  	[tilespmem:s3+$0x16450] =	vst v10  }
0x2cd: {  	v13 =	vld.idx.msk [tilespmem:v17+s17+$0x0], $0xffff  }
0x2ce: {  	v9 =	vld.idx.msk [tilespmem:v12+s17+$0x0], $0xffff  }
0x2cf: {  	v18 =	vor.u32 v1, v11;
	_ =	sdelay $0x1  }
0x2d0: {  	s2 =	sshll.u32 s13, $0x7  }
0x2d1: {  	s2 =	sand.u32 $0x3FFFFF80, s2  }
0x2d2: {  	[tilespmem:s2+$0x16400] =	vst v9  }
0x2d3: {  	v9 =	vld.idx.msk [tilespmem:v18+s17+$0x0], $0xffff  }
0x2d4: {  	v19 =	vor.u32 v2, v11;
	_ =	sdelay $0x3  }
0x2d5: {  	[tilespmem:s2+$0x16410] =	vst v9  }
0x2d6: {  	v9 =	vld.idx.msk [tilespmem:v19+s17+$0x0], $0xffff  }
0x2d7: {  	v20 =	vor.u32 v3, v11;
	_ =	sdelay $0x3  }
0x2d8: {  	[tilespmem:s2+$0x16420] =	vst v9  }
0x2d9: {  	v9 =	vld.idx.msk [tilespmem:v20+s17+$0x0], $0xffff  }
0x2da: {  	v21 =	vor.u32 v4, v11;
	_ =	sdelay $0x3  }
0x2db: {  	[tilespmem:s2+$0x16430] =	vst v9  }
0x2dc: {  	s7 =	sor.u32 $0x3, s1;
	s12 =	sor.u32 $0x6, s1;
	v9 =	vld.idx.msk [tilespmem:v21+s17+$0x0], $0xffff  }
0x2dd: {  	s9 =	sor.u32 $0x5, s1;
	v28 =	vmov s12;
	v22 =	vor.u32 v5, v11;
	v14 =	vmov s7  }
0x2de: {  	v14 =	vand.u32 $0x63, v14;
	v15 =	vor.u32 v7, v8;
	v18 =	vmov s9  }
0x2df: {  	s6 =	sor.u32 $0x2, s1;
	v8 =	vbroadcast v14, $0x0;
	v27 =	vand.u32 $0x65, v18;
	v18 =	vand.u32 $0x66, v28  }
0x2e0: {  	v24 =	vmov s6;
	[tilespmem:s3+$0x16460] =	vst v13;
	v13 =	vbroadcast v18, $0x0  }
0x2e1: {  	v17 =	vor.u32 v0, v8;
	[tilespmem:s2+$0x16440] =	vst v9;
	v9 =	vand.u32 $0x62, v24  }
0x2e2: {  	v31 =	vor.u32 v0, v13;
	v10 =	vld.idx.msk [tilespmem:v22+s17+$0x0], $0xffff;
	v9 =	vbroadcast v9, $0x0  }
0x2e3: {  	v23 =	vor.u32 v6, v11  }
0x2e4: {  	v16 =	vor.u32 v0, v9  }
0x2e5: {  	s8 =	sor.u32 $0x4, s1;
	v15 =	vld.idx.msk [tilespmem:v15+s17+$0x0], $0xffff  }
0x2e6: {  	v26 =	vmov s8;
	v17 =	vld.idx.msk [tilespmem:v17+s17+$0x0], $0xffff  }
0x2e7: {  	v18 =	vld.idx.msk [tilespmem:v31+s17+$0x0], $0xffff;
	[tilespmem:s2+$0x16450] =	vst v10;
	v10 =	vand.u32 $0x64, v26  }
0x2e8: {  	v25 =	vor.u32 v7, v11;
	v12 =	vld.idx.msk [tilespmem:v23+s17+$0x0], $0xffff;
	v11 =	vbroadcast v10, $0x0;
	v23 =	vor.u32 v1, v8  }
0x2e9: {  	s20 =	sshll.u32 s7, $0x7;
	v34 =	vor.u32 v1, v13;
	v10 =	vbroadcast v27, $0x0;
	v16 =	vld.idx.msk [tilespmem:v16+s17+$0x0], $0xffff  }
0x2ea: {  	s13 =	sor.u32 $0x7, s1;
	s7 =	sshll.u32 s12, $0x7;
	[tilespmem:s3+$0x16470] =	vst v15;
	s3 =	sand.u32 $0x3FFFFF80, s20;
	v20 =	vor.u32 v0, v11  }
0x2eb: {  	s12 =	sand.u32 $0x3FFFFF80, s7;
	v19 =	vmov s13;
	[tilespmem:s3+$0x16400] =	vst v17;
	v30 =	vor.u32 v0, v10  }
0x2ec: {  	s16 =	sshll.u32 s6, $0x7;
	v29 =	vand.u32 $0x67, v19;
	[tilespmem:s12+$0x16400] =	vst v18;
	v22 =	vor.u32 v1, v9  }
0x2ed: {  	s16 =	sand.u32 $0x3FFFFF80, s16;
	[tilespmem:s2+$0x16460] =	vst v12;
	v12 =	vbroadcast v29, $0x0;
	v23 =	vld.idx.msk [tilespmem:v23+s17+$0x0], $0xffff  }
0x2ee: {  	[tilespmem:s16+$0x16400] =	vst v16;
	v16 =	vld.idx.msk [tilespmem:v34+s17+$0x0], $0xffff  }
0x2ef: {  	v21 =	vor.u32 v0, v12;
	v20 =	vld.idx.msk [tilespmem:v20+s17+$0x0], $0xffff  }
0x2f0: {  	v37 =	vor.u32 v2, v8;
	v19 =	vld.idx.msk [tilespmem:v30+s17+$0x0], $0xffff  }
0x2f1: {  	v40 =	vor.u32 v2, v13;
	v22 =	vld.idx.msk [tilespmem:v22+s17+$0x0], $0xffff  }
0x2f2: {  	s22 =	sshll.u32 s8, $0x7;
	v32 =	vor.u32 v1, v11;
	[tilespmem:s3+$0x16410] =	vst v23  }
0x2f3: {  	s28 =	sshll.u32 s9, $0x7;
	s6 =	sand.u32 $0x3FFFFF80, s22;
	v33 =	vor.u32 v1, v10;
	v14 =	vld.idx.msk [tilespmem:v25+s17+$0x0], $0xffff;
	[tilespmem:s12+$0x16410] =	vst v16  }
0x2f4: {  	s9 =	sand.u32 $0x3FFFFF80, s28;
	v36 =	vor.u32 v2, v9;
	v21 =	vld.idx.msk [tilespmem:v21+s17+$0x0], $0xffff;
	[tilespmem:s6+$0x16400] =	vst v20  }
0x2f5: {  	[tilespmem:s9+$0x16400] =	vst v19;
	v19 =	vld.idx.msk [tilespmem:v37+s17+$0x0], $0xffff  }
0x2f6: {  	[tilespmem:s16+$0x16410] =	vst v22;
	v22 =	vld.idx.msk [tilespmem:v40+s17+$0x0], $0xffff  }
0x2f7: {  	s8 =	sshll.u32 s13, $0x7;
	v35 =	vor.u32 v1, v12;
	v15 =	vld.idx.msk [tilespmem:v32+s17+$0x0], $0xffff  }
0x2f8: {  	v43 =	vor.u32 v3, v8;
	s28 =	sand.u32 $0x3FFFFF80, s8;
	[tilespmem:s2+$0x16470] =	vst v14;
	v14 =	vld.idx.msk [tilespmem:v33+s17+$0x0], $0xffff  }
0x2f9: {  	v46 =	vor.u32 v3, v13;
	v20 =	vld.idx.msk [tilespmem:v36+s17+$0x0], $0xffff;
	[tilespmem:s28+$0x16400] =	vst v21  }
0x2fa: {  	v38 =	vor.u32 v2, v11;
	[tilespmem:s3+$0x16420] =	vst v19  }
0x2fb: {  	v39 =	vor.u32 v2, v10;
	[tilespmem:s12+$0x16420] =	vst v22  }
0x2fc: {  	v42 =	vor.u32 v3, v9;
	v17 =	vld.idx.msk [tilespmem:v35+s17+$0x0], $0xffff;
	[tilespmem:s6+$0x16410] =	vst v15  }
0x2fd: {  	[tilespmem:s9+$0x16410] =	vst v14;
	v14 =	vld.idx.msk [tilespmem:v43+s17+$0x0], $0xffff  }
0x2fe: {  	[tilespmem:s16+$0x16420] =	vst v20;
	v20 =	vld.idx.msk [tilespmem:v46+s17+$0x0], $0xffff  }
0x2ff: {  	v41 =	vor.u32 v2, v12;
	v18 =	vld.idx.msk [tilespmem:v38+s17+$0x0], $0xffff  }
0x300: {  	v49 =	vor.u32 v4, v8;
	v21 =	vld.idx.msk [tilespmem:v39+s17+$0x0], $0xffff  }
0x301: {  	v52 =	vor.u32 v4, v13;
	v15 =	vld.idx.msk [tilespmem:v42+s17+$0x0], $0xffff;
	[tilespmem:s28+$0x16410] =	vst v17  }
0x302: {  	v44 =	vor.u32 v3, v11;
	[tilespmem:s3+$0x16430] =	vst v14  }
0x303: {  	v45 =	vor.u32 v3, v10;
	[tilespmem:s12+$0x16430] =	vst v20  }
0x304: {  	v48 =	vor.u32 v4, v9;
	v23 =	vld.idx.msk [tilespmem:v41+s17+$0x0], $0xffff;
	[tilespmem:s6+$0x16420] =	vst v18  }
0x305: {  	[tilespmem:s9+$0x16420] =	vst v21;
	v21 =	vld.idx.msk [tilespmem:v49+s17+$0x0], $0xffff  }
0x306: {  	[tilespmem:s16+$0x16430] =	vst v15;
	v15 =	vld.idx.msk [tilespmem:v52+s17+$0x0], $0xffff  }
0x307: {  	v47 =	vor.u32 v3, v12;
	v16 =	vld.idx.msk [tilespmem:v44+s17+$0x0], $0xffff  }
0x308: {  	v55 =	vor.u32 v5, v8;
	v17 =	vld.idx.msk [tilespmem:v45+s17+$0x0], $0xffff  }
0x309: {  	v58 =	vor.u32 v5, v13;
	v18 =	vld.idx.msk [tilespmem:v48+s17+$0x0], $0xffff;
	[tilespmem:s28+$0x16420] =	vst v23  }
0x30a: {  	v50 =	vor.u32 v4, v11;
	[tilespmem:s3+$0x16440] =	vst v21  }
0x30b: {  	v51 =	vor.u32 v4, v10;
	[tilespmem:s12+$0x16440] =	vst v15  }
0x30c: {  	v54 =	vor.u32 v5, v9;
	v19 =	vld.idx.msk [tilespmem:v47+s17+$0x0], $0xffff;
	[tilespmem:s6+$0x16430] =	vst v16  }
0x30d: {  	[tilespmem:s9+$0x16430] =	vst v17;
	v17 =	vld.idx.msk [tilespmem:v55+s17+$0x0], $0xffff  }
0x30e: {  	[tilespmem:s16+$0x16440] =	vst v18;
	v18 =	vld.idx.msk [tilespmem:v58+s17+$0x0], $0xffff  }
0x30f: {  	v53 =	vor.u32 v4, v12;
	v22 =	vld.idx.msk [tilespmem:v50+s17+$0x0], $0xffff  }
0x310: {  	v61 =	vor.u32 v6, v8;
	v23 =	vld.idx.msk [tilespmem:v51+s17+$0x0], $0xffff  }
0x311: {  	v28 =	vor.u32 v6, v13;
	v16 =	vld.idx.msk [tilespmem:v54+s17+$0x0], $0xffff;
	[tilespmem:s28+$0x16430] =	vst v19  }
0x312: {  	v56 =	vor.u32 v5, v11;
	[tilespmem:s3+$0x16450] =	vst v17  }
0x313: {  	[tilespmem:s12+$0x16450] =	vst v18  }
0x314: {  	v57 =	vor.u32 v5, v10;
	v14 =	vld.idx.msk [tilespmem:v53+s17+$0x0], $0xffff;
	[tilespmem:s6+$0x16440] =	vst v22  }
0x315: {  	v60 =	vor.u32 v6, v9;
	[tilespmem:s9+$0x16440] =	vst v23;
	v23 =	vld.idx.msk [tilespmem:v61+s17+$0x0], $0xffff  }
0x316: {  	v59 =	vor.u32 v5, v12;
	[tilespmem:s16+$0x16450] =	vst v16;
	v16 =	vld.idx.msk [tilespmem:v28+s17+$0x0], $0xffff  }
0x317: {  	v31 =	vor.u32 v7, v8;
	s2 =	sor.u32 $0x8, s1;
	v20 =	vld.idx.msk [tilespmem:v56+s17+$0x0], $0xffff  }
0x318: {  	s20 =	sor.u32 $0xC, s1;
	v34 =	vor.u32 v7, v13;
	v30 =	vmov s2  }
0x319: {  	v62 =	vor.u32 v6, v11;
	v40 =	vmov s20;
	v8 =	vand.u32 $0x68, v30;
	v19 =	vld.idx.msk [tilespmem:v57+s17+$0x0], $0xffff;
	[tilespmem:s28+$0x16440] =	vst v14  }
0x31a: {  	s13 =	sor.u32 $0x9, s1;
	v63 =	vor.u32 v6, v10;
	v8 =	vbroadcast v8, $0x0;
	v41 =	vand.u32 $0x6C, v40;
	v22 =	vld.idx.msk [tilespmem:v60+s17+$0x0], $0xffff;
	[tilespmem:s3+$0x16460] =	vst v23  }
0x31b: {  	v24 =	vor.u32 v7, v9;
	v32 =	vmov s13;
	v13 =	vbroadcast v41, $0x0;
	[tilespmem:s12+$0x16460] =	vst v16;
	v21 =	vld.idx.msk [tilespmem:v59+s17+$0x0], $0xffff  }
0x31c: {  	v9 =	vand.u32 $0x69, v32;
	v36 =	vor.u32 v0, v8;
	[tilespmem:s6+$0x16450] =	vst v20;
	v20 =	vld.idx.msk [tilespmem:v31+s17+$0x0], $0xffff  }
0x31d: {  	s7 =	sor.u32 $0xA, s1;
	v9 =	vbroadcast v9, $0x0;
	v48 =	vor.u32 v0, v13;
	v45 =	vld.idx.msk [tilespmem:v34+s17+$0x0], $0xffff  }
0x31e: {  	v29 =	vor.u32 v6, v12;
	v37 =	vmov s7;
	[tilespmem:s9+$0x16450] =	vst v19;
	v15 =	vld.idx.msk [tilespmem:v62+s17+$0x0], $0xffff  }
0x31f: {  	v33 =	vor.u32 v7, v10;
	v10 =	vand.u32 $0x6A, v37;
	v38 =	vor.u32 v0, v9;
	[tilespmem:s16+$0x16460] =	vst v22;
	v14 =	vld.idx.msk [tilespmem:v63+s17+$0x0], $0xffff  }
0x320: {  	v11 =	vor.u32 v7, v11;
	v10 =	vbroadcast v10, $0x0;
	v24 =	vld.idx.msk [tilespmem:v24+s17+$0x0], $0xffff;
	[tilespmem:s28+$0x16450] =	vst v21  }
0x321: {  	v49 =	vld.idx.msk [tilespmem:v36+s17+$0x0], $0xffff;
	[tilespmem:s3+$0x16470] =	vst v20  }
0x322: {  	s8 =	sor.u32 $0xB, s1;
	v43 =	vor.u32 v0, v10;
	[tilespmem:s12+$0x16470] =	vst v45;
	v21 =	vld.idx.msk [tilespmem:v48+s17+$0x0], $0xffff  }
0x323: {  	s22 =	sor.u32 $0xD, s1;
	v39 =	vmov s8;
	v55 =	vor.u32 v1, v13;
	v17 =	vld.idx.msk [tilespmem:v29+s17+$0x0], $0xffff;
	[tilespmem:s6+$0x16460] =	vst v15  }
0x324: {  	s2 =	sshll.u32 s2, $0x7;
	v35 =	vor.u32 v7, v12;
	v42 =	vmov s22;
	v12 =	vand.u32 $0x6B, v39;
	v23 =	vld.idx.msk [tilespmem:v38+s17+$0x0], $0xffff;
	s12 =	sshll.u32 s13, $0x7;
	[tilespmem:s9+$0x16460] =	vst v14  }
0x325: {  	v44 =	vand.u32 $0x6D, v42;
	v51 =	vor.u32 v1, v8;
	s13 =	sshll.u32 s7, $0x7;
	s7 =	sshll.u32 s20, $0x7;
	[tilespmem:s16+$0x16470] =	vst v24;
	s16 =	sand.u32 $0x3FFFFF80, s2;
	v15 =	vld.idx.msk [tilespmem:v11+s17+$0x0], $0xffff;
	v11 =	vbroadcast v12, $0x0  }
0x326: {  	v52 =	vor.u32 v1, v9;
	s3 =	sand.u32 $0x3FFFFF80, s12;
	s12 =	sand.u32 $0x3FFFFF80, s7;
	v18 =	vld.idx.msk [tilespmem:v33+s17+$0x0], $0xffff;
	v12 =	vbroadcast v44, $0x0;
	[tilespmem:s16+$0x16400] =	vst v49  }
0x327: {  	v16 =	vld.idx.msk [tilespmem:v43+s17+$0x0], $0xffff;
	v46 =	vor.u32 v0, v11;
	[tilespmem:s12+$0x16400] =	vst v21  }
0x328: {  	v50 =	vor.u32 v0, v12;
	[tilespmem:s28+$0x16460] =	vst v17;
	v20 =	vld.idx.msk [tilespmem:v55+s17+$0x0], $0xffff  }
0x329: {  	v53 =	vor.u32 v1, v10;
	[tilespmem:s3+$0x16400] =	vst v23;
	v47 =	vld.idx.msk [tilespmem:v35+s17+$0x0], $0xffff  }
0x32a: {  	v61 =	vor.u32 v2, v13;
	[tilespmem:s6+$0x16470] =	vst v15;
	v15 =	vld.idx.msk [tilespmem:v51+s17+$0x0], $0xffff  }
0x32b: {  	v57 =	vor.u32 v2, v8;
	[tilespmem:s9+$0x16470] =	vst v18;
	s6 =	sand.u32 $0x3FFFFF80, s13;
	v18 =	vld.idx.msk [tilespmem:v52+s17+$0x0], $0xffff  }
0x32c: {  	v58 =	vor.u32 v2, v9;
	[tilespmem:s6+$0x16400] =	vst v16;
	v17 =	vld.idx.msk [tilespmem:v46+s17+$0x0], $0xffff  }
0x32d: {  	v54 =	vor.u32 v1, v11;
	v22 =	vld.idx.msk [tilespmem:v50+s17+$0x0], $0xffff;
	[tilespmem:s12+$0x16410] =	vst v20  }
0x32e: {  	v56 =	vor.u32 v1, v12;
	v14 =	vld.idx.msk [tilespmem:v53+s17+$0x0], $0xffff;
	[tilespmem:s28+$0x16470] =	vst v47  }
0x32f: {  	v59 =	vor.u32 v2, v10;
	s28 =	sshll.u32 s8, $0x7;
	[tilespmem:s16+$0x16410] =	vst v15;
	v15 =	vld.idx.msk [tilespmem:v61+s17+$0x0], $0xffff  }
0x330: {  	v27 =	vor.u32 v3, v13;
	s8 =	sshll.u32 s22, $0x7;
	[tilespmem:s3+$0x16410] =	vst v18;
	s9 =	sand.u32 $0x3FFFFF80, s28;
	v16 =	vld.idx.msk [tilespmem:v57+s17+$0x0], $0xffff  }
0x331: {  	v63 =	vor.u32 v3, v8;
	s28 =	sand.u32 $0x3FFFFF80, s8;
	[tilespmem:s9+$0x16400] =	vst v17;
	v17 =	vld.idx.msk [tilespmem:v58+s17+$0x0], $0xffff  }
0x332: {  	v24 =	vor.u32 v3, v9;
	[tilespmem:s28+$0x16400] =	vst v22;
	v19 =	vld.idx.msk [tilespmem:v54+s17+$0x0], $0xffff  }
0x333: {  	v60 =	vor.u32 v2, v11;
	[tilespmem:s6+$0x16410] =	vst v14;
	v23 =	vld.idx.msk [tilespmem:v56+s17+$0x0], $0xffff  }
0x334: {  	v62 =	vor.u32 v2, v12;
	v21 =	vld.idx.msk [tilespmem:v59+s17+$0x0], $0xffff;
	[tilespmem:s12+$0x16420] =	vst v15  }
0x335: {  	v25 =	vor.u32 v3, v10;
	[tilespmem:s16+$0x16420] =	vst v16;
	v16 =	vld.idx.msk [tilespmem:v27+s17+$0x0], $0xffff  }
0x336: {  	v33 =	vor.u32 v4, v13;
	v14 =	vld.idx.msk [tilespmem:v63+s17+$0x0], $0xffff;
	[tilespmem:s3+$0x16420] =	vst v17  }
0x337: {  	v29 =	vor.u32 v4, v8;
	[tilespmem:s9+$0x16410] =	vst v19;
	v19 =	vld.idx.msk [tilespmem:v24+s17+$0x0], $0xffff  }
0x338: {  	v30 =	vor.u32 v4, v9;
	[tilespmem:s28+$0x16410] =	vst v23;
	v22 =	vld.idx.msk [tilespmem:v60+s17+$0x0], $0xffff  }
0x339: {  	v26 =	vor.u32 v3, v11;
	[tilespmem:s6+$0x16420] =	vst v21;
	v18 =	vld.idx.msk [tilespmem:v62+s17+$0x0], $0xffff  }
0x33a: {  	v28 =	vor.u32 v3, v12;
	v20 =	vld.idx.msk [tilespmem:v25+s17+$0x0], $0xffff;
	[tilespmem:s12+$0x16430] =	vst v16  }
0x33b: {  	v31 =	vor.u32 v4, v10;
	[tilespmem:s16+$0x16430] =	vst v14;
	v14 =	vld.idx.msk [tilespmem:v33+s17+$0x0], $0xffff  }
0x33c: {  	v39 =	vor.u32 v5, v13;
	v21 =	vld.idx.msk [tilespmem:v29+s17+$0x0], $0xffff;
	[tilespmem:s3+$0x16430] =	vst v19  }
0x33d: {  	v35 =	vor.u32 v5, v8;
	[tilespmem:s9+$0x16420] =	vst v22;
	v22 =	vld.idx.msk [tilespmem:v30+s17+$0x0], $0xffff  }
0x33e: {  	v36 =	vor.u32 v5, v9;
	[tilespmem:s28+$0x16420] =	vst v18;
	v23 =	vld.idx.msk [tilespmem:v26+s17+$0x0], $0xffff  }
0x33f: {  	v32 =	vor.u32 v4, v11;
	[tilespmem:s6+$0x16430] =	vst v20;
	v17 =	vld.idx.msk [tilespmem:v28+s17+$0x0], $0xffff  }
0x340: {  	v34 =	vor.u32 v4, v12;
	v15 =	vld.idx.msk [tilespmem:v31+s17+$0x0], $0xffff;
	[tilespmem:s12+$0x16440] =	vst v14  }
0x341: {  	v37 =	vor.u32 v5, v10;
	[tilespmem:s16+$0x16440] =	vst v21;
	v21 =	vld.idx.msk [tilespmem:v39+s17+$0x0], $0xffff  }
0x342: {  	v45 =	vor.u32 v6, v13;
	v20 =	vld.idx.msk [tilespmem:v35+s17+$0x0], $0xffff;
	[tilespmem:s3+$0x16440] =	vst v22  }
0x343: {  	v41 =	vor.u32 v6, v8;
	[tilespmem:s9+$0x16430] =	vst v23;
	v23 =	vld.idx.msk [tilespmem:v36+s17+$0x0], $0xffff  }
0x344: {  	v42 =	vor.u32 v6, v9;
	[tilespmem:s28+$0x16430] =	vst v17;
	v18 =	vld.idx.msk [tilespmem:v32+s17+$0x0], $0xffff  }
0x345: {  	v38 =	vor.u32 v5, v11;
	[tilespmem:s6+$0x16440] =	vst v15;
	v19 =	vld.idx.msk [tilespmem:v34+s17+$0x0], $0xffff  }
0x346: {  	s2 =	sor.u32 $0xE, s1;
	v40 =	vor.u32 v5, v12;
	v16 =	vld.idx.msk [tilespmem:v37+s17+$0x0], $0xffff;
	[tilespmem:s12+$0x16450] =	vst v21  }
0x347: {  	v43 =	vor.u32 v6, v10;
	v47 =	vor.u32 v7, v8;
	v8 =	vmov s2;
	[tilespmem:s16+$0x16450] =	vst v20;
	v20 =	vld.idx.msk [tilespmem:v45+s17+$0x0], $0xffff  }
0x348: {  	v8 =	vand.u32 $0x6E, v8;
	v25 =	vor.u32 v7, v13;
	v15 =	vld.idx.msk [tilespmem:v41+s17+$0x0], $0xffff;
	[tilespmem:s3+$0x16450] =	vst v23  }
0x349: {  	s7 =	sor.u32 $0x10, s1;
	v8 =	vbroadcast v8, $0x0;
	[tilespmem:s9+$0x16440] =	vst v18;
	v18 =	vld.idx.msk [tilespmem:v42+s17+$0x0], $0xffff  }
0x34a: {  	v48 =	vor.u32 v7, v9;
	s20 =	sor.u32 $0x12, s1;
	v44 =	vor.u32 v6, v11;
	v55 =	vmov s7;
	s13 =	sor.u32 $0xF, s1;
	[tilespmem:s28+$0x16440] =	vst v19;
	v17 =	vld.idx.msk [tilespmem:v38+s17+$0x0], $0xffff  }
0x34b: {  	v49 =	vmov s13;
	v58 =	vmov s20;
	v54 =	vor.u32 v0, v8;
	[tilespmem:s6+$0x16450] =	vst v16;
	v22 =	vld.idx.msk [tilespmem:v40+s17+$0x0], $0xffff  }
0x34c: {  	v46 =	vor.u32 v6, v12;
	v53 =	vor.u32 v7, v12;
	v12 =	vand.u32 $0x72, v58;
	v14 =	vld.idx.msk [tilespmem:v43+s17+$0x0], $0xffff;
	[tilespmem:s12+$0x16460] =	vst v20  }
0x34d: {  	v50 =	vor.u32 v7, v10;
	v10 =	vand.u32 $0x70, v55;
	v13 =	vbroadcast v12, $0x0;
	[tilespmem:s16+$0x16460] =	vst v15;
	v62 =	vld.idx.msk [tilespmem:v25+s17+$0x0], $0xffff  }
0x34e: {  	v9 =	vand.u32 $0x6F, v49;
	v10 =	vbroadcast v10, $0x0;
	v24 =	vld.idx.msk [tilespmem:v47+s17+$0x0], $0xffff;
	[tilespmem:s3+$0x16460] =	vst v18  }
0x34f: {  	v9 =	vbroadcast v9, $0x0;
	v26 =	vor.u32 v0, v13;
	[tilespmem:s9+$0x16450] =	vst v17;
	v16 =	vld.idx.msk [tilespmem:v48+s17+$0x0], $0xffff  }
0x350: {  	v60 =	vor.u32 v0, v10;
	v27 =	vld.idx.msk [tilespmem:v54+s17+$0x0], $0xffff;
	[tilespmem:s28+$0x16450] =	vst v22  }
0x351: {  	v56 =	vor.u32 v0, v9;
	[tilespmem:s6+$0x16460] =	vst v14;
	v19 =	vld.idx.msk [tilespmem:v44+s17+$0x0], $0xffff  }
0x352: {  	s8 =	sor.u32 $0x11, s1;
	v29 =	vor.u32 v1, v8;
	v14 =	vld.idx.msk [tilespmem:v50+s17+$0x0], $0xffff;
	[tilespmem:s12+$0x16470] =	vst v62  }
0x353: {  	v51 =	vor.u32 v7, v11;
	s22 =	sor.u32 $0x13, s1;
	s2 =	sshll.u32 s2, $0x7;
	v57 =	vmov s8;
	v52 =	vld.idx.msk [tilespmem:v46+s17+$0x0], $0xffff;
	[tilespmem:s16+$0x16470] =	vst v24  }
0x354: {  	v11 =	vand.u32 $0x71, v57;
	v59 =	vmov s22;
	v22 =	vld.idx.msk [tilespmem:v26+s17+$0x0], $0xffff;
	s16 =	sand.u32 $0x3FFFFF80, s2;
	[tilespmem:s3+$0x16470] =	vst v16  }
0x355: {  	v11 =	vbroadcast v11, $0x0;
	v61 =	vand.u32 $0x73, v59;
	v33 =	vor.u32 v1, v13;
	v20 =	vld.idx.msk [tilespmem:v60+s17+$0x0], $0xffff;
	[tilespmem:s16+$0x16400] =	vst v27  }
0x356: {  	v12 =	vbroadcast v61, $0x0;
	v31 =	vor.u32 v1, v10;
	v18 =	vld.idx.msk [tilespmem:v56+s17+$0x0], $0xffff;
	[tilespmem:s9+$0x16460] =	vst v19  }
0x357: {  	v63 =	vor.u32 v0, v11;
	s12 =	sshll.u32 s13, $0x7;
	s13 =	sshll.u32 s7, $0x7;
	s7 =	sshll.u32 s20, $0x7;
	[tilespmem:s6+$0x16470] =	vst v14;
	v14 =	vld.idx.msk [tilespmem:v29+s17+$0x0], $0xffff  }
0x358: {  	v28 =	vor.u32 v0, v12;
	s3 =	sand.u32 $0x3FFFFF80, s12;
	s12 =	sand.u32 $0x3FFFFF80, s7;
	[tilespmem:s28+$0x16460] =	vst v52;
	v19 =	vld.idx.msk [tilespmem:v51+s17+$0x0], $0xffff  }
0x359: {  	v30 =	vor.u32 v1, v9;
	s6 =	sand.u32 $0x3FFFFF80, s13;
	[tilespmem:s12+$0x16400] =	vst v22;
	v25 =	vld.idx.msk [tilespmem:v53+s17+$0x0], $0xffff  }
0x35a: {  	v35 =	vor.u32 v2, v8;
	[tilespmem:s6+$0x16400] =	vst v20;
	v16 =	vld.idx.msk [tilespmem:v33+s17+$0x0], $0xffff  }
0x35b: {  	v39 =	vor.u32 v2, v13;
	[tilespmem:s3+$0x16400] =	vst v18;
	v17 =	vld.idx.msk [tilespmem:v31+s17+$0x0], $0xffff  }
0x35c: {  	v37 =	vor.u32 v2, v10;
	v15 =	vld.idx.msk [tilespmem:v63+s17+$0x0], $0xffff;
	[tilespmem:s16+$0x16410] =	vst v14  }
0x35d: {  	v32 =	vor.u32 v1, v11;
	v23 =	vld.idx.msk [tilespmem:v28+s17+$0x0], $0xffff;
	[tilespmem:s9+$0x16470] =	vst v19  }
0x35e: {  	v34 =	vor.u32 v1, v12;
	[tilespmem:s28+$0x16470] =	vst v25;
	v19 =	vld.idx.msk [tilespmem:v30+s17+$0x0], $0xffff  }
0x35f: {  	v36 =	vor.u32 v2, v9;
	s28 =	sshll.u32 s8, $0x7;
	v20 =	vld.idx.msk [tilespmem:v35+s17+$0x0], $0xffff;
	[tilespmem:s12+$0x16410] =	vst v16  }
0x360: {  	v41 =	vor.u32 v3, v8;
	s8 =	sshll.u32 s22, $0x7;
	s9 =	sand.u32 $0x3FFFFF80, s28;
	[tilespmem:s6+$0x16410] =	vst v17;
	v14 =	vld.idx.msk [tilespmem:v39+s17+$0x0], $0xffff  }
0x361: {  	v45 =	vor.u32 v3, v13;
	s28 =	sand.u32 $0x3FFFFF80, s8;
	[tilespmem:s9+$0x16400] =	vst v15;
	v22 =	vld.idx.msk [tilespmem:v37+s17+$0x0], $0xffff  }
0x362: {  	v43 =	vor.u32 v3, v10;
	[tilespmem:s28+$0x16400] =	vst v23;
	v21 =	vld.idx.msk [tilespmem:v32+s17+$0x0], $0xffff  }
0x363: {  	v38 =	vor.u32 v2, v11;
	v18 =	vld.idx.msk [tilespmem:v34+s17+$0x0], $0xffff;
	[tilespmem:s3+$0x16410] =	vst v19  }
0x364: {  	v40 =	vor.u32 v2, v12;
	[tilespmem:s16+$0x16420] =	vst v20;
	v15 =	vld.idx.msk [tilespmem:v36+s17+$0x0], $0xffff  }
0x365: {  	v42 =	vor.u32 v3, v9;
	v17 =	vld.idx.msk [tilespmem:v41+s17+$0x0], $0xffff;
	[tilespmem:s12+$0x16420] =	vst v14  }
0x366: {  	v47 =	vor.u32 v4, v8;
	[tilespmem:s6+$0x16420] =	vst v22;
	v20 =	vld.idx.msk [tilespmem:v45+s17+$0x0], $0xffff  }
0x367: {  	v51 =	vor.u32 v4, v13;
	[tilespmem:s9+$0x16410] =	vst v21;
	v16 =	vld.idx.msk [tilespmem:v43+s17+$0x0], $0xffff  }
0x368: {  	v49 =	vor.u32 v4, v10;
	[tilespmem:s28+$0x16410] =	vst v18;
	v23 =	vld.idx.msk [tilespmem:v38+s17+$0x0], $0xffff  }
0x369: {  	v44 =	vor.u32 v3, v11;
	v19 =	vld.idx.msk [tilespmem:v40+s17+$0x0], $0xffff;
	[tilespmem:s3+$0x16420] =	vst v15  }
0x36a: {  	v46 =	vor.u32 v3, v12;
	[tilespmem:s16+$0x16430] =	vst v17;
	v21 =	vld.idx.msk [tilespmem:v42+s17+$0x0], $0xffff  }
0x36b: {  	v48 =	vor.u32 v4, v9;
	v22 =	vld.idx.msk [tilespmem:v47+s17+$0x0], $0xffff;
	[tilespmem:s12+$0x16430] =	vst v20  }
0x36c: {  	v53 =	vor.u32 v5, v8;
	[tilespmem:s6+$0x16430] =	vst v16;
	v17 =	vld.idx.msk [tilespmem:v51+s17+$0x0], $0xffff  }
0x36d: {  	v57 =	vor.u32 v5, v13;
	[tilespmem:s9+$0x16420] =	vst v23;
	v14 =	vld.idx.msk [tilespmem:v49+s17+$0x0], $0xffff  }
0x36e: {  	v55 =	vor.u32 v5, v10;
	[tilespmem:s28+$0x16420] =	vst v19;
	v18 =	vld.idx.msk [tilespmem:v44+s17+$0x0], $0xffff  }
0x36f: {  	v50 =	vor.u32 v4, v11;
	v15 =	vld.idx.msk [tilespmem:v46+s17+$0x0], $0xffff;
	[tilespmem:s3+$0x16430] =	vst v21  }
0x370: {  	v52 =	vor.u32 v4, v12;
	[tilespmem:s16+$0x16440] =	vst v22;
	v23 =	vld.idx.msk [tilespmem:v48+s17+$0x0], $0xffff  }
0x371: {  	v54 =	vor.u32 v5, v9;
	v16 =	vld.idx.msk [tilespmem:v53+s17+$0x0], $0xffff;
	[tilespmem:s12+$0x16440] =	vst v17  }
0x372: {  	v59 =	vor.u32 v6, v8;
	[tilespmem:s6+$0x16440] =	vst v14;
	v22 =	vld.idx.msk [tilespmem:v57+s17+$0x0], $0xffff  }
0x373: {  	v63 =	vor.u32 v6, v13;
	[tilespmem:s9+$0x16430] =	vst v18;
	v20 =	vld.idx.msk [tilespmem:v55+s17+$0x0], $0xffff  }
0x374: {  	v61 =	vor.u32 v6, v10;
	[tilespmem:s28+$0x16430] =	vst v15;
	v19 =	vld.idx.msk [tilespmem:v50+s17+$0x0], $0xffff  }
0x375: {  	v56 =	vor.u32 v5, v11;
	s2 =	sor.u32 $0x14, s1;
	v21 =	vld.idx.msk [tilespmem:v52+s17+$0x0], $0xffff;
	[tilespmem:s3+$0x16440] =	vst v23  }
0x376: {  	v58 =	vor.u32 v5, v12;
	v29 =	vor.u32 v7, v8;
	v8 =	vmov s2;
	[tilespmem:s16+$0x16450] =	vst v16;
	v18 =	vld.idx.msk [tilespmem:v54+s17+$0x0], $0xffff  }
0x377: {  	v60 =	vor.u32 v6, v9;
	v8 =	vand.u32 $0x74, v8;
	v14 =	vld.idx.msk [tilespmem:v59+s17+$0x0], $0xffff;
	[tilespmem:s12+$0x16450] =	vst v22  }
0x378: {  	v8 =	vbroadcast v8, $0x0;
	[tilespmem:s6+$0x16450] =	vst v20;
	v16 =	vld.idx.msk [tilespmem:v63+s17+$0x0], $0xffff  }
0x379: {  	v28 =	vor.u32 v6, v12;
	s7 =	sor.u32 $0x16, s1;
	v34 =	vor.u32 v7, v13;
	[tilespmem:s9+$0x16440] =	vst v19;
	v17 =	vld.idx.msk [tilespmem:v61+s17+$0x0], $0xffff  }
0x37a: {  	v62 =	vor.u32 v6, v11;
	s20 =	sor.u32 $0x18, s1;
	v37 =	vor.u32 v0, v8;
	v38 =	vmov s7;
	[tilespmem:s28+$0x16440] =	vst v21;
	v15 =	vld.idx.msk [tilespmem:v56+s17+$0x0], $0xffff  }
0x37b: {  	v32 =	vor.u32 v7, v10;
	v41 =	vmov s20;
	v10 =	vand.u32 $0x76, v38;
	v23 =	vld.idx.msk [tilespmem:v58+s17+$0x0], $0xffff;
	[tilespmem:s3+$0x16450] =	vst v18  }
0x37c: {  	v36 =	vor.u32 v7, v12;
	v12 =	vand.u32 $0x78, v41;
	v10 =	vbroadcast v10, $0x0;
	[tilespmem:s16+$0x16460] =	vst v14;
	v19 =	vld.idx.msk [tilespmem:v60+s17+$0x0], $0xffff  }
0x37d: {  	v13 =	vbroadcast v12, $0x0;
	v24 =	vld.idx.msk [tilespmem:v29+s17+$0x0], $0xffff;
	[tilespmem:s12+$0x16460] =	vst v16  }
0x37e: {  	v43 =	vor.u32 v0, v10;
	[tilespmem:s6+$0x16460] =	vst v17;
	v45 =	vld.idx.msk [tilespmem:v34+s17+$0x0], $0xffff  }
0x37f: {  	v47 =	vor.u32 v0, v13;
	v48 =	vld.idx.msk [tilespmem:v37+s17+$0x0], $0xffff;
	[tilespmem:s9+$0x16450] =	vst v15  }
0x380: {  	s13 =	sor.u32 $0x15, s1;
	v30 =	vor.u32 v7, v9;
	[tilespmem:s28+$0x16450] =	vst v23;
	v15 =	vld.idx.msk [tilespmem:v32+s17+$0x0], $0xffff  }
0x381: {  	v31 =	vmov s13;
	s8 =	sor.u32 $0x17, s1;
	v50 =	vor.u32 v1, v8;
	v21 =	vld.idx.msk [tilespmem:v62+s17+$0x0], $0xffff;
	[tilespmem:s3+$0x16460] =	vst v19  }
0x382: {  	v33 =	vor.u32 v7, v11;
	s2 =	sshll.u32 s2, $0x7;
	v9 =	vand.u32 $0x75, v31;
	s22 =	sor.u32 $0x19, s1;
	v40 =	vmov s8;
	v35 =	vld.idx.msk [tilespmem:v28+s17+$0x0], $0xffff;
	[tilespmem:s16+$0x16470] =	vst v24  }
0x383: {  	v9 =	vbroadcast v9, $0x0;
	v11 =	vand.u32 $0x77, v40;
	v42 =	vmov s22;
	v16 =	vld.idx.msk [tilespmem:v43+s17+$0x0], $0xffff;
	s16 =	sand.u32 $0x3FFFFF80, s2;
	[tilespmem:s12+$0x16470] =	vst v45  }
0x384: {  	v11 =	vbroadcast v11, $0x0;
	v44 =	vand.u32 $0x79, v42;
	v52 =	vor.u32 v1, v10;
	v22 =	vld.idx.msk [tilespmem:v47+s17+$0x0], $0xffff;
	[tilespmem:s16+$0x16400] =	vst v48  }
0x385: {  	v39 =	vor.u32 v0, v9;
	v12 =	vbroadcast v44, $0x0;
	v20 =	vld.idx.msk [tilespmem:v30+s17+$0x0], $0xffff;
	[tilespmem:s6+$0x16470] =	vst v15  }
0x386: {  	v46 =	vor.u32 v0, v11;
	s12 =	sshll.u32 s7, $0x7;
	v15 =	vld.idx.msk [tilespmem:v50+s17+$0x0], $0xffff;
	[tilespmem:s9+$0x16460] =	vst v21  }
0x387: {  	s20 =	sshll.u32 s20, $0x7;
	v49 =	vor.u32 v0, v12;
	s6 =	sand.u32 $0x3FFFFF80, s12;
	[tilespmem:s28+$0x16460] =	vst v35;
	v21 =	vld.idx.msk [tilespmem:v33+s17+$0x0], $0xffff  }
0x388: {  	v54 =	vor.u32 v1, v13;
	s12 =	sand.u32 $0x3FFFFF80, s20;
	[tilespmem:s6+$0x16400] =	vst v16;
	v18 =	vld.idx.msk [tilespmem:v36+s17+$0x0], $0xffff  }
0x389: {  	v56 =	vor.u32 v2, v8;
	[tilespmem:s12+$0x16400] =	vst v22;
	v17 =	vld.idx.msk [tilespmem:v52+s17+$0x0], $0xffff  }
0x38a: {  	v58 =	vor.u32 v2, v10;
	v19 =	vld.idx.msk [tilespmem:v39+s17+$0x0], $0xffff;
	[tilespmem:s3+$0x16470] =	vst v20  }
0x38b: {  	v51 =	vor.u32 v1, v9;
	v14 =	vld.idx.msk [tilespmem:v46+s17+$0x0], $0xffff;
	[tilespmem:s16+$0x16410] =	vst v15  }
0x38c: {  	v53 =	vor.u32 v1, v11;
	v23 =	vld.idx.msk [tilespmem:v49+s17+$0x0], $0xffff;
	[tilespmem:s9+$0x16470] =	vst v21  }
0x38d: {  	v55 =	vor.u32 v1, v12;
	v20 =	vld.idx.msk [tilespmem:v54+s17+$0x0], $0xffff;
	[tilespmem:s28+$0x16470] =	vst v18;
	s9 =	sshll.u32 s13, $0x7  }
0x38e: {  	v60 =	vor.u32 v2, v13;
	v16 =	vld.idx.msk [tilespmem:v56+s17+$0x0], $0xffff;
	s13 =	sshll.u32 s8, $0x7;
	[tilespmem:s6+$0x16410] =	vst v17;
	s3 =	sand.u32 $0x3FFFFF80, s9  }
0x38f: {  	v62 =	vor.u32 v3, v8;
	s28 =	sshll.u32 s22, $0x7;
	s9 =	sand.u32 $0x3FFFFF80, s13;
	v22 =	vld.idx.msk [tilespmem:v58+s17+$0x0], $0xffff;
	[tilespmem:s3+$0x16400] =	vst v19  }
0x390: {  	v24 =	vor.u32 v3, v10;
	s28 =	sand.u32 $0x3FFFFF80, s28;
	[tilespmem:s9+$0x16400] =	vst v14;
	v21 =	vld.idx.msk [tilespmem:v51+s17+$0x0], $0xffff  }
0x391: {  	v57 =	vor.u32 v2, v9;
	[tilespmem:s28+$0x16400] =	vst v23;
	v18 =	vld.idx.msk [tilespmem:v53+s17+$0x0], $0xffff  }
0x392: {  	v59 =	vor.u32 v2, v11;
	[tilespmem:s12+$0x16410] =	vst v20;
	v19 =	vld.idx.msk [tilespmem:v55+s17+$0x0], $0xffff  }
0x393: {  	v61 =	vor.u32 v2, v12;
	v15 =	vld.idx.msk [tilespmem:v60+s17+$0x0], $0xffff;
	[tilespmem:s16+$0x16420] =	vst v16  }
0x394: {  	v26 =	vor.u32 v3, v13;
	v17 =	vld.idx.msk [tilespmem:v62+s17+$0x0], $0xffff;
	[tilespmem:s6+$0x16420] =	vst v22  }
0x395: {  	v28 =	vor.u32 v4, v8;
	v20 =	vld.idx.msk [tilespmem:v24+s17+$0x0], $0xffff;
	[tilespmem:s3+$0x16410] =	vst v21  }
0x396: {  	v30 =	vor.u32 v4, v10;
	[tilespmem:s9+$0x16410] =	vst v18;
	v14 =	vld.idx.msk [tilespmem:v57+s17+$0x0], $0xffff  }
0x397: {  	v63 =	vor.u32 v3, v9;
	[tilespmem:s28+$0x16410] =	vst v19;
	v23 =	vld.idx.msk [tilespmem:v59+s17+$0x0], $0xffff  }
0x398: {  	v25 =	vor.u32 v3, v11;
	[tilespmem:s12+$0x16420] =	vst v15;
	v21 =	vld.idx.msk [tilespmem:v61+s17+$0x0], $0xffff  }
0x399: {  	v27 =	vor.u32 v3, v12;
	v16 =	vld.idx.msk [tilespmem:v26+s17+$0x0], $0xffff;
	[tilespmem:s16+$0x16430] =	vst v17  }
0x39a: {  	v32 =	vor.u32 v4, v13;
	v22 =	vld.idx.msk [tilespmem:v28+s17+$0x0], $0xffff;
	[tilespmem:s6+$0x16430] =	vst v20  }
0x39b: {  	v34 =	vor.u32 v5, v8;
	v15 =	vld.idx.msk [tilespmem:v30+s17+$0x0], $0xffff;
	[tilespmem:s3+$0x16420] =	vst v14  }
0x39c: {  	v36 =	vor.u32 v5, v10;
	[tilespmem:s9+$0x16420] =	vst v23;
	v18 =	vld.idx.msk [tilespmem:v63+s17+$0x0], $0xffff  }
0x39d: {  	v29 =	vor.u32 v4, v9;
	[tilespmem:s28+$0x16420] =	vst v21;
	v19 =	vld.idx.msk [tilespmem:v25+s17+$0x0], $0xffff  }
0x39e: {  	v31 =	vor.u32 v4, v11;
	[tilespmem:s12+$0x16430] =	vst v16;
	v14 =	vld.idx.msk [tilespmem:v27+s17+$0x0], $0xffff  }
0x39f: {  	v33 =	vor.u32 v4, v12;
	v17 =	vld.idx.msk [tilespmem:v32+s17+$0x0], $0xffff;
	[tilespmem:s16+$0x16440] =	vst v22  }
0x3a0: {  	v38 =	vor.u32 v5, v13;
	v20 =	vld.idx.msk [tilespmem:v34+s17+$0x0], $0xffff;
	[tilespmem:s6+$0x16440] =	vst v15  }
0x3a1: {  	v40 =	vor.u32 v6, v8;
	v16 =	vld.idx.msk [tilespmem:v36+s17+$0x0], $0xffff;
	[tilespmem:s3+$0x16430] =	vst v18  }
0x3a2: {  	v42 =	vor.u32 v6, v10;
	[tilespmem:s9+$0x16430] =	vst v19;
	v23 =	vld.idx.msk [tilespmem:v29+s17+$0x0], $0xffff  }
0x3a3: {  	v35 =	vor.u32 v5, v9;
	[tilespmem:s28+$0x16430] =	vst v14;
	v21 =	vld.idx.msk [tilespmem:v31+s17+$0x0], $0xffff  }
0x3a4: {  	v37 =	vor.u32 v5, v11;
	[tilespmem:s12+$0x16440] =	vst v17;
	v18 =	vld.idx.msk [tilespmem:v33+s17+$0x0], $0xffff  }
0x3a5: {  	v22 =	vld.idx.msk [tilespmem:v38+s17+$0x0], $0xffff;
	[tilespmem:s16+$0x16450] =	vst v20  }
0x3a6: {  	v39 =	vor.u32 v5, v12;
	v15 =	vld.idx.msk [tilespmem:v40+s17+$0x0], $0xffff;
	[tilespmem:s6+$0x16450] =	vst v16  }
0x3a7: {  	v44 =	vor.u32 v6, v13;
	v17 =	vld.idx.msk [tilespmem:v42+s17+$0x0], $0xffff;
	[tilespmem:s3+$0x16440] =	vst v23  }
0x3a8: {  	v46 =	vor.u32 v7, v8;
	s20 =	sor.u32 $0x1E, s1;
	[tilespmem:s9+$0x16440] =	vst v21;
	v19 =	vld.idx.msk [tilespmem:v35+s17+$0x0], $0xffff  }
0x3a9: {  	v41 =	vor.u32 v6, v9;
	v49 =	vor.u32 v7, v10;
	v57 =	vmov s20;
	[tilespmem:s28+$0x16440] =	vst v18;
	v14 =	vld.idx.msk [tilespmem:v37+s17+$0x0], $0xffff  }
0x3aa: {  	s2 =	sor.u32 $0x1A, s1;
	v45 =	vor.u32 v6, v12;
	v52 =	vor.u32 v7, v12;
	v12 =	vand.u32 $0x7E, v57;
	[tilespmem:s12+$0x16450] =	vst v22  }
0x3ab: {  	v43 =	vor.u32 v6, v11;
	v8 =	vmov s2;
	v12 =	vbroadcast v12, $0x0;
	v23 =	vld.idx.msk [tilespmem:v39+s17+$0x0], $0xffff;
	[tilespmem:s16+$0x16460] =	vst v15  }
0x3ac: {  	v8 =	vand.u32 $0x7A, v8;
	v20 =	vld.idx.msk [tilespmem:v44+s17+$0x0], $0xffff;
	[tilespmem:s6+$0x16460] =	vst v17  }
0x3ad: {  	v8 =	vbroadcast v8, $0x0;
	v63 =	vor.u32 v0, v12;
	v24 =	vld.idx.msk [tilespmem:v46+s17+$0x0], $0xffff;
	[tilespmem:s3+$0x16450] =	vst v19  }
0x3ae: {  	v13 =	vor.u32 v7, v13;
	s7 =	sor.u32 $0x1C, s1;
	[tilespmem:s9+$0x16450] =	vst v14;
	v14 =	vld.idx.msk [tilespmem:v49+s17+$0x0], $0xffff  }
0x3af: {  	v47 =	vor.u32 v7, v9;
	v54 =	vmov s7;
	s8 =	sor.u32 $0x1D, s1;
	v53 =	vor.u32 v0, v8;
	v21 =	vld.idx.msk [tilespmem:v41+s17+$0x0], $0xffff  }
0x3b0: {  	v50 =	vor.u32 v7, v11;
	v10 =	vand.u32 $0x7C, v54;
	s22 =	sor.u32 $0x1F, s1;
	v56 =	vmov s8;
	[tilespmem:s28+$0x16450] =	vst v23;
	v18 =	vld.idx.msk [tilespmem:v43+s17+$0x0], $0xffff  }
0x3b1: {  	v10 =	vbroadcast v10, $0x0;
	v58 =	vmov s22;
	v11 =	vand.u32 $0x7D, v56;
	[tilespmem:s12+$0x16460] =	vst v20;
	v51 =	vld.idx.msk [tilespmem:v45+s17+$0x0], $0xffff  }
0x3b2: {  	s13 =	sor.u32 $0x1B, s1;
	v11 =	vbroadcast v11, $0x0;
	v17 =	vand.u32 $0x7F, v58;
	v19 =	vld.idx.msk [tilespmem:v63+s17+$0x0], $0xffff;
	[tilespmem:s16+$0x16470] =	vst v24  }
0x3b3: {  	v48 =	vmov s13;
	v59 =	vor.u32 v0, v10;
	v60 =	vld.idx.msk [tilespmem:v13+s17+$0x0], $0xffff;
	v13 =	vbroadcast v17, $0x0;
	[tilespmem:s6+$0x16470] =	vst v14  }
0x3b4: {  	v9 =	vand.u32 $0x7B, v48;
	v61 =	vor.u32 v0, v11;
	v24 =	vld.idx.msk [tilespmem:v53+s17+$0x0], $0xffff;
	[tilespmem:s3+$0x16460] =	vst v21  }
0x3b5: {  	v9 =	vbroadcast v9, $0x0;
	s16 =	sshll.u32 s20, $0x7;
	v25 =	vor.u32 v0, v13;
	[tilespmem:s9+$0x16460] =	vst v18;
	v16 =	vld.idx.msk [tilespmem:v47+s17+$0x0], $0xffff  }
0x3b6: {  	v26 =	vor.u32 v1, v8;
	s20 =	sand.u32 $0x3FFFFF80, s16;
	[tilespmem:s28+$0x16460] =	vst v51;
	v18 =	vld.idx.msk [tilespmem:v50+s17+$0x0], $0xffff  }
0x3b7: {  	s2 =	sshll.u32 s2, $0x7;
	v55 =	vor.u32 v0, v9;
	[tilespmem:s20+$0x16400] =	vst v19;
	v62 =	vld.idx.msk [tilespmem:v52+s17+$0x0], $0xffff  }
0x3b8: {  	s1 =	sand.u32 $0x3FFFFF80, s2;
	v20 =	vld.idx.msk [tilespmem:v59+s17+$0x0], $0xffff;
	[tilespmem:s12+$0x16470] =	vst v60  }
0x3b9: {  	v30 =	vor.u32 v1, v12;
	v15 =	vld.idx.msk [tilespmem:v61+s17+$0x0], $0xffff;
	[tilespmem:s1+$0x16400] =	vst v24  }
0x3ba: {  	v28 =	vor.u32 v1, v10;
	v23 =	vld.idx.msk [tilespmem:v25+s17+$0x0], $0xffff;
	[tilespmem:s3+$0x16470] =	vst v16  }
0x3bb: {  	s7 =	sshll.u32 s7, $0x7;
	v29 =	vor.u32 v1, v11;
	v14 =	vld.idx.msk [tilespmem:v26+s17+$0x0], $0xffff;
	[tilespmem:s9+$0x16470] =	vst v18  }
0x3bc: {  	v31 =	vor.u32 v1, v13;
	v21 =	vld.idx.msk [tilespmem:v55+s17+$0x0], $0xffff;
	s12 =	sshll.u32 s8, $0x7;
	[tilespmem:s28+$0x16470] =	vst v62;
	s9 =	sand.u32 $0x3FFFFF80, s7  }
0x3bd: {  	s22 =	sshll.u32 s22, $0x7;
	v32 =	vor.u32 v2, v8;
	s3 =	sshll.u32 s13, $0x7;
	s13 =	sand.u32 $0x3FFFFF80, s12;
	[tilespmem:s9+$0x16400] =	vst v20  }
0x3be: {  	v27 =	vor.u32 v1, v9;
	s28 =	sand.u32 $0x3FFFFF80, s22;
	v16 =	vld.idx.msk [tilespmem:v30+s17+$0x0], $0xffff;
	[tilespmem:s13+$0x16400] =	vst v15  }
0x3bf: {  	[tilespmem:s28+$0x16400] =	vst v23;
	v22 =	vld.idx.msk [tilespmem:v28+s17+$0x0], $0xffff  }
0x3c0: {  	v36 =	vor.u32 v2, v12;
	s6 =	sand.u32 $0x3FFFFF80, s3;
	[tilespmem:s1+$0x16410] =	vst v14;
	v17 =	vld.idx.msk [tilespmem:v29+s17+$0x0], $0xffff  }
0x3c1: {  	v34 =	vor.u32 v2, v10;
	[tilespmem:s6+$0x16400] =	vst v21;
	v21 =	vld.idx.msk [tilespmem:v31+s17+$0x0], $0xffff  }
0x3c2: {  	v35 =	vor.u32 v2, v11;
	v20 =	vld.idx.msk [tilespmem:v32+s17+$0x0], $0xffff  }
0x3c3: {  	v37 =	vor.u32 v2, v13;
	v18 =	vld.idx.msk [tilespmem:v27+s17+$0x0], $0xffff;
	[tilespmem:s20+$0x16410] =	vst v16  }
0x3c4: {  	v38 =	vor.u32 v3, v8;
	[tilespmem:s9+$0x16410] =	vst v22  }
0x3c5: {  	v33 =	vor.u32 v2, v9;
	v14 =	vld.idx.msk [tilespmem:v36+s17+$0x0], $0xffff;
	[tilespmem:s13+$0x16410] =	vst v17  }
0x3c6: {  	[tilespmem:s28+$0x16410] =	vst v21;
	v19 =	vld.idx.msk [tilespmem:v34+s17+$0x0], $0xffff  }
0x3c7: {  	v42 =	vor.u32 v3, v12;
	[tilespmem:s1+$0x16420] =	vst v20;
	v23 =	vld.idx.msk [tilespmem:v35+s17+$0x0], $0xffff  }
0x3c8: {  	v40 =	vor.u32 v3, v10;
	[tilespmem:s6+$0x16410] =	vst v18;
	v18 =	vld.idx.msk [tilespmem:v37+s17+$0x0], $0xffff  }
0x3c9: {  	v41 =	vor.u32 v3, v11;
	v22 =	vld.idx.msk [tilespmem:v38+s17+$0x0], $0xffff  }
0x3ca: {  	v43 =	vor.u32 v3, v13;
	v15 =	vld.idx.msk [tilespmem:v33+s17+$0x0], $0xffff;
	[tilespmem:s20+$0x16420] =	vst v14  }
0x3cb: {  	v44 =	vor.u32 v4, v8;
	[tilespmem:s9+$0x16420] =	vst v19  }
0x3cc: {  	v39 =	vor.u32 v3, v9;
	v20 =	vld.idx.msk [tilespmem:v42+s17+$0x0], $0xffff;
	[tilespmem:s13+$0x16420] =	vst v23  }
0x3cd: {  	[tilespmem:s28+$0x16420] =	vst v18;
	v16 =	vld.idx.msk [tilespmem:v40+s17+$0x0], $0xffff  }
0x3ce: {  	v48 =	vor.u32 v4, v12;
	[tilespmem:s1+$0x16430] =	vst v22;
	v21 =	vld.idx.msk [tilespmem:v41+s17+$0x0], $0xffff  }
0x3cf: {  	v46 =	vor.u32 v4, v10;
	[tilespmem:s6+$0x16420] =	vst v15;
	v15 =	vld.idx.msk [tilespmem:v43+s17+$0x0], $0xffff  }
0x3d0: {  	v47 =	vor.u32 v4, v11;
	v19 =	vld.idx.msk [tilespmem:v44+s17+$0x0], $0xffff  }
0x3d1: {  	v49 =	vor.u32 v4, v13;
	v17 =	vld.idx.msk [tilespmem:v39+s17+$0x0], $0xffff;
	[tilespmem:s20+$0x16430] =	vst v20  }
0x3d2: {  	v50 =	vor.u32 v5, v8;
	[tilespmem:s9+$0x16430] =	vst v16  }
0x3d3: {  	v45 =	vor.u32 v4, v9;
	v22 =	vld.idx.msk [tilespmem:v48+s17+$0x0], $0xffff;
	[tilespmem:s13+$0x16430] =	vst v21  }
0x3d4: {  	[tilespmem:s28+$0x16430] =	vst v15;
	v14 =	vld.idx.msk [tilespmem:v46+s17+$0x0], $0xffff  }
0x3d5: {  	v54 =	vor.u32 v5, v12;
	[tilespmem:s1+$0x16440] =	vst v19;
	v18 =	vld.idx.msk [tilespmem:v47+s17+$0x0], $0xffff  }
0x3d6: {  	v52 =	vor.u32 v5, v10;
	[tilespmem:s6+$0x16430] =	vst v17;
	v17 =	vld.idx.msk [tilespmem:v49+s17+$0x0], $0xffff  }
0x3d7: {  	v53 =	vor.u32 v5, v11;
	v16 =	vld.idx.msk [tilespmem:v50+s17+$0x0], $0xffff  }
0x3d8: {  	v55 =	vor.u32 v5, v13;
	v23 =	vld.idx.msk [tilespmem:v45+s17+$0x0], $0xffff;
	[tilespmem:s20+$0x16440] =	vst v22  }
0x3d9: {  	v56 =	vor.u32 v6, v8;
	[tilespmem:s9+$0x16440] =	vst v14  }
0x3da: {  	v51 =	vor.u32 v5, v9;
	v19 =	vld.idx.msk [tilespmem:v54+s17+$0x0], $0xffff;
	[tilespmem:s13+$0x16440] =	vst v18  }
0x3db: {  	v60 =	vor.u32 v6, v12;
	[tilespmem:s28+$0x16440] =	vst v17;
	v20 =	vld.idx.msk [tilespmem:v52+s17+$0x0], $0xffff  }
0x3dc: {  	v58 =	vor.u32 v6, v10;
	[tilespmem:s1+$0x16450] =	vst v16;
	v15 =	vld.idx.msk [tilespmem:v53+s17+$0x0], $0xffff  }
0x3dd: {  	v59 =	vor.u32 v6, v11;
	[tilespmem:s6+$0x16440] =	vst v23;
	v23 =	vld.idx.msk [tilespmem:v55+s17+$0x0], $0xffff  }
0x3de: {  	v61 =	vor.u32 v6, v13;
	v14 =	vld.idx.msk [tilespmem:v56+s17+$0x0], $0xffff  }
0x3df: {  	v8 =	vor.u32 v7, v8;
	v21 =	vld.idx.msk [tilespmem:v51+s17+$0x0], $0xffff;
	[tilespmem:s20+$0x16450] =	vst v19  }
0x3e0: {  	v57 =	vor.u32 v6, v9;
	v16 =	vld.idx.msk [tilespmem:v60+s17+$0x0], $0xffff;
	[tilespmem:s9+$0x16450] =	vst v20  }
0x3e1: {  	[tilespmem:s13+$0x16450] =	vst v15;
	v62 =	vld.idx.msk [tilespmem:v58+s17+$0x0], $0xffff  }
0x3e2: {  	v12 =	vor.u32 v7, v12;
	[tilespmem:s28+$0x16450] =	vst v23;
	v17 =	vld.idx.msk [tilespmem:v59+s17+$0x0], $0xffff  }
0x3e3: {  	v10 =	vor.u32 v7, v10;
	[tilespmem:s1+$0x16460] =	vst v14;
	v63 =	vld.idx.msk [tilespmem:v61+s17+$0x0], $0xffff  }
0x3e4: {  	v11 =	vor.u32 v7, v11;
	[tilespmem:s6+$0x16450] =	vst v21;
	v8 =	vld.idx.msk [tilespmem:v8+s17+$0x0], $0xffff  }
0x3e5: {  	v13 =	vor.u32 v7, v13;
	v18 =	vld.idx.msk [tilespmem:v57+s17+$0x0], $0xffff;
	[tilespmem:s20+$0x16460] =	vst v16  }
0x3e6: {  	v9 =	vor.u32 v7, v9;
	[tilespmem:s9+$0x16460] =	vst v62  }
0x3e7: {  	v12 =	vld.idx.msk [tilespmem:v12+s17+$0x0], $0xffff;
	[tilespmem:s13+$0x16460] =	vst v17  }
0x3e8: {  	[tilespmem:s28+$0x16460] =	vst v63;
	v10 =	vld.idx.msk [tilespmem:v10+s17+$0x0], $0xffff  }
0x3e9: {  	[tilespmem:s1+$0x16470] =	vst v8;
	v11 =	vld.idx.msk [tilespmem:v11+s17+$0x0], $0xffff  }
0x3ea: {  	[tilespmem:s6+$0x16460] =	vst v18;
	v8 =	vld.idx.msk [tilespmem:v13+s17+$0x0], $0xffff  }
0x3eb: {  	p2 =	por p1, p1;
	v9 =	vld.idx.msk [tilespmem:v9+s17+$0x0], $0xffff  }
.Ltmp2:
0x3ec: {  	[tilespmem:s20+$0x16470] =	vst v12;
	(pc) =	sbr.rel @p2 .LBB2_7-.Ltmp2, $4  }
0x3ed: {  	[tilespmem:s9+$0x16470] =	vst v10  }
0x3ee: {  	[tilespmem:s13+$0x16470] =	vst v11  }
0x3ef: {  	[tilespmem:s28+$0x16470] =	vst v8  }
0x3f0: {  	p1 =	por $0x0, $0x0;
	s1 =	simm.s32 $0x20;
	[tilespmem:s6+$0x16470] =	vst v9  }
0x3f1: {  	s1 =	rddreg [dreg:$0x6]  }
0x3f2: {  	s2 =	simm.s32 $0x16400;
	s1 =	sadd.s32 s31, s1  }
0x3f3: {  	[hbm4b:s1+s10] =	stream.strided.scatter [tilespmem:s2], [sflag:$0x5], $0x2000, s11, s10, $0x38;
	[tilespmem:$0x1A400] =	vst v63  }
0x3f4: {  	_ =	swait.ge [sflag:s25], $0x4000  }
0x3f5: {  	s0 =	sadd.s32 @!p0 $0x300, s0;
	[sflag:s25] =	ssyncset.done $0x0  }
0x3f6: {  	s1 =	simm.s32 @!p0 $0x80;
	s2 =	simm.s32 @!p0 $0xE400;
	[sflag:s25] =	ssyncadd.s32 $0xFFFFC000  }
0x3f7: {  	[tilespmem:s2], [sflag:$0x3] =	stream.indirect.gather @!p0 [hbm4b:s5+s1], $0x80, s0, s1, $0xb8;
	[tilespmem:$0x1A400] =	vst v63  }
0x3f8: {  	_ =	swait.ge [sflag:s26], $0x2000  }
0x3f9: {  	[sflag:s26] =	ssyncset.done $0x0  }
0x3fa: {  	s0 =	simm.s32 $0x0;
	p0 =	por $0x1, $0x1;
	[sflag:s26] =	ssyncadd.s32 $0xFFFFE000  }
.LBB2_9:
0x3fb: {  	v8 =	vmov s0  }
0x3fc: {  	v8 =	vand.u32 $0x60, v8  }
0x3fd: {  	v8 =	vbroadcast v8, $0x0;
	_ =	sdelay $0x1  }
0x3fe: {  	v9 =	vor.u32 v0, v8;
	_ =	sdelay $0x4  }
0x3ff: {  	v9 =	vld.idx.msk [tilespmem:v9+s19+$0x0], $0xffff  }
0x400: {  	v10 =	vor.u32 v1, v8;
	_ =	sdelay $0x1  }
0x401: {  	s1 =	sshll.u32 s0, $0x7  }
0x402: {  	s1 =	sand.u32 $0x3FFFFF80, s1  }
0x403: {  	[tilespmem:s1+$0x18400] =	vst v9  }
0x404: {  	v9 =	vld.idx.msk [tilespmem:v10+s19+$0x0], $0xffff  }
0x405: {  	v12 =	vor.u32 v2, v8;
	_ =	sdelay $0x3  }
0x406: {  	[tilespmem:s1+$0x18410] =	vst v9  }
0x407: {  	v9 =	vld.idx.msk [tilespmem:v12+s19+$0x0], $0xffff  }
0x408: {  	v13 =	vor.u32 v3, v8;
	_ =	sdelay $0x3  }
0x409: {  	[tilespmem:s1+$0x18420] =	vst v9  }
0x40a: {  	v9 =	vld.idx.msk [tilespmem:v13+s19+$0x0], $0xffff  }
0x40b: {  	v14 =	vor.u32 v4, v8;
	_ =	sdelay $0x3  }
0x40c: {  	[tilespmem:s1+$0x18430] =	vst v9  }
0x40d: {  	v9 =	vld.idx.msk [tilespmem:v14+s19+$0x0], $0xffff  }
0x40e: {  	v15 =	vor.u32 v5, v8;
	_ =	sdelay $0x1  }
0x40f: {  	s2 =	sor.u32 $0x1, s0  }
0x410: {  	v11 =	vmov s2  }
0x411: {  	v16 =	vand.u32 $0x61, v11;
	[tilespmem:s1+$0x18440] =	vst v9  }
0x412: {  	v11 =	vbroadcast v16, $0x0;
	v10 =	vld.idx.msk [tilespmem:v15+s19+$0x0], $0xffff  }
0x413: {  	v17 =	vor.u32 v6, v8  }
0x414: {  	v12 =	vor.u32 v0, v11;
	_ =	sdelay $0x2  }
0x415: {  	[tilespmem:s1+$0x18450] =	vst v10  }
0x416: {  	v13 =	vld.idx.msk [tilespmem:v17+s19+$0x0], $0xffff  }
0x417: {  	v9 =	vld.idx.msk [tilespmem:v12+s19+$0x0], $0xffff  }
0x418: {  	v18 =	vor.u32 v1, v11;
	_ =	sdelay $0x1  }
0x419: {  	s2 =	sshll.u32 s2, $0x7  }
0x41a: {  	s2 =	sand.u32 $0x3FFFFF80, s2  }
0x41b: {  	[tilespmem:s2+$0x18400] =	vst v9  }
0x41c: {  	v9 =	vld.idx.msk [tilespmem:v18+s19+$0x0], $0xffff  }
0x41d: {  	v19 =	vor.u32 v2, v11;
	_ =	sdelay $0x3  }
0x41e: {  	[tilespmem:s2+$0x18410] =	vst v9  }
0x41f: {  	v9 =	vld.idx.msk [tilespmem:v19+s19+$0x0], $0xffff  }
0x420: {  	v20 =	vor.u32 v3, v11;
	_ =	sdelay $0x3  }
0x421: {  	[tilespmem:s2+$0x18420] =	vst v9  }
0x422: {  	v9 =	vld.idx.msk [tilespmem:v20+s19+$0x0], $0xffff  }
0x423: {  	v21 =	vor.u32 v4, v11;
	_ =	sdelay $0x3  }
0x424: {  	[tilespmem:s2+$0x18430] =	vst v9  }
0x425: {  	v9 =	vld.idx.msk [tilespmem:v21+s19+$0x0], $0xffff  }
0x426: {  	s6 =	sor.u32 $0x3, s0;
	v22 =	vor.u32 v5, v11  }
0x427: {  	v14 =	vmov s6  }
0x428: {  	v14 =	vand.u32 $0x63, v14  }
0x429: {  	v15 =	vor.u32 v7, v8;
	v8 =	vbroadcast v14, $0x0  }
0x42a: {  	[tilespmem:s2+$0x18440] =	vst v9  }
0x42b: {  	s8 =	sor.u32 $0x5, s0;
	s12 =	sor.u32 $0x6, s0;
	v17 =	vor.u32 v0, v8;
	v10 =	vld.idx.msk [tilespmem:v22+s19+$0x0], $0xffff  }
0x42c: {  	s3 =	sor.u32 $0x2, s0;
	v28 =	vmov s12;
	v23 =	vor.u32 v6, v11;
	v18 =	vmov s8  }
0x42d: {  	v24 =	vmov s3;
	v27 =	vand.u32 $0x65, v18;
	v18 =	vand.u32 $0x66, v28  }
0x42e: {  	s7 =	sor.u32 $0x4, s0;
	[tilespmem:s1+$0x18460] =	vst v13;
	v13 =	vbroadcast v18, $0x0;
	v9 =	vand.u32 $0x62, v24  }
0x42f: {  	v26 =	vmov s7;
	v9 =	vbroadcast v9, $0x0  }
0x430: {  	v17 =	vld.idx.msk [tilespmem:v17+s19+$0x0], $0xffff;
	v31 =	vor.u32 v0, v13;
	[tilespmem:s2+$0x18450] =	vst v10;
	v10 =	vand.u32 $0x64, v26  }
0x431: {  	v25 =	vor.u32 v7, v11;
	v16 =	vor.u32 v0, v9;
	v12 =	vld.idx.msk [tilespmem:v23+s19+$0x0], $0xffff;
	v11 =	vbroadcast v10, $0x0  }
0x432: {  	v10 =	vbroadcast v27, $0x0;
	v23 =	vor.u32 v1, v8  }
0x433: {  	s13 =	sor.u32 $0x7, s0;
	s16 =	sshll.u32 s6, $0x7;
	v20 =	vor.u32 v0, v11  }
0x434: {  	s9 =	sshll.u32 s3, $0x7;
	s3 =	sand.u32 $0x3FFFFF80, s16;
	v15 =	vld.idx.msk [tilespmem:v15+s19+$0x0], $0xffff;
	v19 =	vmov s13;
	v30 =	vor.u32 v0, v10  }
0x435: {  	[tilespmem:s3+$0x18400] =	vst v17;
	v29 =	vand.u32 $0x67, v19;
	v18 =	vld.idx.msk [tilespmem:v31+s19+$0x0], $0xffff  }
0x436: {  	v34 =	vor.u32 v1, v13;
	v16 =	vld.idx.msk [tilespmem:v16+s19+$0x0], $0xffff;
	[tilespmem:s2+$0x18460] =	vst v12;
	v12 =	vbroadcast v29, $0x0  }
0x437: {  	v22 =	vor.u32 v1, v9;
	v23 =	vld.idx.msk [tilespmem:v23+s19+$0x0], $0xffff  }
0x438: {  	s28 =	sshll.u32 s12, $0x7;
	v21 =	vor.u32 v0, v12;
	v20 =	vld.idx.msk [tilespmem:v20+s19+$0x0], $0xffff  }
0x439: {  	s12 =	sand.u32 $0x3FFFFF80, s28;
	v37 =	vor.u32 v2, v8;
	[tilespmem:s1+$0x18470] =	vst v15;
	v19 =	vld.idx.msk [tilespmem:v30+s19+$0x0], $0xffff  }
0x43a: {  	s1 =	sand.u32 $0x3FFFFF80, s9;
	[tilespmem:s12+$0x18400] =	vst v18;
	v32 =	vor.u32 v1, v11;
	v14 =	vld.idx.msk [tilespmem:v25+s19+$0x0], $0xffff  }
0x43b: {  	s20 =	sshll.u32 s7, $0x7;
	v33 =	vor.u32 v1, v10;
	[tilespmem:s1+$0x18400] =	vst v16;
	v16 =	vld.idx.msk [tilespmem:v34+s19+$0x0], $0xffff  }
0x43c: {  	s22 =	sshll.u32 s8, $0x7;
	s6 =	sand.u32 $0x3FFFFF80, s20;
	v22 =	vld.idx.msk [tilespmem:v22+s19+$0x0], $0xffff;
	[tilespmem:s3+$0x18410] =	vst v23  }
0x43d: {  	v40 =	vor.u32 v2, v13;
	s9 =	sand.u32 $0x3FFFFF80, s22;
	v21 =	vld.idx.msk [tilespmem:v21+s19+$0x0], $0xffff;
	[tilespmem:s6+$0x18400] =	vst v20  }
0x43e: {  	v36 =	vor.u32 v2, v9;
	[tilespmem:s9+$0x18400] =	vst v19;
	v19 =	vld.idx.msk [tilespmem:v37+s19+$0x0], $0xffff  }
0x43f: {  	v35 =	vor.u32 v1, v12;
	[tilespmem:s2+$0x18470] =	vst v14;
	v15 =	vld.idx.msk [tilespmem:v32+s19+$0x0], $0xffff  }
0x440: {  	s31 =	sshll.u32 s13, $0x7;
	v43 =	vor.u32 v3, v8;
	[tilespmem:s12+$0x18410] =	vst v16;
	v14 =	vld.idx.msk [tilespmem:v33+s19+$0x0], $0xffff  }
0x441: {  	s16 =	sand.u32 $0x3FFFFF80, s31;
	v38 =	vor.u32 v2, v11;
	[tilespmem:s1+$0x18410] =	vst v22  }
0x442: {  	v39 =	vor.u32 v2, v10;
	v22 =	vld.idx.msk [tilespmem:v40+s19+$0x0], $0xffff;
	[tilespmem:s16+$0x18400] =	vst v21  }
0x443: {  	v20 =	vld.idx.msk [tilespmem:v36+s19+$0x0], $0xffff;
	[tilespmem:s3+$0x18420] =	vst v19  }
0x444: {  	v46 =	vor.u32 v3, v13;
	v17 =	vld.idx.msk [tilespmem:v35+s19+$0x0], $0xffff;
	[tilespmem:s6+$0x18410] =	vst v15  }
0x445: {  	v42 =	vor.u32 v3, v9;
	[tilespmem:s9+$0x18410] =	vst v14;
	v14 =	vld.idx.msk [tilespmem:v43+s19+$0x0], $0xffff  }
0x446: {  	v41 =	vor.u32 v2, v12;
	v18 =	vld.idx.msk [tilespmem:v38+s19+$0x0], $0xffff  }
0x447: {  	v49 =	vor.u32 v4, v8;
	[tilespmem:s12+$0x18420] =	vst v22;
	v21 =	vld.idx.msk [tilespmem:v39+s19+$0x0], $0xffff  }
0x448: {  	v44 =	vor.u32 v3, v11;
	[tilespmem:s1+$0x18420] =	vst v20  }
0x449: {  	v45 =	vor.u32 v3, v10;
	v20 =	vld.idx.msk [tilespmem:v46+s19+$0x0], $0xffff;
	[tilespmem:s16+$0x18410] =	vst v17  }
0x44a: {  	v15 =	vld.idx.msk [tilespmem:v42+s19+$0x0], $0xffff;
	[tilespmem:s3+$0x18430] =	vst v14  }
0x44b: {  	v52 =	vor.u32 v4, v13;
	v23 =	vld.idx.msk [tilespmem:v41+s19+$0x0], $0xffff;
	[tilespmem:s6+$0x18420] =	vst v18  }
0x44c: {  	v48 =	vor.u32 v4, v9;
	[tilespmem:s9+$0x18420] =	vst v21;
	v21 =	vld.idx.msk [tilespmem:v49+s19+$0x0], $0xffff  }
0x44d: {  	v47 =	vor.u32 v3, v12;
	v16 =	vld.idx.msk [tilespmem:v44+s19+$0x0], $0xffff  }
0x44e: {  	v55 =	vor.u32 v5, v8;
	[tilespmem:s12+$0x18430] =	vst v20;
	v17 =	vld.idx.msk [tilespmem:v45+s19+$0x0], $0xffff  }
0x44f: {  	v50 =	vor.u32 v4, v11;
	[tilespmem:s1+$0x18430] =	vst v15  }
0x450: {  	v51 =	vor.u32 v4, v10;
	v15 =	vld.idx.msk [tilespmem:v52+s19+$0x0], $0xffff;
	[tilespmem:s16+$0x18420] =	vst v23  }
0x451: {  	v18 =	vld.idx.msk [tilespmem:v48+s19+$0x0], $0xffff;
	[tilespmem:s3+$0x18440] =	vst v21  }
0x452: {  	v58 =	vor.u32 v5, v13;
	v19 =	vld.idx.msk [tilespmem:v47+s19+$0x0], $0xffff;
	[tilespmem:s6+$0x18430] =	vst v16  }
0x453: {  	v54 =	vor.u32 v5, v9;
	[tilespmem:s9+$0x18430] =	vst v17;
	v17 =	vld.idx.msk [tilespmem:v55+s19+$0x0], $0xffff  }
0x454: {  	v53 =	vor.u32 v4, v12;
	v22 =	vld.idx.msk [tilespmem:v50+s19+$0x0], $0xffff  }
0x455: {  	v61 =	vor.u32 v6, v8;
	[tilespmem:s12+$0x18440] =	vst v15;
	v23 =	vld.idx.msk [tilespmem:v51+s19+$0x0], $0xffff  }
0x456: {  	v56 =	vor.u32 v5, v11;
	[tilespmem:s1+$0x18440] =	vst v18  }
0x457: {  	v57 =	vor.u32 v5, v10;
	v18 =	vld.idx.msk [tilespmem:v58+s19+$0x0], $0xffff;
	[tilespmem:s16+$0x18430] =	vst v19  }
0x458: {  	v28 =	vor.u32 v6, v13;
	v16 =	vld.idx.msk [tilespmem:v54+s19+$0x0], $0xffff;
	[tilespmem:s3+$0x18450] =	vst v17  }
0x459: {  	v60 =	vor.u32 v6, v9;
	v14 =	vld.idx.msk [tilespmem:v53+s19+$0x0], $0xffff;
	[tilespmem:s6+$0x18440] =	vst v22  }
0x45a: {  	v59 =	vor.u32 v5, v12;
	[tilespmem:s9+$0x18440] =	vst v23;
	v23 =	vld.idx.msk [tilespmem:v61+s19+$0x0], $0xffff  }
0x45b: {  	v31 =	vor.u32 v7, v8;
	v20 =	vld.idx.msk [tilespmem:v56+s19+$0x0], $0xffff  }
0x45c: {  	s7 =	sor.u32 $0x8, s0;
	v62 =	vor.u32 v6, v11;
	[tilespmem:s12+$0x18450] =	vst v18;
	v19 =	vld.idx.msk [tilespmem:v57+s19+$0x0], $0xffff  }
0x45d: {  	v63 =	vor.u32 v6, v10;
	v30 =	vmov s7;
	[tilespmem:s1+$0x18450] =	vst v16;
	v16 =	vld.idx.msk [tilespmem:v28+s19+$0x0], $0xffff  }
0x45e: {  	v34 =	vor.u32 v7, v13;
	v8 =	vand.u32 $0x68, v30;
	v22 =	vld.idx.msk [tilespmem:v60+s19+$0x0], $0xffff;
	[tilespmem:s16+$0x18440] =	vst v14  }
0x45f: {  	s8 =	sor.u32 $0x9, s0;
	v24 =	vor.u32 v7, v9;
	v8 =	vbroadcast v8, $0x0;
	[tilespmem:s3+$0x18460] =	vst v23;
	v21 =	vld.idx.msk [tilespmem:v59+s19+$0x0], $0xffff  }
0x460: {  	s28 =	sor.u32 $0xA, s0;
	v11 =	vor.u32 v7, v11;
	v29 =	vor.u32 v6, v12;
	v32 =	vmov s8;
	[tilespmem:s6+$0x18450] =	vst v20;
	v20 =	vld.idx.msk [tilespmem:v31+s19+$0x0], $0xffff  }
0x461: {  	v37 =	vmov s28;
	v36 =	vor.u32 v0, v8;
	v9 =	vand.u32 $0x69, v32;
	[tilespmem:s9+$0x18450] =	vst v19;
	v15 =	vld.idx.msk [tilespmem:v62+s19+$0x0], $0xffff  }
0x462: {  	v33 =	vor.u32 v7, v10;
	v10 =	vand.u32 $0x6A, v37;
	v9 =	vbroadcast v9, $0x0;
	[tilespmem:s12+$0x18460] =	vst v16;
	v14 =	vld.idx.msk [tilespmem:v63+s19+$0x0], $0xffff  }
0x463: {  	s20 =	sor.u32 $0xC, s0;
	v10 =	vbroadcast v10, $0x0;
	[tilespmem:s1+$0x18460] =	vst v22;
	v45 =	vld.idx.msk [tilespmem:v34+s19+$0x0], $0xffff  }
0x464: {  	s31 =	sor.u32 $0xB, s0;
	v40 =	vmov s20;
	v35 =	vor.u32 v7, v12;
	v38 =	vor.u32 v0, v9;
	v24 =	vld.idx.msk [tilespmem:v24+s19+$0x0], $0xffff;
	[tilespmem:s16+$0x18450] =	vst v21  }
0x465: {  	s22 =	sor.u32 $0xD, s0;
	v43 =	vor.u32 v0, v10;
	v39 =	vmov s31;
	v41 =	vand.u32 $0x6C, v40;
	[tilespmem:s3+$0x18470] =	vst v20;
	v17 =	vld.idx.msk [tilespmem:v29+s19+$0x0], $0xffff  }
0x466: {  	v42 =	vmov s22;
	v12 =	vand.u32 $0x6B, v39;
	v49 =	vld.idx.msk [tilespmem:v36+s19+$0x0], $0xffff;
	v13 =	vbroadcast v41, $0x0;
	[tilespmem:s6+$0x18460] =	vst v15  }
0x467: {  	v44 =	vand.u32 $0x6D, v42;
	v51 =	vor.u32 v1, v8;
	[tilespmem:s9+$0x18460] =	vst v14;
	v15 =	vld.idx.msk [tilespmem:v11+s19+$0x0], $0xffff;
	v11 =	vbroadcast v12, $0x0  }
0x468: {  	v48 =	vor.u32 v0, v13;
	[tilespmem:s12+$0x18470] =	vst v45;
	v18 =	vld.idx.msk [tilespmem:v33+s19+$0x0], $0xffff;
	v12 =	vbroadcast v44, $0x0  }
0x469: {  	v23 =	vld.idx.msk [tilespmem:v38+s19+$0x0], $0xffff;
	s3 =	sshll.u32 s7, $0x7;
	[tilespmem:s1+$0x18470] =	vst v24;
	v46 =	vor.u32 v0, v11  }
0x46a: {  	v16 =	vld.idx.msk [tilespmem:v43+s19+$0x0], $0xffff;
	s1 =	sand.u32 $0x3FFFFF80, s3;
	v50 =	vor.u32 v0, v12;
	[tilespmem:s16+$0x18460] =	vst v17  }
0x46b: {  	v52 =	vor.u32 v1, v9;
	[tilespmem:s1+$0x18400] =	vst v49;
	v47 =	vld.idx.msk [tilespmem:v35+s19+$0x0], $0xffff  }
0x46c: {  	v53 =	vor.u32 v1, v10;
	[tilespmem:s6+$0x18470] =	vst v15;
	s6 =	sshll.u32 s8, $0x7;
	v15 =	vld.idx.msk [tilespmem:v51+s19+$0x0], $0xffff  }
0x46d: {  	v57 =	vor.u32 v2, v8;
	v21 =	vld.idx.msk [tilespmem:v48+s19+$0x0], $0xffff;
	s7 =	sshll.u32 s28, $0x7;
	[tilespmem:s9+$0x18470] =	vst v18;
	s3 =	sand.u32 $0x3FFFFF80, s6  }
0x46e: {  	v55 =	vor.u32 v1, v13;
	s6 =	sand.u32 $0x3FFFFF80, s7;
	v17 =	vld.idx.msk [tilespmem:v46+s19+$0x0], $0xffff;
	[tilespmem:s3+$0x18400] =	vst v23  }
0x46f: {  	v54 =	vor.u32 v1, v11;
	v22 =	vld.idx.msk [tilespmem:v50+s19+$0x0], $0xffff;
	[tilespmem:s6+$0x18400] =	vst v16  }
0x470: {  	s13 =	sshll.u32 s20, $0x7;
	v56 =	vor.u32 v1, v12;
	v18 =	vld.idx.msk [tilespmem:v52+s19+$0x0], $0xffff;
	[tilespmem:s16+$0x18470] =	vst v47  }
0x471: {  	v58 =	vor.u32 v2, v9;
	s9 =	sshll.u32 s31, $0x7;
	v14 =	vld.idx.msk [tilespmem:v53+s19+$0x0], $0xffff;
	s16 =	sand.u32 $0x3FFFFF80, s13;
	[tilespmem:s1+$0x18410] =	vst v15  }
0x472: {  	v59 =	vor.u32 v2, v10;
	s8 =	sshll.u32 s22, $0x7;
	s12 =	sand.u32 $0x3FFFFF80, s9;
	[tilespmem:s16+$0x18400] =	vst v21;
	v16 =	vld.idx.msk [tilespmem:v57+s19+$0x0], $0xffff  }
0x473: {  	v63 =	vor.u32 v3, v8;
	s13 =	sand.u32 $0x3FFFFF80, s8;
	[tilespmem:s12+$0x18400] =	vst v17;
	v20 =	vld.idx.msk [tilespmem:v55+s19+$0x0], $0xffff  }
0x474: {  	v61 =	vor.u32 v2, v13;
	[tilespmem:s13+$0x18400] =	vst v22;
	v19 =	vld.idx.msk [tilespmem:v54+s19+$0x0], $0xffff  }
0x475: {  	v60 =	vor.u32 v2, v11;
	v23 =	vld.idx.msk [tilespmem:v56+s19+$0x0], $0xffff;
	[tilespmem:s3+$0x18410] =	vst v18  }
0x476: {  	v62 =	vor.u32 v2, v12;
	[tilespmem:s6+$0x18410] =	vst v14;
	v17 =	vld.idx.msk [tilespmem:v58+s19+$0x0], $0xffff  }
0x477: {  	v24 =	vor.u32 v3, v9;
	v21 =	vld.idx.msk [tilespmem:v59+s19+$0x0], $0xffff;
	[tilespmem:s1+$0x18420] =	vst v16  }
0x478: {  	v25 =	vor.u32 v3, v10;
	[tilespmem:s16+$0x18410] =	vst v20;
	v14 =	vld.idx.msk [tilespmem:v63+s19+$0x0], $0xffff  }
0x479: {  	v29 =	vor.u32 v4, v8;
	[tilespmem:s12+$0x18410] =	vst v19;
	v15 =	vld.idx.msk [tilespmem:v61+s19+$0x0], $0xffff  }
0x47a: {  	v27 =	vor.u32 v3, v13;
	[tilespmem:s13+$0x18410] =	vst v23;
	v22 =	vld.idx.msk [tilespmem:v60+s19+$0x0], $0xffff  }
0x47b: {  	v26 =	vor.u32 v3, v11;
	v18 =	vld.idx.msk [tilespmem:v62+s19+$0x0], $0xffff;
	[tilespmem:s3+$0x18420] =	vst v17  }
0x47c: {  	v28 =	vor.u32 v3, v12;
	[tilespmem:s6+$0x18420] =	vst v21;
	v19 =	vld.idx.msk [tilespmem:v24+s19+$0x0], $0xffff  }
0x47d: {  	v30 =	vor.u32 v4, v9;
	v20 =	vld.idx.msk [tilespmem:v25+s19+$0x0], $0xffff;
	[tilespmem:s1+$0x18430] =	vst v14  }
0x47e: {  	v31 =	vor.u32 v4, v10;
	[tilespmem:s16+$0x18420] =	vst v15;
	v21 =	vld.idx.msk [tilespmem:v29+s19+$0x0], $0xffff  }
0x47f: {  	v35 =	vor.u32 v5, v8;
	[tilespmem:s12+$0x18420] =	vst v22;
	v16 =	vld.idx.msk [tilespmem:v27+s19+$0x0], $0xffff  }
0x480: {  	v33 =	vor.u32 v4, v13;
	[tilespmem:s13+$0x18420] =	vst v18;
	v23 =	vld.idx.msk [tilespmem:v26+s19+$0x0], $0xffff  }
0x481: {  	v32 =	vor.u32 v4, v11;
	v17 =	vld.idx.msk [tilespmem:v28+s19+$0x0], $0xffff;
	[tilespmem:s3+$0x18430] =	vst v19  }
0x482: {  	v34 =	vor.u32 v4, v12;
	[tilespmem:s6+$0x18430] =	vst v20;
	v22 =	vld.idx.msk [tilespmem:v30+s19+$0x0], $0xffff  }
0x483: {  	v36 =	vor.u32 v5, v9;
	v15 =	vld.idx.msk [tilespmem:v31+s19+$0x0], $0xffff;
	[tilespmem:s1+$0x18440] =	vst v21  }
0x484: {  	v37 =	vor.u32 v5, v10;
	[tilespmem:s16+$0x18430] =	vst v16;
	v20 =	vld.idx.msk [tilespmem:v35+s19+$0x0], $0xffff  }
0x485: {  	v41 =	vor.u32 v6, v8;
	[tilespmem:s12+$0x18430] =	vst v23;
	v14 =	vld.idx.msk [tilespmem:v33+s19+$0x0], $0xffff  }
0x486: {  	v39 =	vor.u32 v5, v13;
	[tilespmem:s13+$0x18430] =	vst v17;
	v18 =	vld.idx.msk [tilespmem:v32+s19+$0x0], $0xffff  }
0x487: {  	v38 =	vor.u32 v5, v11;
	v19 =	vld.idx.msk [tilespmem:v34+s19+$0x0], $0xffff;
	[tilespmem:s3+$0x18440] =	vst v22  }
0x488: {  	v40 =	vor.u32 v5, v12;
	[tilespmem:s6+$0x18440] =	vst v15;
	v23 =	vld.idx.msk [tilespmem:v36+s19+$0x0], $0xffff  }
0x489: {  	v42 =	vor.u32 v6, v9;
	v16 =	vld.idx.msk [tilespmem:v37+s19+$0x0], $0xffff;
	[tilespmem:s1+$0x18450] =	vst v20  }
0x48a: {  	v43 =	vor.u32 v6, v10;
	[tilespmem:s16+$0x18440] =	vst v14;
	v15 =	vld.idx.msk [tilespmem:v41+s19+$0x0], $0xffff  }
0x48b: {  	v47 =	vor.u32 v7, v8;
	[tilespmem:s12+$0x18440] =	vst v18;
	v21 =	vld.idx.msk [tilespmem:v39+s19+$0x0], $0xffff  }
0x48c: {  	v45 =	vor.u32 v6, v13;
	s7 =	sor.u32 $0xE, s0;
	[tilespmem:s13+$0x18440] =	vst v19;
	v17 =	vld.idx.msk [tilespmem:v38+s19+$0x0], $0xffff  }
0x48d: {  	v48 =	vor.u32 v7, v9;
	v44 =	vor.u32 v6, v11;
	v8 =	vmov s7;
	s8 =	sor.u32 $0xF, s0;
	v22 =	vld.idx.msk [tilespmem:v40+s19+$0x0], $0xffff;
	[tilespmem:s3+$0x18450] =	vst v23  }
0x48e: {  	s20 =	sor.u32 $0x10, s0;
	v46 =	vor.u32 v6, v12;
	v8 =	vand.u32 $0x6E, v8;
	v49 =	vmov s8;
	[tilespmem:s6+$0x18450] =	vst v16;
	v18 =	vld.idx.msk [tilespmem:v42+s19+$0x0], $0xffff  }
0x48f: {  	v8 =	vbroadcast v8, $0x0;
	v9 =	vand.u32 $0x6F, v49;
	v55 =	vmov s20;
	v14 =	vld.idx.msk [tilespmem:v43+s19+$0x0], $0xffff;
	[tilespmem:s1+$0x18460] =	vst v15  }
0x490: {  	v50 =	vor.u32 v7, v10;
	v9 =	vbroadcast v9, $0x0;
	v10 =	vand.u32 $0x70, v55;
	[tilespmem:s16+$0x18450] =	vst v21;
	v24 =	vld.idx.msk [tilespmem:v47+s19+$0x0], $0xffff  }
0x491: {  	v54 =	vor.u32 v0, v8;
	v10 =	vbroadcast v10, $0x0;
	[tilespmem:s12+$0x18450] =	vst v17;
	v20 =	vld.idx.msk [tilespmem:v45+s19+$0x0], $0xffff  }
0x492: {  	v51 =	vor.u32 v7, v11;
	s22 =	sor.u32 $0x11, s0;
	v56 =	vor.u32 v0, v9;
	[tilespmem:s13+$0x18450] =	vst v22;
	v19 =	vld.idx.msk [tilespmem:v44+s19+$0x0], $0xffff  }
0x493: {  	s28 =	sor.u32 $0x12, s0;
	v53 =	vor.u32 v7, v12;
	v57 =	vmov s22;
	v60 =	vor.u32 v0, v10;
	v52 =	vld.idx.msk [tilespmem:v46+s19+$0x0], $0xffff;
	[tilespmem:s3+$0x18460] =	vst v18  }
0x494: {  	s31 =	sor.u32 $0x13, s0;
	v11 =	vand.u32 $0x71, v57;
	v58 =	vmov s28;
	v25 =	vor.u32 v7, v13;
	[tilespmem:s6+$0x18460] =	vst v14;
	v16 =	vld.idx.msk [tilespmem:v48+s19+$0x0], $0xffff  }
0x495: {  	v11 =	vbroadcast v11, $0x0;
	v59 =	vmov s31;
	v12 =	vand.u32 $0x72, v58;
	v14 =	vld.idx.msk [tilespmem:v50+s19+$0x0], $0xffff;
	[tilespmem:s1+$0x18470] =	vst v24  }
0x496: {  	v61 =	vand.u32 $0x73, v59;
	v13 =	vbroadcast v12, $0x0;
	v27 =	vld.idx.msk [tilespmem:v54+s19+$0x0], $0xffff;
	[tilespmem:s16+$0x18460] =	vst v20  }
0x497: {  	v63 =	vor.u32 v0, v11;
	v12 =	vbroadcast v61, $0x0;
	v18 =	vld.idx.msk [tilespmem:v56+s19+$0x0], $0xffff;
	[tilespmem:s12+$0x18460] =	vst v19  }
0x498: {  	v26 =	vor.u32 v0, v13;
	v20 =	vld.idx.msk [tilespmem:v60+s19+$0x0], $0xffff;
	[tilespmem:s13+$0x18460] =	vst v52  }
0x499: {  	v28 =	vor.u32 v0, v12;
	v62 =	vld.idx.msk [tilespmem:v25+s19+$0x0], $0xffff;
	[tilespmem:s3+$0x18470] =	vst v16;
	s3 =	sshll.u32 s7, $0x7  }
0x49a: {  	v29 =	vor.u32 v1, v8;
	v19 =	vld.idx.msk [tilespmem:v51+s19+$0x0], $0xffff;
	[tilespmem:s6+$0x18470] =	vst v14;
	s6 =	sshll.u32 s8, $0x7;
	s1 =	sand.u32 $0x3FFFFF80, s3  }
0x49b: {  	v31 =	vor.u32 v1, v10;
	v25 =	vld.idx.msk [tilespmem:v53+s19+$0x0], $0xffff;
	s7 =	sshll.u32 s20, $0x7;
	s3 =	sand.u32 $0x3FFFFF80, s6;
	[tilespmem:s1+$0x18400] =	vst v27  }
0x49c: {  	v30 =	vor.u32 v1, v9;
	v15 =	vld.idx.msk [tilespmem:v63+s19+$0x0], $0xffff;
	s6 =	sand.u32 $0x3FFFFF80, s7;
	[tilespmem:s3+$0x18400] =	vst v18  }
0x49d: {  	v32 =	vor.u32 v1, v11;
	v22 =	vld.idx.msk [tilespmem:v26+s19+$0x0], $0xffff;
	[tilespmem:s6+$0x18400] =	vst v20  }
0x49e: {  	v33 =	vor.u32 v1, v13;
	v23 =	vld.idx.msk [tilespmem:v28+s19+$0x0], $0xffff;
	[tilespmem:s16+$0x18470] =	vst v62  }
0x49f: {  	s9 =	sshll.u32 s22, $0x7;
	v34 =	vor.u32 v1, v12;
	v14 =	vld.idx.msk [tilespmem:v29+s19+$0x0], $0xffff;
	[tilespmem:s12+$0x18470] =	vst v19  }
0x4a0: {  	v35 =	vor.u32 v2, v8;
	v17 =	vld.idx.msk [tilespmem:v31+s19+$0x0], $0xffff;
	[tilespmem:s13+$0x18470] =	vst v25;
	s12 =	sand.u32 $0x3FFFFF80, s9;
	s13 =	sshll.u32 s28, $0x7  }
0x4a1: {  	v37 =	vor.u32 v2, v10;
	s8 =	sshll.u32 s31, $0x7;
	v19 =	vld.idx.msk [tilespmem:v30+s19+$0x0], $0xffff;
	[tilespmem:s12+$0x18400] =	vst v15;
	s16 =	sand.u32 $0x3FFFFF80, s13  }
0x4a2: {  	v36 =	vor.u32 v2, v9;
	s13 =	sand.u32 $0x3FFFFF80, s8;
	[tilespmem:s16+$0x18400] =	vst v22;
	v21 =	vld.idx.msk [tilespmem:v32+s19+$0x0], $0xffff  }
0x4a3: {  	v38 =	vor.u32 v2, v11;
	[tilespmem:s13+$0x18400] =	vst v23;
	v16 =	vld.idx.msk [tilespmem:v33+s19+$0x0], $0xffff  }
0x4a4: {  	v39 =	vor.u32 v2, v13;
	[tilespmem:s1+$0x18410] =	vst v14;
	v18 =	vld.idx.msk [tilespmem:v34+s19+$0x0], $0xffff  }
0x4a5: {  	v40 =	vor.u32 v2, v12;
	v20 =	vld.idx.msk [tilespmem:v35+s19+$0x0], $0xffff;
	[tilespmem:s6+$0x18410] =	vst v17  }
0x4a6: {  	v41 =	vor.u32 v3, v8;
	[tilespmem:s3+$0x18410] =	vst v19;
	v22 =	vld.idx.msk [tilespmem:v37+s19+$0x0], $0xffff  }
0x4a7: {  	v43 =	vor.u32 v3, v10;
	v15 =	vld.idx.msk [tilespmem:v36+s19+$0x0], $0xffff;
	[tilespmem:s12+$0x18410] =	vst v21  }
0x4a8: {  	v42 =	vor.u32 v3, v9;
	[tilespmem:s16+$0x18410] =	vst v16;
	v23 =	vld.idx.msk [tilespmem:v38+s19+$0x0], $0xffff  }
0x4a9: {  	v44 =	vor.u32 v3, v11;
	[tilespmem:s13+$0x18410] =	vst v18;
	v14 =	vld.idx.msk [tilespmem:v39+s19+$0x0], $0xffff  }
0x4aa: {  	v45 =	vor.u32 v3, v13;
	[tilespmem:s1+$0x18420] =	vst v20;
	v19 =	vld.idx.msk [tilespmem:v40+s19+$0x0], $0xffff  }
0x4ab: {  	v46 =	vor.u32 v3, v12;
	v17 =	vld.idx.msk [tilespmem:v41+s19+$0x0], $0xffff;
	[tilespmem:s6+$0x18420] =	vst v22  }
0x4ac: {  	v47 =	vor.u32 v4, v8;
	[tilespmem:s3+$0x18420] =	vst v15;
	v16 =	vld.idx.msk [tilespmem:v43+s19+$0x0], $0xffff  }
0x4ad: {  	v49 =	vor.u32 v4, v10;
	v21 =	vld.idx.msk [tilespmem:v42+s19+$0x0], $0xffff;
	[tilespmem:s12+$0x18420] =	vst v23  }
0x4ae: {  	v48 =	vor.u32 v4, v9;
	[tilespmem:s16+$0x18420] =	vst v14;
	v18 =	vld.idx.msk [tilespmem:v44+s19+$0x0], $0xffff  }
0x4af: {  	v50 =	vor.u32 v4, v11;
	[tilespmem:s13+$0x18420] =	vst v19;
	v20 =	vld.idx.msk [tilespmem:v45+s19+$0x0], $0xffff  }
0x4b0: {  	v51 =	vor.u32 v4, v13;
	[tilespmem:s1+$0x18430] =	vst v17;
	v15 =	vld.idx.msk [tilespmem:v46+s19+$0x0], $0xffff  }
0x4b1: {  	v52 =	vor.u32 v4, v12;
	v22 =	vld.idx.msk [tilespmem:v47+s19+$0x0], $0xffff;
	[tilespmem:s6+$0x18430] =	vst v16  }
0x4b2: {  	v53 =	vor.u32 v5, v8;
	[tilespmem:s3+$0x18430] =	vst v21;
	v14 =	vld.idx.msk [tilespmem:v49+s19+$0x0], $0xffff  }
0x4b3: {  	v55 =	vor.u32 v5, v10;
	v23 =	vld.idx.msk [tilespmem:v48+s19+$0x0], $0xffff;
	[tilespmem:s12+$0x18430] =	vst v18  }
0x4b4: {  	v54 =	vor.u32 v5, v9;
	[tilespmem:s16+$0x18430] =	vst v20;
	v19 =	vld.idx.msk [tilespmem:v50+s19+$0x0], $0xffff  }
0x4b5: {  	v56 =	vor.u32 v5, v11;
	[tilespmem:s13+$0x18430] =	vst v15;
	v17 =	vld.idx.msk [tilespmem:v51+s19+$0x0], $0xffff  }
0x4b6: {  	v57 =	vor.u32 v5, v13;
	[tilespmem:s1+$0x18440] =	vst v22;
	v21 =	vld.idx.msk [tilespmem:v52+s19+$0x0], $0xffff  }
0x4b7: {  	v58 =	vor.u32 v5, v12;
	v16 =	vld.idx.msk [tilespmem:v53+s19+$0x0], $0xffff;
	[tilespmem:s6+$0x18440] =	vst v14  }
0x4b8: {  	v59 =	vor.u32 v6, v8;
	[tilespmem:s3+$0x18440] =	vst v23;
	v20 =	vld.idx.msk [tilespmem:v55+s19+$0x0], $0xffff  }
0x4b9: {  	v61 =	vor.u32 v6, v10;
	v18 =	vld.idx.msk [tilespmem:v54+s19+$0x0], $0xffff;
	[tilespmem:s12+$0x18440] =	vst v19  }
0x4ba: {  	v60 =	vor.u32 v6, v9;
	[tilespmem:s16+$0x18440] =	vst v17;
	v15 =	vld.idx.msk [tilespmem:v56+s19+$0x0], $0xffff  }
0x4bb: {  	v62 =	vor.u32 v6, v11;
	[tilespmem:s13+$0x18440] =	vst v21;
	v22 =	vld.idx.msk [tilespmem:v57+s19+$0x0], $0xffff  }
0x4bc: {  	v63 =	vor.u32 v6, v13;
	s7 =	sor.u32 $0x14, s0;
	[tilespmem:s1+$0x18450] =	vst v16;
	v23 =	vld.idx.msk [tilespmem:v58+s19+$0x0], $0xffff  }
0x4bd: {  	v28 =	vor.u32 v6, v12;
	v29 =	vor.u32 v7, v8;
	v8 =	vmov s7;
	v14 =	vld.idx.msk [tilespmem:v59+s19+$0x0], $0xffff;
	[tilespmem:s6+$0x18450] =	vst v20  }
0x4be: {  	v8 =	vand.u32 $0x74, v8;
	s8 =	sor.u32 $0x15, s0;
	[tilespmem:s3+$0x18450] =	vst v18;
	v17 =	vld.idx.msk [tilespmem:v61+s19+$0x0], $0xffff  }
0x4bf: {  	s20 =	sor.u32 $0x16, s0;
	v30 =	vor.u32 v7, v9;
	v31 =	vmov s8;
	v32 =	vor.u32 v7, v10;
	v19 =	vld.idx.msk [tilespmem:v60+s19+$0x0], $0xffff;
	[tilespmem:s12+$0x18450] =	vst v15  }
0x4c0: {  	v8 =	vbroadcast v8, $0x0;
	v9 =	vand.u32 $0x75, v31;
	v38 =	vmov s20;
	v21 =	vld.idx.msk [tilespmem:v62+s19+$0x0], $0xffff;
	[tilespmem:s16+$0x18450] =	vst v22  }
0x4c1: {  	v33 =	vor.u32 v7, v11;
	v9 =	vbroadcast v9, $0x0;
	v10 =	vand.u32 $0x76, v38;
	[tilespmem:s13+$0x18450] =	vst v23;
	v16 =	vld.idx.msk [tilespmem:v63+s19+$0x0], $0xffff  }
0x4c2: {  	s22 =	sor.u32 $0x17, s0;
	v34 =	vor.u32 v7, v13;
	v37 =	vor.u32 v0, v8;
	v10 =	vbroadcast v10, $0x0;
	[tilespmem:s1+$0x18460] =	vst v14;
	v35 =	vld.idx.msk [tilespmem:v28+s19+$0x0], $0xffff  }
0x4c3: {  	s28 =	sor.u32 $0x18, s0;
	v36 =	vor.u32 v7, v12;
	v39 =	vor.u32 v0, v9;
	v40 =	vmov s22;
	v24 =	vld.idx.msk [tilespmem:v29+s19+$0x0], $0xffff;
	[tilespmem:s6+$0x18460] =	vst v17  }
0x4c4: {  	s31 =	sor.u32 $0x19, s0;
	v11 =	vand.u32 $0x77, v40;
	v41 =	vmov s28;
	v43 =	vor.u32 v0, v10;
	[tilespmem:s3+$0x18460] =	vst v19;
	v15 =	vld.idx.msk [tilespmem:v32+s19+$0x0], $0xffff  }
0x4c5: {  	v11 =	vbroadcast v11, $0x0;
	v12 =	vand.u32 $0x78, v41;
	v42 =	vmov s31;
	v20 =	vld.idx.msk [tilespmem:v30+s19+$0x0], $0xffff;
	[tilespmem:s12+$0x18460] =	vst v21  }
0x4c6: {  	v13 =	vbroadcast v12, $0x0;
	v44 =	vand.u32 $0x79, v42;
	v21 =	vld.idx.msk [tilespmem:v33+s19+$0x0], $0xffff;
	[tilespmem:s16+$0x18460] =	vst v16  }
0x4c7: {  	v46 =	vor.u32 v0, v11;
	v12 =	vbroadcast v44, $0x0;
	v48 =	vld.idx.msk [tilespmem:v37+s19+$0x0], $0xffff;
	[tilespmem:s13+$0x18460] =	vst v35  }
0x4c8: {  	v47 =	vor.u32 v0, v13;
	v19 =	vld.idx.msk [tilespmem:v39+s19+$0x0], $0xffff;
	[tilespmem:s1+$0x18470] =	vst v24  }
0x4c9: {  	v49 =	vor.u32 v0, v12;
	v16 =	vld.idx.msk [tilespmem:v43+s19+$0x0], $0xffff;
	[tilespmem:s6+$0x18470] =	vst v15  }
0x4ca: {  	v50 =	vor.u32 v1, v8;
	v45 =	vld.idx.msk [tilespmem:v34+s19+$0x0], $0xffff;
	[tilespmem:s3+$0x18470] =	vst v20;
	s3 =	sshll.u32 s7, $0x7  }
0x4cb: {  	v51 =	vor.u32 v1, v9;
	v18 =	vld.idx.msk [tilespmem:v36+s19+$0x0], $0xffff;
	s6 =	sshll.u32 s8, $0x7;
	s1 =	sand.u32 $0x3FFFFF80, s3;
	[tilespmem:s12+$0x18470] =	vst v21  }
0x4cc: {  	v52 =	vor.u32 v1, v10;
	v14 =	vld.idx.msk [tilespmem:v46+s19+$0x0], $0xffff;
	s7 =	sshll.u32 s20, $0x7;
	s3 =	sand.u32 $0x3FFFFF80, s6;
	[tilespmem:s1+$0x18400] =	vst v48  }
0x4cd: {  	v53 =	vor.u32 v1, v11;
	v22 =	vld.idx.msk [tilespmem:v47+s19+$0x0], $0xffff;
	s6 =	sand.u32 $0x3FFFFF80, s7;
	[tilespmem:s3+$0x18400] =	vst v19  }
0x4ce: {  	v54 =	vor.u32 v1, v13;
	v23 =	vld.idx.msk [tilespmem:v49+s19+$0x0], $0xffff;
	[tilespmem:s6+$0x18400] =	vst v16  }
0x4cf: {  	s9 =	sshll.u32 s22, $0x7;
	v55 =	vor.u32 v1, v12;
	[tilespmem:s16+$0x18470] =	vst v45;
	v15 =	vld.idx.msk [tilespmem:v50+s19+$0x0], $0xffff  }
0x4d0: {  	v56 =	vor.u32 v2, v8;
	s12 =	sand.u32 $0x3FFFFF80, s9;
	[tilespmem:s13+$0x18470] =	vst v18;
	v21 =	vld.idx.msk [tilespmem:v51+s19+$0x0], $0xffff;
	s13 =	sshll.u32 s28, $0x7  }
0x4d1: {  	v57 =	vor.u32 v2, v9;
	s8 =	sshll.u32 s31, $0x7;
	[tilespmem:s12+$0x18400] =	vst v14;
	v17 =	vld.idx.msk [tilespmem:v52+s19+$0x0], $0xffff;
	s16 =	sand.u32 $0x3FFFFF80, s13  }
0x4d2: {  	v58 =	vor.u32 v2, v10;
	v18 =	vld.idx.msk [tilespmem:v53+s19+$0x0], $0xffff;
	s13 =	sand.u32 $0x3FFFFF80, s8;
	[tilespmem:s16+$0x18400] =	vst v22  }
0x4d3: {  	v59 =	vor.u32 v2, v11;
	[tilespmem:s13+$0x18400] =	vst v23;
	v20 =	vld.idx.msk [tilespmem:v54+s19+$0x0], $0xffff  }
0x4d4: {  	v60 =	vor.u32 v2, v13;
	v19 =	vld.idx.msk [tilespmem:v55+s19+$0x0], $0xffff;
	[tilespmem:s1+$0x18410] =	vst v15  }
0x4d5: {  	v61 =	vor.u32 v2, v12;
	[tilespmem:s3+$0x18410] =	vst v21;
	v16 =	vld.idx.msk [tilespmem:v56+s19+$0x0], $0xffff  }
0x4d6: {  	v62 =	vor.u32 v3, v8;
	[tilespmem:s6+$0x18410] =	vst v17;
	v14 =	vld.idx.msk [tilespmem:v57+s19+$0x0], $0xffff  }
0x4d7: {  	v63 =	vor.u32 v3, v9;
	[tilespmem:s12+$0x18410] =	vst v18;
	v22 =	vld.idx.msk [tilespmem:v58+s19+$0x0], $0xffff  }
0x4d8: {  	v24 =	vor.u32 v3, v10;
	v23 =	vld.idx.msk [tilespmem:v59+s19+$0x0], $0xffff;
	[tilespmem:s16+$0x18410] =	vst v20  }
0x4d9: {  	v25 =	vor.u32 v3, v11;
	[tilespmem:s13+$0x18410] =	vst v19;
	v15 =	vld.idx.msk [tilespmem:v60+s19+$0x0], $0xffff  }
0x4da: {  	v26 =	vor.u32 v3, v13;
	v21 =	vld.idx.msk [tilespmem:v61+s19+$0x0], $0xffff;
	[tilespmem:s1+$0x18420] =	vst v16  }
0x4db: {  	v27 =	vor.u32 v3, v12;
	[tilespmem:s3+$0x18420] =	vst v14;
	v17 =	vld.idx.msk [tilespmem:v62+s19+$0x0], $0xffff  }
0x4dc: {  	v28 =	vor.u32 v4, v8;
	[tilespmem:s6+$0x18420] =	vst v22;
	v18 =	vld.idx.msk [tilespmem:v63+s19+$0x0], $0xffff  }
0x4dd: {  	v29 =	vor.u32 v4, v9;
	[tilespmem:s12+$0x18420] =	vst v23;
	v20 =	vld.idx.msk [tilespmem:v24+s19+$0x0], $0xffff  }
0x4de: {  	v30 =	vor.u32 v4, v10;
	v19 =	vld.idx.msk [tilespmem:v25+s19+$0x0], $0xffff;
	[tilespmem:s16+$0x18420] =	vst v15  }
0x4df: {  	v31 =	vor.u32 v4, v11;
	[tilespmem:s13+$0x18420] =	vst v21;
	v16 =	vld.idx.msk [tilespmem:v26+s19+$0x0], $0xffff  }
0x4e0: {  	v32 =	vor.u32 v4, v13;
	v14 =	vld.idx.msk [tilespmem:v27+s19+$0x0], $0xffff;
	[tilespmem:s1+$0x18430] =	vst v17  }
0x4e1: {  	v33 =	vor.u32 v4, v12;
	[tilespmem:s3+$0x18430] =	vst v18;
	v22 =	vld.idx.msk [tilespmem:v28+s19+$0x0], $0xffff  }
0x4e2: {  	v34 =	vor.u32 v5, v8;
	[tilespmem:s6+$0x18430] =	vst v20;
	v23 =	vld.idx.msk [tilespmem:v29+s19+$0x0], $0xffff  }
0x4e3: {  	v35 =	vor.u32 v5, v9;
	[tilespmem:s12+$0x18430] =	vst v19;
	v15 =	vld.idx.msk [tilespmem:v30+s19+$0x0], $0xffff  }
0x4e4: {  	v36 =	vor.u32 v5, v10;
	v21 =	vld.idx.msk [tilespmem:v31+s19+$0x0], $0xffff;
	[tilespmem:s16+$0x18430] =	vst v16  }
0x4e5: {  	v37 =	vor.u32 v5, v11;
	[tilespmem:s13+$0x18430] =	vst v14;
	v17 =	vld.idx.msk [tilespmem:v32+s19+$0x0], $0xffff  }
0x4e6: {  	v38 =	vor.u32 v5, v13;
	v18 =	vld.idx.msk [tilespmem:v33+s19+$0x0], $0xffff;
	[tilespmem:s1+$0x18440] =	vst v22  }
0x4e7: {  	v39 =	vor.u32 v5, v12;
	[tilespmem:s3+$0x18440] =	vst v23;
	v20 =	vld.idx.msk [tilespmem:v34+s19+$0x0], $0xffff  }
0x4e8: {  	v40 =	vor.u32 v6, v8;
	[tilespmem:s6+$0x18440] =	vst v15;
	v19 =	vld.idx.msk [tilespmem:v35+s19+$0x0], $0xffff  }
0x4e9: {  	v41 =	vor.u32 v6, v9;
	s8 =	sor.u32 $0x1B, s0;
	[tilespmem:s12+$0x18440] =	vst v21;
	v16 =	vld.idx.msk [tilespmem:v36+s19+$0x0], $0xffff  }
0x4ea: {  	v42 =	vor.u32 v6, v10;
	v48 =	vmov s8;
	v14 =	vld.idx.msk [tilespmem:v37+s19+$0x0], $0xffff;
	[tilespmem:s16+$0x18440] =	vst v17  }
0x4eb: {  	v47 =	vor.u32 v7, v9;
	v43 =	vor.u32 v6, v11;
	v9 =	vand.u32 $0x7B, v48;
	[tilespmem:s13+$0x18440] =	vst v18;
	v22 =	vld.idx.msk [tilespmem:v38+s19+$0x0], $0xffff  }
0x4ec: {  	v44 =	vor.u32 v6, v13;
	v9 =	vbroadcast v9, $0x0;
	v23 =	vld.idx.msk [tilespmem:v39+s19+$0x0], $0xffff;
	[tilespmem:s1+$0x18450] =	vst v20  }
0x4ed: {  	v45 =	vor.u32 v6, v12;
	[tilespmem:s3+$0x18450] =	vst v19;
	v15 =	vld.idx.msk [tilespmem:v40+s19+$0x0], $0xffff  }
0x4ee: {  	v55 =	vor.u32 v0, v9;
	[tilespmem:s6+$0x18450] =	vst v16;
	v21 =	vld.idx.msk [tilespmem:v41+s19+$0x0], $0xffff  }
0x4ef: {  	v46 =	vor.u32 v7, v8;
	s20 =	sor.u32 $0x1C, s0;
	v17 =	vld.idx.msk [tilespmem:v42+s19+$0x0], $0xffff;
	[tilespmem:s12+$0x18450] =	vst v14  }
0x4f0: {  	s7 =	sor.u32 $0x1A, s0;
	v54 =	vmov s20;
	v18 =	vld.idx.msk [tilespmem:v43+s19+$0x0], $0xffff;
	[tilespmem:s16+$0x18450] =	vst v22  }
0x4f1: {  	v49 =	vor.u32 v7, v10;
	v8 =	vmov s7;
	v10 =	vand.u32 $0x7C, v54;
	[tilespmem:s13+$0x18450] =	vst v23;
	v20 =	vld.idx.msk [tilespmem:v44+s19+$0x0], $0xffff  }
0x4f2: {  	v8 =	vand.u32 $0x7A, v8;
	v50 =	vor.u32 v7, v11;
	v10 =	vbroadcast v10, $0x0;
	v51 =	vld.idx.msk [tilespmem:v45+s19+$0x0], $0xffff;
	[tilespmem:s1+$0x18460] =	vst v15  }
0x4f3: {  	s22 =	sor.u32 $0x1D, s0;
	v13 =	vor.u32 v7, v13;
	v8 =	vbroadcast v8, $0x0;
	[tilespmem:s3+$0x18460] =	vst v21;
	v21 =	vld.idx.msk [tilespmem:v55+s19+$0x0], $0xffff  }
0x4f4: {  	v52 =	vor.u32 v7, v12;
	s28 =	sor.u32 $0x1E, s0;
	v56 =	vmov s22;
	v59 =	vor.u32 v0, v10;
	v24 =	vld.idx.msk [tilespmem:v46+s19+$0x0], $0xffff  }
0x4f5: {  	s31 =	sor.u32 $0x1F, s0;
	v53 =	vor.u32 v0, v8;
	v57 =	vmov s28;
	v11 =	vand.u32 $0x7D, v56;
	[tilespmem:s6+$0x18460] =	vst v17;
	v16 =	vld.idx.msk [tilespmem:v47+s19+$0x0], $0xffff  }
0x4f6: {  	v58 =	vmov s31;
	v12 =	vand.u32 $0x7E, v57;
	v11 =	vbroadcast v11, $0x0;
	v14 =	vld.idx.msk [tilespmem:v49+s19+$0x0], $0xffff;
	[tilespmem:s12+$0x18460] =	vst v18  }
0x4f7: {  	v12 =	vbroadcast v12, $0x0;
	v17 =	vand.u32 $0x7F, v58;
	v18 =	vld.idx.msk [tilespmem:v50+s19+$0x0], $0xffff;
	[tilespmem:s16+$0x18460] =	vst v20  }
0x4f8: {  	v61 =	vor.u32 v0, v11;
	[tilespmem:s13+$0x18460] =	vst v51;
	v60 =	vld.idx.msk [tilespmem:v13+s19+$0x0], $0xffff;
	v13 =	vbroadcast v17, $0x0  }
0x4f9: {  	v63 =	vor.u32 v0, v12;
	v20 =	vld.idx.msk [tilespmem:v59+s19+$0x0], $0xffff;
	[tilespmem:s1+$0x18470] =	vst v24  }
0x4fa: {  	[tilespmem:s3+$0x18470] =	vst v16;
	v24 =	vld.idx.msk [tilespmem:v53+s19+$0x0], $0xffff;
	v25 =	vor.u32 v0, v13  }
0x4fb: {  	v26 =	vor.u32 v1, v8;
	[tilespmem:s6+$0x18470] =	vst v14;
	s6 =	sshll.u32 s8, $0x7  }
0x4fc: {  	v27 =	vor.u32 v1, v9;
	v62 =	vld.idx.msk [tilespmem:v52+s19+$0x0], $0xffff;
	s3 =	sshll.u32 s7, $0x7;
	s7 =	sshll.u32 s20, $0x7;
	[tilespmem:s12+$0x18470] =	vst v18;
	s1 =	sand.u32 $0x3FFFFF80, s6  }
0x4fd: {  	v28 =	vor.u32 v1, v10;
	v15 =	vld.idx.msk [tilespmem:v61+s19+$0x0], $0xffff;
	s9 =	sand.u32 $0x3FFFFF80, s7;
	[tilespmem:s1+$0x18400] =	vst v21  }
0x4fe: {  	v29 =	vor.u32 v1, v11;
	v19 =	vld.idx.msk [tilespmem:v63+s19+$0x0], $0xffff;
	s0 =	sand.u32 $0x3FFFFF80, s3;
	[tilespmem:s9+$0x18400] =	vst v20  }
0x4ff: {  	v30 =	vor.u32 v1, v12;
	[tilespmem:s0+$0x18400] =	vst v24;
	v23 =	vld.idx.msk [tilespmem:v25+s19+$0x0], $0xffff  }
0x500: {  	v31 =	vor.u32 v1, v13;
	s12 =	sshll.u32 s22, $0x7;
	[tilespmem:s16+$0x18470] =	vst v60;
	v14 =	vld.idx.msk [tilespmem:v26+s19+$0x0], $0xffff  }
0x501: {  	v32 =	vor.u32 v2, v8;
	[tilespmem:s13+$0x18470] =	vst v62;
	v18 =	vld.idx.msk [tilespmem:v27+s19+$0x0], $0xffff;
	s13 =	sand.u32 $0x3FFFFF80, s12;
	s16 =	sshll.u32 s28, $0x7  }
0x502: {  	v33 =	vor.u32 v2, v9;
	v22 =	vld.idx.msk [tilespmem:v28+s19+$0x0], $0xffff;
	s28 =	sshll.u32 s31, $0x7;
	[tilespmem:s13+$0x18400] =	vst v15;
	s20 =	sand.u32 $0x3FFFFF80, s16  }
0x503: {  	v34 =	vor.u32 v2, v10;
	s31 =	sand.u32 $0x3FFFFF80, s28;
	[tilespmem:s20+$0x18400] =	vst v19;
	v17 =	vld.idx.msk [tilespmem:v29+s19+$0x0], $0xffff  }
0x504: {  	v35 =	vor.u32 v2, v11;
	v16 =	vld.idx.msk [tilespmem:v30+s19+$0x0], $0xffff;
	[tilespmem:s31+$0x18400] =	vst v23  }
0x505: {  	v36 =	vor.u32 v2, v12;
	[tilespmem:s0+$0x18410] =	vst v14;
	v21 =	vld.idx.msk [tilespmem:v31+s19+$0x0], $0xffff  }
0x506: {  	v37 =	vor.u32 v2, v13;
	[tilespmem:s1+$0x18410] =	vst v18;
	v20 =	vld.idx.msk [tilespmem:v32+s19+$0x0], $0xffff  }
0x507: {  	v38 =	vor.u32 v3, v8;
	[tilespmem:s9+$0x18410] =	vst v22;
	v15 =	vld.idx.msk [tilespmem:v33+s19+$0x0], $0xffff  }
0x508: {  	v39 =	vor.u32 v3, v9;
	v19 =	vld.idx.msk [tilespmem:v34+s19+$0x0], $0xffff;
	[tilespmem:s13+$0x18410] =	vst v17  }
0x509: {  	v40 =	vor.u32 v3, v10;
	[tilespmem:s20+$0x18410] =	vst v16;
	v23 =	vld.idx.msk [tilespmem:v35+s19+$0x0], $0xffff  }
0x50a: {  	v41 =	vor.u32 v3, v11;
	v14 =	vld.idx.msk [tilespmem:v36+s19+$0x0], $0xffff;
	[tilespmem:s31+$0x18410] =	vst v21  }
0x50b: {  	v42 =	vor.u32 v3, v12;
	[tilespmem:s0+$0x18420] =	vst v20;
	v18 =	vld.idx.msk [tilespmem:v37+s19+$0x0], $0xffff  }
0x50c: {  	v43 =	vor.u32 v3, v13;
	[tilespmem:s1+$0x18420] =	vst v15;
	v22 =	vld.idx.msk [tilespmem:v38+s19+$0x0], $0xffff  }
0x50d: {  	v44 =	vor.u32 v4, v8;
	[tilespmem:s9+$0x18420] =	vst v19;
	v17 =	vld.idx.msk [tilespmem:v39+s19+$0x0], $0xffff  }
0x50e: {  	v45 =	vor.u32 v4, v9;
	v16 =	vld.idx.msk [tilespmem:v40+s19+$0x0], $0xffff;
	[tilespmem:s13+$0x18420] =	vst v23  }
0x50f: {  	v46 =	vor.u32 v4, v10;
	[tilespmem:s20+$0x18420] =	vst v14;
	v21 =	vld.idx.msk [tilespmem:v41+s19+$0x0], $0xffff  }
0x510: {  	v47 =	vor.u32 v4, v11;
	v20 =	vld.idx.msk [tilespmem:v42+s19+$0x0], $0xffff;
	[tilespmem:s31+$0x18420] =	vst v18  }
0x511: {  	v48 =	vor.u32 v4, v12;
	[tilespmem:s0+$0x18430] =	vst v22;
	v15 =	vld.idx.msk [tilespmem:v43+s19+$0x0], $0xffff  }
0x512: {  	v49 =	vor.u32 v4, v13;
	[tilespmem:s1+$0x18430] =	vst v17;
	v19 =	vld.idx.msk [tilespmem:v44+s19+$0x0], $0xffff  }
0x513: {  	v50 =	vor.u32 v5, v8;
	[tilespmem:s9+$0x18430] =	vst v16;
	v23 =	vld.idx.msk [tilespmem:v45+s19+$0x0], $0xffff  }
0x514: {  	v51 =	vor.u32 v5, v9;
	v14 =	vld.idx.msk [tilespmem:v46+s19+$0x0], $0xffff;
	[tilespmem:s13+$0x18430] =	vst v21  }
0x515: {  	v52 =	vor.u32 v5, v10;
	[tilespmem:s20+$0x18430] =	vst v20;
	v18 =	vld.idx.msk [tilespmem:v47+s19+$0x0], $0xffff  }
0x516: {  	v53 =	vor.u32 v5, v11;
	v22 =	vld.idx.msk [tilespmem:v48+s19+$0x0], $0xffff;
	[tilespmem:s31+$0x18430] =	vst v15  }
0x517: {  	v54 =	vor.u32 v5, v12;
	[tilespmem:s0+$0x18440] =	vst v19;
	v17 =	vld.idx.msk [tilespmem:v49+s19+$0x0], $0xffff  }
0x518: {  	v55 =	vor.u32 v5, v13;
	[tilespmem:s1+$0x18440] =	vst v23;
	v16 =	vld.idx.msk [tilespmem:v50+s19+$0x0], $0xffff  }
0x519: {  	v56 =	vor.u32 v6, v8;
	[tilespmem:s9+$0x18440] =	vst v14;
	v21 =	vld.idx.msk [tilespmem:v51+s19+$0x0], $0xffff  }
0x51a: {  	v57 =	vor.u32 v6, v9;
	v20 =	vld.idx.msk [tilespmem:v52+s19+$0x0], $0xffff;
	[tilespmem:s13+$0x18440] =	vst v18  }
0x51b: {  	v58 =	vor.u32 v6, v10;
	[tilespmem:s20+$0x18440] =	vst v22;
	v15 =	vld.idx.msk [tilespmem:v53+s19+$0x0], $0xffff  }
0x51c: {  	v59 =	vor.u32 v6, v11;
	v19 =	vld.idx.msk [tilespmem:v54+s19+$0x0], $0xffff;
	[tilespmem:s31+$0x18440] =	vst v17  }
0x51d: {  	v60 =	vor.u32 v6, v12;
	[tilespmem:s0+$0x18450] =	vst v16;
	v23 =	vld.idx.msk [tilespmem:v55+s19+$0x0], $0xffff  }
0x51e: {  	v61 =	vor.u32 v6, v13;
	[tilespmem:s1+$0x18450] =	vst v21;
	v14 =	vld.idx.msk [tilespmem:v56+s19+$0x0], $0xffff  }
0x51f: {  	v8 =	vor.u32 v7, v8;
	[tilespmem:s9+$0x18450] =	vst v20;
	v18 =	vld.idx.msk [tilespmem:v57+s19+$0x0], $0xffff  }
0x520: {  	v9 =	vor.u32 v7, v9;
	v62 =	vld.idx.msk [tilespmem:v58+s19+$0x0], $0xffff;
	[tilespmem:s13+$0x18450] =	vst v15  }
0x521: {  	v10 =	vor.u32 v7, v10;
	[tilespmem:s20+$0x18450] =	vst v19;
	v17 =	vld.idx.msk [tilespmem:v59+s19+$0x0], $0xffff  }
0x522: {  	v11 =	vor.u32 v7, v11;
	v16 =	vld.idx.msk [tilespmem:v60+s19+$0x0], $0xffff;
	[tilespmem:s31+$0x18450] =	vst v23  }
0x523: {  	v12 =	vor.u32 v7, v12;
	[tilespmem:s0+$0x18460] =	vst v14;
	v63 =	vld.idx.msk [tilespmem:v61+s19+$0x0], $0xffff  }
0x524: {  	v13 =	vor.u32 v7, v13;
	[tilespmem:s1+$0x18460] =	vst v18;
	v8 =	vld.idx.msk [tilespmem:v8+s19+$0x0], $0xffff  }
0x525: {  	[tilespmem:s9+$0x18460] =	vst v62;
	v9 =	vld.idx.msk [tilespmem:v9+s19+$0x0], $0xffff  }
0x526: {  	v10 =	vld.idx.msk [tilespmem:v10+s19+$0x0], $0xffff;
	[tilespmem:s13+$0x18460] =	vst v17  }
0x527: {  	[tilespmem:s20+$0x18460] =	vst v16;
	v11 =	vld.idx.msk [tilespmem:v11+s19+$0x0], $0xffff  }
0x528: {  	v12 =	vld.idx.msk [tilespmem:v12+s19+$0x0], $0xffff;
	[tilespmem:s31+$0x18460] =	vst v63  }
0x529: {  	p1 =	por p0, p0;
	[tilespmem:s0+$0x18470] =	vst v8;
	v8 =	vld.idx.msk [tilespmem:v13+s19+$0x0], $0xffff  }
.Ltmp3:
0x52a: {  	[tilespmem:s1+$0x18470] =	vst v9;
	(pc) =	sbr.rel @p1 .LBB2_9-.Ltmp3, $4  }
0x52b: {  	[tilespmem:s9+$0x18470] =	vst v10  }
0x52c: {  	[tilespmem:s13+$0x18470] =	vst v11  }
0x52d: {  	[tilespmem:s20+$0x18470] =	vst v12  }
0x52e: {  	p0 =	por $0x0, $0x0;
	s0 =	simm.s32 $0x20;
	[tilespmem:s31+$0x18470] =	vst v8  }
0x52f: {  	s29 =	sadd.s32 $0x1, s29  }
0x530: {  	p0 =	sne.s32 s29, $0x32  }
.Ltmp4:
0x531: {  	s0 =	sshll.u32 s30, $0x12;
	(pc) =	sbr.rel @p0 .LBB2_2-.Ltmp4, $4  }
0x532: {  	s0 =	sor.u32 s4, s0  }
0x533: {  	s0 =	sshrl.u32 s0, $0x3  }
0x534: {  	s20 =	smov.u32 s18;
	s1 =	simm.s32 $0x18400;
	s0 =	sadd.s32 s18, s0  }
0x535: {  	[hbm4b:s0+s10] =	stream.strided.scatter [tilespmem:s1], [sflag:$0x6], $0x2000, s11, s10, $0x38;
	[tilespmem:$0x1A400] =	vst v63  }
0x536: {  	_ =	swait.ge [sflag:s24], $0x2000  }
0x537: {  	[sflag:s24] =	ssyncset.done $0x0  }
0x538: {  	[sflag:s24] =	ssyncadd.s32 $0xFFFFE000  }
0x539: {  	_ =	swait.ge [sflag:s26], $0x2000  }
0x53a: {  	s1 =	rddreg [dreg:$0x8]  }
0x53b: {  	s0 =	rddreg [dreg:$0x7];
	s1 =	sadd.s32 $0x1, s1  }
0x53c: {  	p0 =	sne.s32 s1, s0  }
.Ltmp5:
0x53d: {  	_ = 	snop;
	(pc) =	sbr.rel @p0 .LBB2_1-.Ltmp5, $3  }
0x53e: {  	_ =	sdelay $0x1  }
0x53f: {  	[sflag:s26] =	ssyncset.done $0x0  }
0x540: {  	[sflag:s26] =	ssyncadd.s32 $0xFFFFE000  }
0x541: {  	_ =	sfence.sel $0x180000  }
0x542: {  	[bflag:$0x0] =	sbarrier.arrive $0xFFFF  }
0x543: {  	_ =	strace $0x90000047  }
0x544: {  	s0 =	stileid.u32;
	[bflag:$0x2] =	sbarrier.arrive $0xFFFF  }
0x545: {  	p0 =	sne.s32 s0, $0x0;
	s0 =	rddreg [dreg:$0x3]  }
0x546: {  	s0 =	sadd.s32 @!p0 $0x100000, s0  }
0x547: {  	[sflag:s0] =	ssyncadd.tile.s32 @!p0 $0x1;
	_ =	shalt  }
.Lfunc_end2:
_tile_overlayer_lowered:
.L_overlay_start_2:
0x548: {  	(tag) =	ssettag $0x2  }
0x549: {  	s0 =	rddreg [dreg:$0x0];
	s2 =	stileid.u32  }
0x54a: {  	s1 =	rddreg [dreg:$0x1];
	p0 =	sne.s32 s2, $0x0  }
0x54b: {  	s3 =	rddreg [dreg:$0x2];
	[bflag:$0x3] =	sbarrier.arrive $0xFFFF;
	s2 =	simm.s32 @!p0 $0x1C07  }
0x54c: {  	[timem:s3], [sflag:s2] =	dma.local @!p0 [hbm:s0], s1  }
0x54d: {  	s0 =	simm.s32 @!p0 $0x7  }
0x54e: {  	_ =	swait.ge @!p0 [sflag:s0], s1  }
0x54f: {  	s1 =	ssub.s32 @!p0 $0x0, s1;
	[sflag:s0] =	ssyncset.done @!p0 $0x0  }
0x550: {  	[sflag:s0] =	ssyncadd.s32 @!p0 s1  }
0x551: {  	[bflag:$0x3] =	sbarrier.arrive $0xFFFF  }
0x552: {  	_ =	shalt  }

</sc_bundles>
